<compile_context>
chip_gen: v7x
topology: tpu7x:2x2x1
jax: 0.10.2.dev20260603
libtpu: 0.0.44.dev20260713+nightly
codegen_flags: <defaults>
</compile_context>

<pallas_src>
import functools

import jax
import jax.numpy as jnp
from jax import lax
from jax.experimental import pallas as pl
from jax.experimental.pallas import tpu as pltpu
from jax.experimental.pallas import tpu_sc as plsc


N = 10000
E = 320000
H = 128
NOISE = 16
B = 16

NC = 2
NS = 16
NW = NC * NS
CH = 80
NCH = E // CH
E2 = 327680
BE = 8192
NEB = E2 // BE
NR = 1000
NPAD = 10240


def _pp_body(et_W, P_W, b1in, time_emb, t_W, t_b, batch_pf, W1, b1, te, starts):
    W1[...] = jnp.dot(et_W[...], P_W[...], preferred_element_type=jnp.float32)
    b1[...] = jnp.dot(b1in[...], P_W[...], preferred_element_type=jnp.float32)
    te[...] = (
        jnp.dot(jax.nn.relu(time_emb[...]), t_W[...],
                preferred_element_type=jnp.float32) + t_b[...])
    iota = lax.broadcasted_iota(jnp.int32, (NPAD, H), 1).astype(jnp.float32)
    ohlt = (batch_pf[...] < iota).astype(jnp.float32)
    starts[...] = jnp.dot(jnp.ones((1, NPAD), jnp.float32), ohlt,
                          preferred_element_type=jnp.float32)


def _bseg_of(src_blk, starts_ref):
    sf = src_blk.astype(jnp.float32)
    acc = jnp.zeros(src_blk.shape, jnp.int32)
    for b in range(1, B):
        acc += (sf >= starts_ref[0, b]).astype(jnp.int32)
    return acc


def _node_body(x, qW, rW, uW, vW, qb, rb, ub, vb, qh, rh, uh, vh):
    xx = x[...]
    qh[...] = jnp.dot(xx, qW[...], preferred_element_type=jnp.float32) + qb[...]
    rh[...] = jnp.dot(xx, rW[...], preferred_element_type=jnp.float32) + rb[...]
    uh[...] = jnp.dot(xx, uW[...], preferred_element_type=jnp.float32) + ub[...]
    vh[...] = jnp.dot(xx, vW[...], preferred_element_type=jnp.float32) + vb[...]


_DNT = (((0,), (0,)), ((), ()))


def _a_body(nmeT, W1, b1, a):
    a[...] = (lax.dot_general(nmeT[...], W1[...], _DNT,
                              preferred_element_type=jnp.float32) + b1[...])


def _sc_body(a_hbm, qh_hbm, rh_hbm, vh_hbm, src_hbm, dst_hbm,
             zeros_hbm,
             ehat_hbm, aggr_hbm,
             srcb, dstb, abuf, vbuf,
             aggr_sp, sem_i, sem_g0, sem_g1):
    sem_gs = (sem_g0, sem_g1)
    c = lax.axis_index("c")
    s = lax.axis_index("s")
    wid = s * NC + c

    @pl.when(s == 0)
    def _():
        pltpu.sync_copy(zeros_hbm, aggr_sp)

    plsc.subcore_barrier()

    def base_of(g):
        return (wid + NW * g) * CH

    def cond(g):
        return wid + NW * g < NCH

    def fire_ia(g, b):
        base = base_of(g)
        pltpu.async_copy(src_hbm.at[pl.ds(base, CH)], srcb.at[b], sem_i)
        pltpu.async_copy(dst_hbm.at[pl.ds(base, CH)], dstb.at[b], sem_i)
        pltpu.async_copy(a_hbm.at[pl.ds(base, CH)], abuf.at[b], sem_i)

    def wait_ia(b):
        pltpu.make_async_copy(src_hbm.at[pl.ds(0, CH)], srcb.at[b],
                              sem_i).wait()
        pltpu.make_async_copy(dst_hbm.at[pl.ds(0, CH)], dstb.at[b],
                              sem_i).wait()
        pltpu.make_async_copy(a_hbm.at[pl.ds(0, CH)], abuf.at[b],
                              sem_i).wait()

    def fire_gathers(b):
        pltpu.async_copy(qh_hbm.at[srcb.at[b]], abuf.at[b], sem_gs[b],
                         add=True)
        pltpu.async_copy(rh_hbm.at[dstb.at[b]], abuf.at[b], sem_gs[b],
                         add=True)
        pltpu.async_copy(vh_hbm.at[dstb.at[b]], vbuf.at[b], sem_gs[b])

    def wait_gathers(b):
        for _ in range(3):
            pltpu.make_async_copy(qh_hbm.at[pl.ds(0, CH)], vbuf.at[b],
                                  sem_gs[b]).wait()

    fire_ia(0, 0)
    wait_ia(0)
    fire_gathers(0)
    fire_ia(1, 1)

    def pair_body(i, _):
        for b in range(2):
            g = 2 * i + b

            @pl.when(cond(g + 1))
            def _():
                wait_ia(1 - b)
                fire_gathers(1 - b)

            @pl.when(cond(g))
            def _():
                wait_gathers(b)

                def edge_body(e, _):
                    for j in range(H // 16):
                        sl = pl.ds(16 * j, 16)
                        vbuf[b, e, sl] = vbuf[b, e, sl] / (
                            1.0 + jnp.exp(-abuf[b, e, sl]))
                    return 0

                lax.fori_loop(0, CH, edge_body, 0)
                base = base_of(g)
                pltpu.sync_copy(abuf.at[b], ehat_hbm.at[pl.ds(base, CH)])
                pltpu.sync_copy(vbuf.at[b], aggr_sp.at[srcb.at[b]], add=True)

            @pl.when(cond(g + 2))
            def _():
                fire_ia(g + 2, b)
        return 0

    lax.fori_loop(0, (NCH // NW + 2) // 2, pair_body, 0)

    plsc.subcore_barrier()

    @pl.when(s == 0)
    def _():
        pltpu.sync_copy(aggr_sp, aggr_hbm.at[c])


def _stats_body(ehat, src, starts, ssum, ssq, cnt):
    i = pl.program_id(0)

    @pl.when(i == 0)
    def _():
        ssum[...] = jnp.zeros((B, H), jnp.float32)
        ssq[...] = jnp.zeros((B, H), jnp.float32)
        cnt[...] = jnp.zeros((B, H), jnp.float32)

    sv = src[...]
    sv2 = sv[:, None]
    eb = jnp.where(sv2 >= 0, ehat[...], 0.0)
    seg = _bseg_of(sv, starts)
    iota = lax.broadcasted_iota(jnp.int32, (BE, B), 1)
    oh = ((seg[:, None] == iota) & (sv2 >= 0)).astype(jnp.float32)
    dn = (((0,), (0,)), ((), ()))
    ssum[...] += lax.dot_general(oh, eb, dn, preferred_element_type=jnp.float32)
    ssq[...] += lax.dot_general(oh, eb * eb, dn,
                                preferred_element_type=jnp.float32)
    cnt[...] += jnp.broadcast_to(jnp.sum(oh, axis=0)[:, None], (B, H))


def _h_body(feat, uh, p0, p1, batch, gw, gb, gms, hout):
    x = uh[...] + p0[...] + p1[...]
    seg = batch[...][:N]
    iota = lax.broadcasted_iota(jnp.int32, (N, B), 1)
    oh = (seg[:, None] == iota).astype(jnp.float32)
    dn = (((0,), (0,)), ((), ()))
    cntc = jnp.maximum(jnp.sum(oh, axis=0), 1.0)[:, None]
    mean = lax.dot_general(oh, x, dn, preferred_element_type=jnp.float32) / cntc
    out = x - jnp.dot(oh, mean, preferred_element_type=jnp.float32) * gms[...]
    var = lax.dot_general(oh, out * out, dn,
                          preferred_element_type=jnp.float32) / cntc
    rstd = 1.0 / jnp.sqrt(var + 1e-5)
    gn = out * jnp.dot(oh, rstd, preferred_element_type=jnp.float32) * gw[...] \
        + gb[...]
    hout[...] = feat[...] + jax.nn.relu(gn)


def _f_body(ehat, src, starts, nmeT, ssum, ssq, cnt, te, gw, gb, gms, lnw, lnb,
            oW, ob, etW, etb, eout):
    cntc = jnp.maximum(cnt[...], 1.0)
    m = ssum[...] / cntc
    ms = gms[...]
    var = ssq[...] / cntc - 2.0 * ms * m * m + ms * ms * m * m
    rstd = 1.0 / jnp.sqrt(var + 1e-5)
    ascale = rstd * gw[...]
    coff = gb[...] - m * ms * ascale

    seg = _bseg_of(src[...], starts)
    iota = lax.broadcasted_iota(jnp.int32, (BE, B), 1)
    oh = (seg[:, None] == iota).astype(jnp.float32)
    x = ehat[...] * jnp.dot(oh, ascale, preferred_element_type=jnp.float32) \
        + jnp.dot(oh, coff, preferred_element_type=jnp.float32)
    x = jax.nn.relu(x)
    x = x + jnp.dot(oh, te[...], preferred_element_type=jnp.float32)

    mu = jnp.mean(x, axis=-1, keepdims=True)
    vv = jnp.mean((x - mu) ** 2, axis=-1, keepdims=True)
    ln = (x - mu) / jnp.sqrt(vv + 1e-5) * lnw[...] + lnb[...]
    sl = ln * jax.nn.sigmoid(ln)
    y = jnp.dot(sl.astype(jnp.bfloat16), oW[...].astype(jnp.bfloat16),
                preferred_element_type=jnp.float32) + ob[...]
    noise = lax.dot_general(nmeT[...], etW[...], _DNT,
                            preferred_element_type=jnp.float32) + etb[...]
    eout[...] = noise + y


def _sc_stage(a, qh, rh, vh, src, dst):
    f32 = jnp.float32
    mesh = plsc.VectorSubcoreMesh(core_axis_name="c", subcore_axis_name="s",
                                  num_cores=NC, num_subcores=NS)
    sc = functools.partial(
        pl.kernel, mesh=mesh,
        out_type=[jax.ShapeDtypeStruct((E2, H), f32),
                  jax.ShapeDtypeStruct((NC, N, H), f32)],
        scratch_types=[
            pltpu.VMEM((2, CH), jnp.int32),
            pltpu.VMEM((2, CH), jnp.int32),
            pltpu.VMEM((2, CH, H), f32),
            pltpu.VMEM((2, CH, H), f32),
            pltpu.VMEM_SHARED((N, H), f32),
            pltpu.SemaphoreType.DMA,
            pltpu.SemaphoreType.DMA,
            pltpu.SemaphoreType.DMA,
        ],
    )(_sc_body)
    zeros = jnp.zeros((N, H), f32)
    return sc(a, qh, rh, vh, src, dst, zeros)


def _full(shape):
    return pl.BlockSpec(shape, lambda *_: tuple(0 for _ in shape))


def kernel(features, edge_mapping_idx, noise_mapping_emb, time_emb, batch,
           params):
    p = params
    f32 = jnp.float32
    src = edge_mapping_idx[0]
    dst = edge_mapping_idx[1]
    r1 = lambda a: a.reshape(1, -1)

    batch_pf = jnp.pad(batch, (0, NPAD - N),
                       constant_values=B + 1).astype(f32).reshape(NPAD, 1)
    W1, b1, te, starts = pl.pallas_call(
        _pp_body,
        grid=(1,),
        in_specs=[_full((NOISE, H)), _full((H, H)), _full((1, H)),
                  _full((B, H)), _full((H, H)), _full((1, H)),
                  _full((NPAD, 1))],
        out_specs=[_full((NOISE, H)), _full((1, H)), _full((B, H)),
                   _full((1, H))],
        out_shape=[jax.ShapeDtypeStruct((NOISE, H), f32),
                   jax.ShapeDtypeStruct((1, H), f32),
                   jax.ShapeDtypeStruct((B, H), f32),
                   jax.ShapeDtypeStruct((1, H), f32)],
    )(p['et_W'], p['P_W'], r1(p['et_b']), time_emb, p['t_W'], r1(p['t_b']),
      batch_pf)
    b1 = b1 + r1(p['P_b'])

    row = pl.BlockSpec((NR, H), lambda i: (i, 0))
    qh, rh, uh, vh = pl.pallas_call(
        _node_body,
        grid=(N // NR,),
        in_specs=[row] + [_full((H, H))] * 4 + [_full((1, H))] * 4,
        out_specs=[row] * 4,
        out_shape=[jax.ShapeDtypeStruct((N, H), f32)] * 4,
    )(features, p['Q_W'], p['R_W'], p['U_W'], p['V_W'],
      r1(p['Q_b']), r1(p['R_b']), r1(p['U_b']), r1(p['V_b']))

    src_p = jnp.pad(src, (0, E2 - E), constant_values=-1)
    nmeT = noise_mapping_emb.T
    ncol = pl.BlockSpec((NOISE, BE), lambda i: (0, i))
    a = pl.pallas_call(
        _a_body,
        grid=(NEB,),
        in_specs=[ncol, _full((NOISE, H)), _full((1, H))],
        out_specs=pl.BlockSpec((BE, H), lambda i: (i, 0)),
        out_shape=jax.ShapeDtypeStruct((E2, H), f32),
    )(nmeT, W1, b1)

    ehat, aggr2 = _sc_stage(a, qh, rh, vh, src, dst)

    erow = pl.BlockSpec((BE, H), lambda i: (i, 0))
    irow = pl.BlockSpec((BE,), lambda i: (i,))
    acc = pl.BlockSpec((B, H), lambda i: (0, 0))
    ssum, ssq, cnt = pl.pallas_call(
        _stats_body,
        grid=(NEB,),
        in_specs=[erow, irow, _full((1, H))],
        out_specs=[acc] * 3,
        out_shape=[jax.ShapeDtypeStruct((B, H), f32)] * 3,
    )(ehat, src_p, starts)

    batch_p = jnp.pad(batch, (0, NPAD - N), constant_values=B + 1)
    hout = pl.pallas_call(
        _h_body,
        grid=(1,),
        in_specs=[_full((N, H))] * 4 + [_full((NPAD,))] + [_full((1, H))] * 3,
        out_specs=_full((N, H)),
        out_shape=jax.ShapeDtypeStruct((N, H), f32),
    )(features, uh, aggr2[0], aggr2[1], batch_p,
      r1(p['gn_h_w']), r1(p['gn_h_b']), r1(p['gn_h_ms']))

    eout = pl.pallas_call(
        _f_body,
        grid=(NEB,),
        in_specs=[erow, irow, _full((1, H)), ncol,
                  _full((B, H)), _full((B, H)), _full((B, H)), _full((B, H)),
                  _full((1, H)), _full((1, H)), _full((1, H)),
                  _full((1, H)), _full((1, H)),
                  _full((H, H)), _full((1, H)),
                  _full((NOISE, H)), _full((1, H))],
        out_specs=erow,
        out_shape=jax.ShapeDtypeStruct((E, H), f32),
    )(ehat, src_p, starts, nmeT, ssum, ssq, cnt, te,
      r1(p['gn_e_w']), r1(p['gn_e_b']), r1(p['gn_e_ms']),
      r1(p['ln_w']), r1(p['ln_b']), p['o_W'], r1(p['o_b']),
      p['et_W'], r1(p['et_b']))

    return (hout, eout)

# --- scband reference (transcript-rebuilt; emitter-appended) ---
"""Pipeline reference for scband-agnn-6468220748546 (READ-ONLY COPY).

The authoritative reference and input builder live on the scoring server;
editing this copy changes nothing except your own understanding.
"""

import jax, jax.numpy as jnp
import numpy as np

N = 10000
E = 320000
H = 128
NOISE = 16
TED = 128
B = 16

def _lin_init(key, fan_in, fan_out):
    k1, k2 = jax.random.split(key)
    bound = 1.0 / np.sqrt(fan_in)
    W = jax.random.uniform(k1, (fan_in, fan_out), jnp.float32, -bound, bound)
    b = jax.random.uniform(k2, (fan_out,), jnp.float32, -bound, bound)
    return W, b

def setup_inputs(seed: int = 0):
    key = jax.random.key(seed)
    ks = jax.random.split(key, 16)
    features = jax.random.normal(ks[0], (N, H), jnp.float32)
    edge_mapping_idx = jax.random.randint(ks[1], (2, E), 0, N)
    noise_mapping_emb = jax.random.normal(ks[2], (E, NOISE), jnp.float32)
    time_emb = jax.random.normal(ks[3], (B, TED), jnp.float32)
    batch = jnp.sort(jax.random.randint(ks[4], (N,), 0, B))
    params = {}
    params['et_W'], params['et_b'] = _lin_init(ks[5], NOISE, H)
    params['P_W'], params['P_b'] = _lin_init(ks[6], H, H)
    params['Q_W'], params['Q_b'] = _lin_init(ks[7], H, H)
    params['R_W'], params['R_b'] = _lin_init(ks[8], H, H)
    params['U_W'], params['U_b'] = _lin_init(ks[9], H, H)
    params['V_W'], params['V_b'] = _lin_init(ks[10], H, H)
    params['gn_h_w'] = jnp.ones((H,), jnp.float32)
    params['gn_h_b'] = jnp.zeros((H,), jnp.float32)
    params['gn_h_ms'] = jnp.ones((H,), jnp.float32)
    params['gn_e_w'] = jnp.ones((H,), jnp.float32)
    params['gn_e_b'] = jnp.zeros((H,), jnp.float32)
    params['gn_e_ms'] = jnp.ones((H,), jnp.float32)
    params['t_W'], params['t_b'] = _lin_init(ks[11], TED, H)
    params['ln_w'] = jnp.ones((H,), jnp.float32)
    params['ln_b'] = jnp.zeros((H,), jnp.float32)
    params['o_W'], params['o_b'] = _lin_init(ks[12], H, H)
    return {"features": features, "edge_mapping_idx": edge_mapping_idx, "noise_mapping_emb": noise_mapping_emb, "time_emb": time_emb, "batch": batch, "params": params}

def _graph_norm(x, idx, w, b, ms, nseg):
    cnt = jnp.maximum(jax.ops.segment_sum(jnp.ones((x.shape[0],), x.dtype), idx, nseg), 1.0)
    mean = jax.ops.segment_sum(x, idx, nseg) / cnt[:, None]
    out = x - mean[idx] * ms
    var = jax.ops.segment_sum(out * out, idx, nseg) / cnt[:, None]
    return out / jnp.sqrt(var + 1e-5)[idx] * w + b

def _layer_norm(x, w, b):
    m = jnp.mean(x, -1, keepdims=True)
    v = jnp.mean((x - m) ** 2, -1, keepdims=True)
    return (x - m) / jnp.sqrt(v + 1e-5) * w + b

def _forward(features, noise_mapping_emb, time_emb, params, edge_mapping_idx, batch):
    p = params
    src = edge_mapping_idx[0]
    dst = edge_mapping_idx[1]
    noise_emb = noise_mapping_emb @ p['et_W'] + p['et_b']
    Qh = features @ p['Q_W'] + p['Q_b']
    Rh = features @ p['R_W'] + p['R_b']
    e_hat = (noise_emb @ p['P_W'] + p['P_b']) + Qh[src] + Rh[dst]
    gates = jax.nn.sigmoid(e_hat)
    Uh = features @ p['U_W'] + p['U_b']
    Vh = features @ p['V_W'] + p['V_b']
    aggr = jax.ops.segment_sum(Vh[dst] * gates, src, features.shape[0])
    h = Uh + aggr
    h = _graph_norm(h, batch, p['gn_h_w'], p['gn_h_b'], p['gn_h_ms'], B)
    e = _graph_norm(e_hat, batch[src], p['gn_e_w'], p['gn_e_b'], p['gn_e_ms'], B)
    h = jax.nn.relu(h)
    e = jax.nn.relu(e)
    te = jax.nn.relu(time_emb) @ p['t_W'] + p['t_b']
    e = e + te[batch[src]]
    h = features + h
    ln = _layer_norm(e, p['ln_w'], p['ln_b'])
    e = noise_emb + (jax.nn.silu(ln) @ p['o_W'] + p['o_b'])
    return (h, e)

def reference(features, edge_mapping_idx, noise_mapping_emb, time_emb, batch, params):
    return _forward(features, noise_mapping_emb, time_emb, params, edge_mapping_idx, batch)

if __name__ == "__main__":
    import jax
    _d = setup_inputs()
    print(jax.jit(kernel)(*tuple(_d.values())))

</pallas_src>

<mosaic_0001>
#map = affine_map<(d0, d1) -> (0, 0)>
#map1 = affine_map<(d0, d1) -> (0)>
#map2 = affine_map<(d0, d1) -> (0, 0, 0)>
module attributes {stable_mosaic.version = 14 : i64} {
  func.func @_sc_body(%arg0: i32, %arg1: i32, %arg2: memref<327680x128xf32, #tpu.memory_space<hbm>>, %arg3: memref<10000x128xf32, #tpu.memory_space<hbm>>, %arg4: memref<10000x128xf32, #tpu.memory_space<hbm>>, %arg5: memref<10000x128xf32, #tpu.memory_space<hbm>>, %arg6: memref<320000xi32, #tpu.memory_space<hbm>>, %arg7: memref<320000xi32, #tpu.memory_space<hbm>>, %arg8: memref<10000x128xf32, #tpu.memory_space<hbm>>, %arg9: memref<327680x128xf32, #tpu.memory_space<hbm>>, %arg10: memref<2x10000x128xf32, #tpu.memory_space<hbm>>, %arg11: memref<2x80xi32, #tpu.memory_space<vmem>>, %arg12: memref<2x80xi32, #tpu.memory_space<vmem>>, %arg13: memref<2x80x128xf32, #tpu.memory_space<vmem>>, %arg14: memref<2x80x128xf32, #tpu.memory_space<vmem>>, %arg15: memref<10000x128xf32, #tpu.memory_space<vmem_shared>>, %arg16: memref<!tpu.dma_semaphore, #tpu.memory_space<semaphore_mem>>, %arg17: memref<!tpu.dma_semaphore, #tpu.memory_space<semaphore_mem>>, %arg18: memref<!tpu.dma_semaphore, #tpu.memory_space<semaphore_mem>>) attributes {dimension_semantics = [#tpu.dimension_semantics<core_parallel>, #tpu.dimension_semantics<subcore_parallel>], iteration_bounds = array<i64: 2, 16>, scalar_prefetch = 0 : i64, scratch_operands = 8 : i64, tpu.core_type = #tpu.core_type<sc_vector_subcore>, window_params = [{transform_indices = #map}, {transform_indices = #map}, {transform_indices = #map}, {transform_indices = #map}, {transform_indices = #map1}, {transform_indices = #map1}, {transform_indices = #map}, {transform_indices = #map}, {transform_indices = #map2}]} {
    %mul3A = arith.constant 2 : i32
    %mul3A_0 = arith.muli %arg1, %mul3A : i32
    %add3A = arith.addi %mul3A_0, %arg0 : i32
    %eq3A = arith.constant 0 : i32
    %eq3A_1 = arith.cmpi eq, %arg1, %eq3A : i32
    %convert_element_type3A = arith.extui %eq3A_1 : i1 to i32
    %cond3A = arith.constant 0 : i32
    %cond3A_2 = arith.cmpi ne, %convert_element_type3A, %cond3A : i32
    scf.if %cond3A_2 {
      "tpu.region"() ({
        %run_scoped3A = tpu.sem_alloc : memref<!tpu.dma_semaphore, #tpu.memory_space<semaphore_mem>>
        tpu.enqueue_dma source(%arg8 : memref<10000x128xf32, #tpu.memory_space<hbm>>) target(%arg15 : memref<10000x128xf32, #tpu.memory_space<vmem_shared>>) target_semaphore(%run_scoped3A : memref<!tpu.dma_semaphore, #tpu.memory_space<semaphore_mem>>)
        tpu.wait_dma2 semaphore(%run_scoped3A : memref<!tpu.dma_semaphore, #tpu.memory_space<semaphore_mem>>) src(%arg8 : memref<10000x128xf32, #tpu.memory_space<hbm>>) dst(%arg15 : memref<10000x128xf32, #tpu.memory_space<vmem_shared>>)
        tpu.yield
      }) : () -> ()
    } else {
    }
    %barrier3A = arith.constant 0 : index
    tpu.barrier barrier_id(%barrier3A)
    %add3A_3 = arith.constant 0 : i32
    %add3A_4 = arith.addi %add3A, %add3A_3 : i32
    %mul3A_5 = arith.constant 80 : i32
    %mul3A_6 = arith.muli %add3A_4, %mul3A_5 : i32
    %dma_start3A = arith.constant 0 : i32
    %dma_start3A_7 = arith.constant 0 : i32
    %dma_start3A_8 = tpu.memref_slice %arg11[%dma_start3A, %dma_start3A_7] : memref<2x80xi32, #tpu.memory_space<vmem>> -> memref<1x80xi32, #tpu.memory_space<vmem>>
    %dma_start3A_9 = tpu.memref_squeeze %dma_start3A_8 : memref<1x80xi32, #tpu.memory_space<vmem>> -> memref<80xi32, #tpu.memory_space<vmem>>
    %dma_start3A_10 = tpu.memref_slice %arg6[%mul3A_6] : memref<320000xi32, #tpu.memory_space<hbm>> -> memref<80xi32, #tpu.memory_space<hbm>>
    %dma_start3A_11 = arith.constant 0 : i32
    %dma_start3A_12 = tpu.memref_slice %arg11[%dma_start3A, %dma_start3A_11] : memref<2x80xi32, #tpu.memory_space<vmem>> -> memref<1x80xi32, #tpu.memory_space<vmem>>
    %dma_start3A_13 = tpu.memref_squeeze %dma_start3A_12 : memref<1x80xi32, #tpu.memory_space<vmem>> -> memref<80xi32, #tpu.memory_space<vmem>>
    %dma_start3A_14 = tpu.memref_slice %arg6[%mul3A_6] : memref<320000xi32, #tpu.memory_space<hbm>> -> memref<80xi32, #tpu.memory_space<hbm>>
    tpu.enqueue_dma source(%dma_start3A_14 : memref<80xi32, #tpu.memory_space<hbm>>) target(%dma_start3A_13 : memref<80xi32, #tpu.memory_space<vmem>>) target_semaphore(%arg16 : memref<!tpu.dma_semaphore, #tpu.memory_space<semaphore_mem>>)
    %dma_start3A_15 = arith.constant 0 : i32
    %dma_start3A_16 = arith.constant 0 : i32
    %dma_start3A_17 = tpu.memref_slice %arg12[%dma_start3A_15, %dma_start3A_16] : memref<2x80xi32, #tpu.memory_space<vmem>> -> memref<1x80xi32, #tpu.memory_space<vmem>>
    %dma_start3A_18 = tpu.memref_squeeze %dma_start3A_17 : memref<1x80xi32, #tpu.memory_space<vmem>> -> memref<80xi32, #tpu.memory_space<vmem>>
    %dma_start3A_19 = tpu.memref_slice %arg7[%mul3A_6] : memref<320000xi32, #tpu.memory_space<hbm>> -> memref<80xi32, #tpu.memory_space<hbm>>
    %dma_start3A_20 = arith.constant 0 : i32
    %dma_start3A_21 = tpu.memref_slice %arg12[%dma_start3A_15, %dma_start3A_20] : memref<2x80xi32, #tpu.memory_space<vmem>> -> memref<1x80xi32, #tpu.memory_space<vmem>>
    %dma_start3A_22 = tpu.memref_squeeze %dma_start3A_21 : memref<1x80xi32, #tpu.memory_space<vmem>> -> memref<80xi32, #tpu.memory_space<vmem>>
    %dma_start3A_23 = tpu.memref_slice %arg7[%mul3A_6] : memref<320000xi32, #tpu.memory_space<hbm>> -> memref<80xi32, #tpu.memory_space<hbm>>
    tpu.enqueue_dma source(%dma_start3A_23 : memref<80xi32, #tpu.memory_space<hbm>>) target(%dma_start3A_22 : memref<80xi32, #tpu.memory_space<vmem>>) target_semaphore(%arg16 : memref<!tpu.dma_semaphore, #tpu.memory_space<semaphore_mem>>)
    %dma_start3A_24 = arith.constant 0 : i32
    %dma_start3A_25 = arith.constant 0 : i32
    %dma_start3A_26 = arith.constant 0 : i32
    %dma_start3A_27 = tpu.memref_slice %arg13[%dma_start3A_24, %dma_start3A_25, %dma_start3A_26] : memref<2x80x128xf32, #tpu.memory_space<vmem>> -> memref<1x80x128xf32, #tpu.memory_space<vmem>>
    %dma_start3A_28 = tpu.memref_squeeze %dma_start3A_27 : memref<1x80x128xf32, #tpu.memory_space<vmem>> -> memref<80x128xf32, #tpu.memory_space<vmem>>
    %dma_start3A_29 = arith.constant 0 : i32
    %dma_start3A_30 = tpu.memref_slice %arg2[%mul3A_6, %dma_start3A_29] : memref<327680x128xf32, #tpu.memory_space<hbm>> -> memref<80x128xf32, #tpu.memory_space<hbm>>
    %dma_start3A_31 = arith.constant 0 : i32
    %dma_start3A_32 = arith.constant 0 : i32
    %dma_start3A_33 = tpu.memref_slice %arg13[%dma_start3A_24, %dma_start3A_31, %dma_start3A_32] : memref<2x80x128xf32, #tpu.memory_space<vmem>> -> memref<1x80x128xf32, #tpu.memory_space<vmem>>
    %dma_start3A_34 = tpu.memref_squeeze %dma_start3A_33 : memref<1x80x128xf32, #tpu.memory_space<vmem>> -> memref<80x128xf32, #tpu.memory_space<vmem>>
    %dma_start3A_35 = arith.constant 0 : i32
    %dma_start3A_36 = tpu.memref_slice %arg2[%mul3A_6, %dma_start3A_35] : memref<327680x128xf32, #tpu.memory_space<hbm>> -> memref<80x128xf32, #tpu.memory_space<hbm>>
    tpu.enqueue_dma source(%dma_start3A_36 : memref<80x128xf32, #tpu.memory_space<hbm>>) target(%dma_start3A_34 : memref<80x128xf32, #tpu.memory_space<vmem>>) target_semaphore(%arg16 : memref<!tpu.dma_semaphore, #tpu.memory_space<semaphore_mem>>)
    %dma_wait3A = arith.constant 0 : i32
    %dma_wait3A_37 = arith.constant 0 : i32
    %dma_wait3A_38 = tpu.memref_slice %arg11[%dma_wait3A, %dma_wait3A_37] : memref<2x80xi32, #tpu.memory_space<vmem>> -> memref<1x80xi32, #tpu.memory_space<vmem>>
    %dma_wait3A_39 = tpu.memref_squeeze %dma_wait3A_38 : memref<1x80xi32, #tpu.memory_space<vmem>> -> memref<80xi32, #tpu.memory_space<vmem>>
    %dma_wait3A_40 = arith.constant 0 : i32
    %dma_wait3A_41 = tpu.memref_slice %arg6[%dma_wait3A_40] : memref<320000xi32, #tpu.memory_space<hbm>> -> memref<80xi32, #tpu.memory_space<hbm>>
    %dma_wait3A_42 = arith.constant 0 : i32
    %dma_wait3A_43 = tpu.memref_slice %arg11[%dma_wait3A, %dma_wait3A_42] : memref<2x80xi32, #tpu.memory_space<vmem>> -> memref<1x80xi32, #tpu.memory_space<vmem>>
    %dma_wait3A_44 = tpu.memref_squeeze %dma_wait3A_43 : memref<1x80xi32, #tpu.memory_space<vmem>> -> memref<80xi32, #tpu.memory_space<vmem>>
    %dma_wait3A_45 = arith.constant 0 : i32
    %dma_wait3A_46 = tpu.memref_slice %arg6[%dma_wait3A_45] : memref<320000xi32, #tpu.memory_space<hbm>> -> memref<80xi32, #tpu.memory_space<hbm>>
    tpu.wait_dma2 semaphore(%arg16 : memref<!tpu.dma_semaphore, #tpu.memory_space<semaphore_mem>>) src(%dma_wait3A_46 : memref<80xi32, #tpu.memory_space<hbm>>) dst(%dma_wait3A_44 : memref<80xi32, #tpu.memory_space<vmem>>)
    %dma_wait3A_47 = arith.constant 0 : i32
    %dma_wait3A_48 = arith.constant 0 : i32
    %dma_wait3A_49 = tpu.memref_slice %arg12[%dma_wait3A_47, %dma_wait3A_48] : memref<2x80xi32, #tpu.memory_space<vmem>> -> memref<1x80xi32, #tpu.memory_space<vmem>>
    %dma_wait3A_50 = tpu.memref_squeeze %dma_wait3A_49 : memref<1x80xi32, #tpu.memory_space<vmem>> -> memref<80xi32, #tpu.memory_space<vmem>>
    %dma_wait3A_51 = arith.constant 0 : i32
    %dma_wait3A_52 = tpu.memref_slice %arg7[%dma_wait3A_51] : memref<320000xi32, #tpu.memory_space<hbm>> -> memref<80xi32, #tpu.memory_space<hbm>>
    %dma_wait3A_53 = arith.constant 0 : i32
    %dma_wait3A_54 = tpu.memref_slice %arg12[%dma_wait3A_47, %dma_wait3A_53] : memref<2x80xi32, #tpu.memory_space<vmem>> -> memref<1x80xi32, #tpu.memory_space<vmem>>
    %dma_wait3A_55 = tpu.memref_squeeze %dma_wait3A_54 : memref<1x80xi32, #tpu.memory_space<vmem>> -> memref<80xi32, #tpu.memory_space<vmem>>
    %dma_wait3A_56 = arith.constant 0 : i32
    %dma_wait3A_57 = tpu.memref_slice %arg7[%dma_wait3A_56] : memref<320000xi32, #tpu.memory_space<hbm>> -> memref<80xi32, #tpu.memory_space<hbm>>
    tpu.wait_dma2 semaphore(%arg16 : memref<!tpu.dma_semaphore, #tpu.memory_space<semaphore_mem>>) src(%dma_wait3A_57 : memref<80xi32, #tpu.memory_space<hbm>>) dst(%dma_wait3A_55 : memref<80xi32, #tpu.memory_space<vmem>>)
    %dma_wait3A_58 = arith.constant 0 : i32
    %dma_wait3A_59 = arith.constant 0 : i32
    %dma_wait3A_60 = arith.constant 0 : i32
    %dma_wait3A_61 = tpu.memref_slice %arg13[%dma_wait3A_58, %dma_wait3A_59, %dma_wait3A_60] : memref<2x80x128xf32, #tpu.memory_space<vmem>> -> memref<1x80x128xf32, #tpu.memory_space<vmem>>
    %dma_wait3A_62 = tpu.memref_squeeze %dma_wait3A_61 : memref<1x80x128xf32, #tpu.memory_space<vmem>> -> memref<80x128xf32, #tpu.memory_space<vmem>>
    %dma_wait3A_63 = arith.constant 0 : i32
    %dma_wait3A_64 = arith.constant 0 : i32
    %dma_wait3A_65 = tpu.memref_slice %arg2[%dma_wait3A_63, %dma_wait3A_64] : memref<327680x128xf32, #tpu.memory_space<hbm>> -> memref<80x128xf32, #tpu.memory_space<hbm>>
    %dma_wait3A_66 = arith.constant 0 : i32
    %dma_wait3A_67 = arith.constant 0 : i32
    %dma_wait3A_68 = tpu.memref_slice %arg13[%dma_wait3A_58, %dma_wait3A_66, %dma_wait3A_67] : memref<2x80x128xf32, #tpu.memory_space<vmem>> -> memref<1x80x128xf32, #tpu.memory_space<vmem>>
    %dma_wait3A_69 = tpu.memref_squeeze %dma_wait3A_68 : memref<1x80x128xf32, #tpu.memory_space<vmem>> -> memref<80x128xf32, #tpu.memory_space<vmem>>
    %dma_wait3A_70 = arith.constant 0 : i32
    %dma_wait3A_71 = arith.constant 0 : i32
    %dma_wait3A_72 = tpu.memref_slice %arg2[%dma_wait3A_70, %dma_wait3A_71] : memref<327680x128xf32, #tpu.memory_space<hbm>> -> memref<80x128xf32, #tpu.memory_space<hbm>>
    tpu.wait_dma2 semaphore(%arg16 : memref<!tpu.dma_semaphore, #tpu.memory_space<semaphore_mem>>) src(%dma_wait3A_72 : memref<80x128xf32, #tpu.memory_space<hbm>>) dst(%dma_wait3A_69 : memref<80x128xf32, #tpu.memory_space<vmem>>)
    %dma_start3A_73 = arith.constant 0 : i32
    %dma_start3A_74 = arith.constant 0 : i32
    %dma_start3A_75 = arith.constant 0 : i32
    %dma_start3A_76 = arith.constant 0 : i32
    %dma_start3A_77 = tpu.memref_slice %arg13[%dma_start3A_74, %dma_start3A_75, %dma_start3A_76] : memref<2x80x128xf32, #tpu.memory_space<vmem>> -> memref<1x80x128xf32, #tpu.memory_space<vmem>>
    %dma_start3A_78 = tpu.memref_squeeze %dma_start3A_77 : memref<1x80x128xf32, #tpu.memory_space<vmem>> -> memref<80x128xf32, #tpu.memory_space<vmem>>
    %dma_start3A_79 = arith.constant 0 : i32
    %dma_start3A_80 = tpu.memref_slice %arg11[%dma_start3A_73, %dma_start3A_79] : memref<2x80xi32, #tpu.memory_space<vmem>> -> memref<1x80xi32, #tpu.memory_space<vmem>>
    %dma_start3A_81 = tpu.memref_squeeze %dma_start3A_80 : memref<1x80xi32, #tpu.memory_space<vmem>> -> memref<80xi32, #tpu.memory_space<vmem>>
    %dma_start3A_82 = arith.constant 0 : i32
    %dma_start3A_83 = arith.constant 0 : i32
    %dma_start3A_84 = tpu.memref_slice %arg3[%dma_start3A_82, %dma_start3A_83] : memref<10000x128xf32, #tpu.memory_space<hbm>> -> memref<10000x128xf32, #tpu.memory_space<hbm>>
    tpu.enqueue_indirect_dma source(%dma_start3A_84 : memref<10000x128xf32, #tpu.memory_space<hbm>>) target(%dma_start3A_78 : memref<80x128xf32, #tpu.memory_space<vmem>>) offsets(%dma_start3A_81 : memref<80xi32, #tpu.memory_space<vmem>>) semaphore(%arg17 : memref<!tpu.dma_semaphore, #tpu.memory_space<semaphore_mem>>) {add = true}
    %dma_start3A_85 = arith.constant 0 : i32
    %dma_start3A_86 = arith.constant 0 : i32
    %dma_start3A_87 = arith.constant 0 : i32
    %dma_start3A_88 = arith.constant 0 : i32
    %dma_start3A_89 = tpu.memref_slice %arg13[%dma_start3A_86, %dma_start3A_87, %dma_start3A_88] : memref<2x80x128xf32, #tpu.memory_space<vmem>> -> memref<1x80x128xf32, #tpu.memory_space<vmem>>
    %dma_start3A_90 = tpu.memref_squeeze %dma_start3A_89 : memref<1x80x128xf32, #tpu.memory_space<vmem>> -> memref<80x128xf32, #tpu.memory_space<vmem>>
    %dma_start3A_91 = arith.constant 0 : i32
    %dma_start3A_92 = tpu.memref_slice %arg12[%dma_start3A_85, %dma_start3A_91] : memref<2x80xi32, #tpu.memory_space<vmem>> -> memref<1x80xi32, #tpu.memory_space<vmem>>
    %dma_start3A_93 = tpu.memref_squeeze %dma_start3A_92 : memref<1x80xi32, #tpu.memory_space<vmem>> -> memref<80xi32, #tpu.memory_space<vmem>>
    %dma_start3A_94 = arith.constant 0 : i32
    %dma_start3A_95 = arith.constant 0 : i32
    %dma_start3A_96 = tpu.memref_slice %arg4[%dma_start3A_94, %dma_start3A_95] : memref<10000x128xf32, #tpu.memory_space<hbm>> -> memref<10000x128xf32, #tpu.memory_space<hbm>>
    tpu.enqueue_indirect_dma source(%dma_start3A_96 : memref<10000x128xf32, #tpu.memory_space<hbm>>) target(%dma_start3A_90 : memref<80x128xf32, #tpu.memory_space<vmem>>) offsets(%dma_start3A_93 : memref<80xi32, #tpu.memory_space<vmem>>) semaphore(%arg17 : memref<!tpu.dma_semaphore, #tpu.memory_space<semaphore_mem>>) {add = true}
    %dma_start3A_97 = arith.constant 0 : i32
    %dma_start3A_98 = arith.constant 0 : i32
    %dma_start3A_99 = arith.constant 0 : i32
    %dma_start3A_100 = arith.constant 0 : i32
    %dma_start3A_101 = tpu.memref_slice %arg14[%dma_start3A_98, %dma_start3A_99, %dma_start3A_100] : memref<2x80x128xf32, #tpu.memory_space<vmem>> -> memref<1x80x128xf32, #tpu.memory_space<vmem>>
    %dma_start3A_102 = tpu.memref_squeeze %dma_start3A_101 : memref<1x80x128xf32, #tpu.memory_space<vmem>> -> memref<80x128xf32, #tpu.memory_space<vmem>>
    %dma_start3A_103 = arith.constant 0 : i32
    %dma_start3A_104 = tpu.memref_slice %arg12[%dma_start3A_97, %dma_start3A_103] : memref<2x80xi32, #tpu.memory_space<vmem>> -> memref<1x80xi32, #tpu.memory_space<vmem>>
    %dma_start3A_105 = tpu.memref_squeeze %dma_start3A_104 : memref<1x80xi32, #tpu.memory_space<vmem>> -> memref<80xi32, #tpu.memory_space<vmem>>
    %dma_start3A_106 = arith.constant 0 : i32
    %dma_start3A_107 = arith.constant 0 : i32
    %dma_start3A_108 = tpu.memref_slice %arg5[%dma_start3A_106, %dma_start3A_107] : memref<10000x128xf32, #tpu.memory_space<hbm>> -> memref<10000x128xf32, #tpu.memory_space<hbm>>
    tpu.enqueue_indirect_dma source(%dma_start3A_108 : memref<10000x128xf32, #tpu.memory_space<hbm>>) target(%dma_start3A_102 : memref<80x128xf32, #tpu.memory_space<vmem>>) offsets(%dma_start3A_105 : memref<80xi32, #tpu.memory_space<vmem>>) semaphore(%arg17 : memref<!tpu.dma_semaphore, #tpu.memory_space<semaphore_mem>>)
    %add3A_109 = arith.constant 32 : i32
    %add3A_110 = arith.addi %add3A, %add3A_109 : i32
    %mul3A_111 = arith.constant 80 : i32
    %mul3A_112 = arith.muli %add3A_110, %mul3A_111 : i32
    %dma_start3A_113 = arith.constant 1 : i32
    %dma_start3A_114 = arith.constant 0 : i32
    %dma_start3A_115 = tpu.memref_slice %arg11[%dma_start3A_113, %dma_start3A_114] : memref<2x80xi32, #tpu.memory_space<vmem>> -> memref<1x80xi32, #tpu.memory_space<vmem>>
    %dma_start3A_116 = tpu.memref_squeeze %dma_start3A_115 : memref<1x80xi32, #tpu.memory_space<vmem>> -> memref<80xi32, #tpu.memory_space<vmem>>
    %dma_start3A_117 = tpu.memref_slice %arg6[%mul3A_112] : memref<320000xi32, #tpu.memory_space<hbm>> -> memref<80xi32, #tpu.memory_space<hbm>>
    %dma_start3A_118 = arith.constant 0 : i32
    %dma_start3A_119 = tpu.memref_slice %arg11[%dma_start3A_113, %dma_start3A_118] : memref<2x80xi32, #tpu.memory_space<vmem>> -> memref<1x80xi32, #tpu.memory_space<vmem>>
    %dma_start3A_120 = tpu.memref_squeeze %dma_start3A_119 : memref<1x80xi32, #tpu.memory_space<vmem>> -> memref<80xi32, #tpu.memory_space<vmem>>
    %dma_start3A_121 = tpu.memref_slice %arg6[%mul3A_112] : memref<320000xi32, #tpu.memory_space<hbm>> -> memref<80xi32, #tpu.memory_space<hbm>>
    tpu.enqueue_dma source(%dma_start3A_121 : memref<80xi32, #tpu.memory_space<hbm>>) target(%dma_start3A_120 : memref<80xi32, #tpu.memory_space<vmem>>) target_semaphore(%arg16 : memref<!tpu.dma_semaphore, #tpu.memory_space<semaphore_mem>>)
    %dma_start3A_122 = arith.constant 1 : i32
    %dma_start3A_123 = arith.constant 0 : i32
    %dma_start3A_124 = tpu.memref_slice %arg12[%dma_start3A_122, %dma_start3A_123] : memref<2x80xi32, #tpu.memory_space<vmem>> -> memref<1x80xi32, #tpu.memory_space<vmem>>
    %dma_start3A_125 = tpu.memref_squeeze %dma_start3A_124 : memref<1x80xi32, #tpu.memory_space<vmem>> -> memref<80xi32, #tpu.memory_space<vmem>>
    %dma_start3A_126 = tpu.memref_slice %arg7[%mul3A_112] : memref<320000xi32, #tpu.memory_space<hbm>> -> memref<80xi32, #tpu.memory_space<hbm>>
    %dma_start3A_127 = arith.constant 0 : i32
    %dma_start3A_128 = tpu.memref_slice %arg12[%dma_start3A_122, %dma_start3A_127] : memref<2x80xi32, #tpu.memory_space<vmem>> -> memref<1x80xi32, #tpu.memory_space<vmem>>
    %dma_start3A_129 = tpu.memref_squeeze %dma_start3A_128 : memref<1x80xi32, #tpu.memory_space<vmem>> -> memref<80xi32, #tpu.memory_space<vmem>>
    %dma_start3A_130 = tpu.memref_slice %arg7[%mul3A_112] : memref<320000xi32, #tpu.memory_space<hbm>> -> memref<80xi32, #tpu.memory_space<hbm>>
    tpu.enqueue_dma source(%dma_start3A_130 : memref<80xi32, #tpu.memory_space<hbm>>) target(%dma_start3A_129 : memref<80xi32, #tpu.memory_space<vmem>>) target_semaphore(%arg16 : memref<!tpu.dma_semaphore, #tpu.memory_space<semaphore_mem>>)
    %dma_start3A_131 = arith.constant 1 : i32
    %dma_start3A_132 = arith.constant 0 : i32
    %dma_start3A_133 = arith.constant 0 : i32
    %dma_start3A_134 = tpu.memref_slice %arg13[%dma_start3A_131, %dma_start3A_132, %dma_start3A_133] : memref<2x80x128xf32, #tpu.memory_space<vmem>> -> memref<1x80x128xf32, #tpu.memory_space<vmem>>
    %dma_start3A_135 = tpu.memref_squeeze %dma_start3A_134 : memref<1x80x128xf32, #tpu.memory_space<vmem>> -> memref<80x128xf32, #tpu.memory_space<vmem>>
    %dma_start3A_136 = arith.constant 0 : i32
    %dma_start3A_137 = tpu.memref_slice %arg2[%mul3A_112, %dma_start3A_136] : memref<327680x128xf32, #tpu.memory_space<hbm>> -> memref<80x128xf32, #tpu.memory_space<hbm>>
    %dma_start3A_138 = arith.constant 0 : i32
    %dma_start3A_139 = arith.constant 0 : i32
    %dma_start3A_140 = tpu.memref_slice %arg13[%dma_start3A_131, %dma_start3A_138, %dma_start3A_139] : memref<2x80x128xf32, #tpu.memory_space<vmem>> -> memref<1x80x128xf32, #tpu.memory_space<vmem>>
    %dma_start3A_141 = tpu.memref_squeeze %dma_start3A_140 : memref<1x80x128xf32, #tpu.memory_space<vmem>> -> memref<80x128xf32, #tpu.memory_space<vmem>>
    %dma_start3A_142 = arith.constant 0 : i32
    %dma_start3A_143 = tpu.memref_slice %arg2[%mul3A_112, %dma_start3A_142] : memref<327680x128xf32, #tpu.memory_space<hbm>> -> memref<80x128xf32, #tpu.memory_space<hbm>>
    tpu.enqueue_dma source(%dma_start3A_143 : memref<80x128xf32, #tpu.memory_space<hbm>>) target(%dma_start3A_141 : memref<80x128xf32, #tpu.memory_space<vmem>>) target_semaphore(%arg16 : memref<!tpu.dma_semaphore, #tpu.memory_space<semaphore_mem>>)
    %scan3A = arith.constant 0 : i32
    %scan3A_144 = arith.constant 0 : i32
    %scan3A_145 = arith.constant 63 : i32
    %scan3A_146 = arith.addi %scan3A_144, %scan3A_145 : i32
    %scan3A_147 = arith.constant 1 : i32
    %scan3A_148 = scf.for %scan3A_156 = %scan3A_144 to %scan3A_146 step %scan3A_147 iter_args(%scan3A_157 = %scan3A) -> (i32)  : i32 {
      %mul3A_158 = arith.constant 2 : i32
      %mul3A_159 = arith.muli %mul3A_158, %scan3A_156 : i32
      %add3A_160 = arith.constant 0 : i32
      %add3A_161 = arith.addi %mul3A_159, %add3A_160 : i32
      %add3A_162 = arith.constant 1 : i32
      %add3A_163 = arith.addi %add3A_161, %add3A_162 : i32
      %mul3A_164 = arith.constant 32 : i32
      %mul3A_165 = arith.muli %mul3A_164, %add3A_163 : i32
      %add3A_166 = arith.addi %add3A, %mul3A_165 : i32
      %lt3A = arith.constant 4000 : i32
      %lt3A_167 = arith.cmpi slt, %add3A_166, %lt3A : i32
      %convert_element_type3A_168 = arith.extui %lt3A_167 : i1 to i32
      %cond3A_169 = arith.constant 0 : i32
      %cond3A_170 = arith.cmpi ne, %convert_element_type3A_168, %cond3A_169 : i32
      scf.if %cond3A_170 {
        %dma_wait3A_222 = arith.constant 1 : i32
        %dma_wait3A_223 = arith.constant 0 : i32
        %dma_wait3A_224 = tpu.memref_slice %arg11[%dma_wait3A_222, %dma_wait3A_223] : memref<2x80xi32, #tpu.memory_space<vmem>> -> memref<1x80xi32, #tpu.memory_space<vmem>>
        %dma_wait3A_225 = tpu.memref_squeeze %dma_wait3A_224 : memref<1x80xi32, #tpu.memory_space<vmem>> -> memref<80xi32, #tpu.memory_space<vmem>>
        %dma_wait3A_226 = arith.constant 0 : i32
        %dma_wait3A_227 = tpu.memref_slice %arg6[%dma_wait3A_226] : memref<320000xi32, #tpu.memory_space<hbm>> -> memref<80xi32, #tpu.memory_space<hbm>>
        %dma_wait3A_228 = arith.constant 0 : i32
        %dma_wait3A_229 = tpu.memref_slice %arg11[%dma_wait3A_222, %dma_wait3A_228] : memref<2x80xi32, #tpu.memory_space<vmem>> -> memref<1x80xi32, #tpu.memory_space<vmem>>
        %dma_wait3A_230 = tpu.memref_squeeze %dma_wait3A_229 : memref<1x80xi32, #tpu.memory_space<vmem>> -> memref<80xi32, #tpu.memory_space<vmem>>
        %dma_wait3A_231 = arith.constant 0 : i32
        %dma_wait3A_232 = tpu.memref_slice %arg6[%dma_wait3A_231] : memref<320000xi32, #tpu.memory_space<hbm>> -> memref<80xi32, #tpu.memory_space<hbm>>
        tpu.wait_dma2 semaphore(%arg16 : memref<!tpu.dma_semaphore, #tpu.memory_space<semaphore_mem>>) src(%dma_wait3A_232 : memref<80xi32, #tpu.memory_space<hbm>>) dst(%dma_wait3A_230 : memref<80xi32, #tpu.memory_space<vmem>>)
        %dma_wait3A_233 = arith.constant 1 : i32
        %dma_wait3A_234 = arith.constant 0 : i32
        %dma_wait3A_235 = tpu.memref_slice %arg12[%dma_wait3A_233, %dma_wait3A_234] : memref<2x80xi32, #tpu.memory_space<vmem>> -> memref<1x80xi32, #tpu.memory_space<vmem>>
        %dma_wait3A_236 = tpu.memref_squeeze %dma_wait3A_235 : memref<1x80xi32, #tpu.memory_space<vmem>> -> memref<80xi32, #tpu.memory_space<vmem>>
        %dma_wait3A_237 = arith.constant 0 : i32
        %dma_wait3A_238 = tpu.memref_slice %arg7[%dma_wait3A_237] : memref<320000xi32, #tpu.memory_space<hbm>> -> memref<80xi32, #tpu.memory_space<hbm>>
        %dma_wait3A_239 = arith.constant 0 : i32
        %dma_wait3A_240 = tpu.memref_slice %arg12[%dma_wait3A_233, %dma_wait3A_239] : memref<2x80xi32, #tpu.memory_space<vmem>> -> memref<1x80xi32, #tpu.memory_space<vmem>>
        %dma_wait3A_241 = tpu.memref_squeeze %dma_wait3A_240 : memref<1x80xi32, #tpu.memory_space<vmem>> -> memref<80xi32, #tpu.memory_space<vmem>>
        %dma_wait3A_242 = arith.constant 0 : i32
        %dma_wait3A_243 = tpu.memref_slice %arg7[%dma_wait3A_242] : memref<320000xi32, #tpu.memory_space<hbm>> -> memref<80xi32, #tpu.memory_space<hbm>>
        tpu.wait_dma2 semaphore(%arg16 : memref<!tpu.dma_semaphore, #tpu.memory_space<semaphore_mem>>) src(%dma_wait3A_243 : memref<80xi32, #tpu.memory_space<hbm>>) dst(%dma_wait3A_241 : memref<80xi32, #tpu.memory_space<vmem>>)
        %dma_wait3A_244 = arith.constant 1 : i32
        %dma_wait3A_245 = arith.constant 0 : i32
        %dma_wait3A_246 = arith.constant 0 : i32
        %dma_wait3A_247 = tpu.memref_slice %arg13[%dma_wait3A_244, %dma_wait3A_245, %dma_wait3A_246] : memref<2x80x128xf32, #tpu.memory_space<vmem>> -> memref<1x80x128xf32, #tpu.memory_space<vmem>>
        %dma_wait3A_248 = tpu.memref_squeeze %dma_wait3A_247 : memref<1x80x128xf32, #tpu.memory_space<vmem>> -> memref<80x128xf32, #tpu.memory_space<vmem>>
        %dma_wait3A_249 = arith.constant 0 : i32
        %dma_wait3A_250 = arith.constant 0 : i32
        %dma_wait3A_251 = tpu.memref_slice %arg2[%dma_wait3A_249, %dma_wait3A_250] : memref<327680x128xf32, #tpu.memory_space<hbm>> -> memref<80x128xf32, #tpu.memory_space<hbm>>
        %dma_wait3A_252 = arith.constant 0 : i32
        %dma_wait3A_253 = arith.constant 0 : i32
        %dma_wait3A_254 = tpu.memref_slice %arg13[%dma_wait3A_244, %dma_wait3A_252, %dma_wait3A_253] : memref<2x80x128xf32, #tpu.memory_space<vmem>> -> memref<1x80x128xf32, #tpu.memory_space<vmem>>
        %dma_wait3A_255 = tpu.memref_squeeze %dma_wait3A_254 : memref<1x80x128xf32, #tpu.memory_space<vmem>> -> memref<80x128xf32, #tpu.memory_space<vmem>>
        %dma_wait3A_256 = arith.constant 0 : i32
        %dma_wait3A_257 = arith.constant 0 : i32
        %dma_wait3A_258 = tpu.memref_slice %arg2[%dma_wait3A_256, %dma_wait3A_257] : memref<327680x128xf32, #tpu.memory_space<hbm>> -> memref<80x128xf32, #tpu.memory_space<hbm>>
        tpu.wait_dma2 semaphore(%arg16 : memref<!tpu.dma_semaphore, #tpu.memory_space<semaphore_mem>>) src(%dma_wait3A_258 : memref<80x128xf32, #tpu.memory_space<hbm>>) dst(%dma_wait3A_255 : memref<80x128xf32, #tpu.memory_space<vmem>>)
        %dma_start3A_259 = arith.constant 1 : i32
        %dma_start3A_260 = arith.constant 1 : i32
        %dma_start3A_261 = arith.constant 0 : i32
        %dma_start3A_262 = arith.constant 0 : i32
        %dma_start3A_263 = tpu.memref_slice %arg13[%dma_start3A_260, %dma_start3A_261, %dma_start3A_262] : memref<2x80x128xf32, #tpu.memory_space<vmem>> -> memref<1x80x128xf32, #tpu.memory_space<vmem>>
        %dma_start3A_264 = tpu.memref_squeeze %dma_start3A_263 : memref<1x80x128xf32, #tpu.memory_space<vmem>> -> memref<80x128xf32, #tpu.memory_space<vmem>>
        %dma_start3A_265 = arith.constant 0 : i32
        %dma_start3A_266 = tpu.memref_slice %arg11[%dma_start3A_259, %dma_start3A_265] : memref<2x80xi32, #tpu.memory_space<vmem>> -> memref<1x80xi32, #tpu.memory_space<vmem>>
        %dma_start3A_267 = tpu.memref_squeeze %dma_start3A_266 : memref<1x80xi32, #tpu.memory_space<vmem>> -> memref<80xi32, #tpu.memory_space<vmem>>
        %dma_start3A_268 = arith.constant 0 : i32
        %dma_start3A_269 = arith.constant 0 : i32
        %dma_start3A_270 = tpu.memref_slice %arg3[%dma_start3A_268, %dma_start3A_269] : memref<10000x128xf32, #tpu.memory_space<hbm>> -> memref<10000x128xf32, #tpu.memory_space<hbm>>
        tpu.enqueue_indirect_dma source(%dma_start3A_270 : memref<10000x128xf32, #tpu.memory_space<hbm>>) target(%dma_start3A_264 : memref<80x128xf32, #tpu.memory_space<vmem>>) offsets(%dma_start3A_267 : memref<80xi32, #tpu.memory_space<vmem>>) semaphore(%arg18 : memref<!tpu.dma_semaphore, #tpu.memory_space<semaphore_mem>>) {add = true}
        %dma_start3A_271 = arith.constant 1 : i32
        %dma_start3A_272 = arith.constant 1 : i32
        %dma_start3A_273 = arith.constant 0 : i32
        %dma_start3A_274 = arith.constant 0 : i32
        %dma_start3A_275 = tpu.memref_slice %arg13[%dma_start3A_272, %dma_start3A_273, %dma_start3A_274] : memref<2x80x128xf32, #tpu.memory_space<vmem>> -> memref<1x80x128xf32, #tpu.memory_space<vmem>>
        %dma_start3A_276 = tpu.memref_squeeze %dma_start3A_275 : memref<1x80x128xf32, #tpu.memory_space<vmem>> -> memref<80x128xf32, #tpu.memory_space<vmem>>
        %dma_start3A_277 = arith.constant 0 : i32
        %dma_start3A_278 = tpu.memref_slice %arg12[%dma_start3A_271, %dma_start3A_277] : memref<2x80xi32, #tpu.memory_space<vmem>> -> memref<1x80xi32, #tpu.memory_space<vmem>>
        %dma_start3A_279 = tpu.memref_squeeze %dma_start3A_278 : memref<1x80xi32, #tpu.memory_space<vmem>> -> memref<80xi32, #tpu.memory_space<vmem>>
        %dma_start3A_280 = arith.constant 0 : i32
        %dma_start3A_281 = arith.constant 0 : i32
        %dma_start3A_282 = tpu.memref_slice %arg4[%dma_start3A_280, %dma_start3A_281] : memref<10000x128xf32, #tpu.memory_space<hbm>> -> memref<10000x128xf32, #tpu.memory_space<hbm>>
        tpu.enqueue_indirect_dma source(%dma_start3A_282 : memref<10000x128xf32, #tpu.memory_space<hbm>>) target(%dma_start3A_276 : memref<80x128xf32, #tpu.memory_space<vmem>>) offsets(%dma_start3A_279 : memref<80xi32, #tpu.memory_space<vmem>>) semaphore(%arg18 : memref<!tpu.dma_semaphore, #tpu.memory_space<semaphore_mem>>) {add = true}
        %dma_start3A_283 = arith.constant 1 : i32
        %dma_start3A_284 = arith.constant 1 : i32
        %dma_start3A_285 = arith.constant 0 : i32
        %dma_start3A_286 = arith.constant 0 : i32
        %dma_start3A_287 = tpu.memref_slice %arg14[%dma_start3A_284, %dma_start3A_285, %dma_start3A_286] : memref<2x80x128xf32, #tpu.memory_space<vmem>> -> memref<1x80x128xf32, #tpu.memory_space<vmem>>
        %dma_start3A_288 = tpu.memref_squeeze %dma_start3A_287 : memref<1x80x128xf32, #tpu.memory_space<vmem>> -> memref<80x128xf32, #tpu.memory_space<vmem>>
        %dma_start3A_289 = arith.constant 0 : i32
        %dma_start3A_290 = tpu.memref_slice %arg12[%dma_start3A_283, %dma_start3A_289] : memref<2x80xi32, #tpu.memory_space<vmem>> -> memref<1x80xi32, #tpu.memory_space<vmem>>
        %dma_start3A_291 = tpu.memref_squeeze %dma_start3A_290 : memref<1x80xi32, #tpu.memory_space<vmem>> -> memref<80xi32, #tpu.memory_space<vmem>>
        %dma_start3A_292 = arith.constant 0 : i32
        %dma_start3A_293 = arith.constant 0 : i32
        %dma_start3A_294 = tpu.memref_slice %arg5[%dma_start3A_292, %dma_start3A_293] : memref<10000x128xf32, #tpu.memory_space<hbm>> -> memref<10000x128xf32, #tpu.memory_space<hbm>>
        tpu.enqueue_indirect_dma source(%dma_start3A_294 : memref<10000x128xf32, #tpu.memory_space<hbm>>) target(%dma_start3A_288 : memref<80x128xf32, #tpu.memory_space<vmem>>) offsets(%dma_start3A_291 : memref<80xi32, #tpu.memory_space<vmem>>) semaphore(%arg18 : memref<!tpu.dma_semaphore, #tpu.memory_space<semaphore_mem>>)
      } else {
      }
      %mul3A_171 = arith.constant 32 : i32
      %mul3A_172 = arith.muli %mul3A_171, %add3A_161 : i32
      %add3A_173 = arith.addi %add3A, %mul3A_172 : i32
      %lt3A_174 = arith.constant 4000 : i32
      %lt3A_175 = arith.cmpi slt, %add3A_173, %lt3A_174 : i32
      %convert_element_type3A_176 = arith.extui %lt3A_175 : i1 to i32
      %cond3A_177 = arith.constant 0 : i32
      %cond3A_178 = arith.cmpi ne, %convert_element_type3A_176, %cond3A_177 : i32
      scf.if %cond3A_178 {
        %dma_wait3A_222 = arith.constant 0 : i32
        %dma_wait3A_223 = arith.constant 0 : i32
        %dma_wait3A_224 = arith.constant 0 : i32
        %dma_wait3A_225 = tpu.memref_slice %arg14[%dma_wait3A_222, %dma_wait3A_223, %dma_wait3A_224] : memref<2x80x128xf32, #tpu.memory_space<vmem>> -> memref<1x80x128xf32, #tpu.memory_space<vmem>>
        %dma_wait3A_226 = tpu.memref_squeeze %dma_wait3A_225 : memref<1x80x128xf32, #tpu.memory_space<vmem>> -> memref<80x128xf32, #tpu.memory_space<vmem>>
        %dma_wait3A_227 = arith.constant 0 : i32
        %dma_wait3A_228 = arith.constant 0 : i32
        %dma_wait3A_229 = tpu.memref_slice %arg3[%dma_wait3A_227, %dma_wait3A_228] : memref<10000x128xf32, #tpu.memory_space<hbm>> -> memref<80x128xf32, #tpu.memory_space<hbm>>
        %dma_wait3A_230 = arith.constant 0 : i32
        %dma_wait3A_231 = arith.constant 0 : i32
        %dma_wait3A_232 = tpu.memref_slice %arg14[%dma_wait3A_222, %dma_wait3A_230, %dma_wait3A_231] : memref<2x80x128xf32, #tpu.memory_space<vmem>> -> memref<1x80x128xf32, #tpu.memory_space<vmem>>
        %dma_wait3A_233 = tpu.memref_squeeze %dma_wait3A_232 : memref<1x80x128xf32, #tpu.memory_space<vmem>> -> memref<80x128xf32, #tpu.memory_space<vmem>>
        %dma_wait3A_234 = arith.constant 0 : i32
        %dma_wait3A_235 = arith.constant 0 : i32
        %dma_wait3A_236 = tpu.memref_slice %arg3[%dma_wait3A_234, %dma_wait3A_235] : memref<10000x128xf32, #tpu.memory_space<hbm>> -> memref<80x128xf32, #tpu.memory_space<hbm>>
        tpu.wait_dma2 semaphore(%arg17 : memref<!tpu.dma_semaphore, #tpu.memory_space<semaphore_mem>>) src(%dma_wait3A_236 : memref<80x128xf32, #tpu.memory_space<hbm>>) dst(%dma_wait3A_233 : memref<80x128xf32, #tpu.memory_space<vmem>>)
        %dma_wait3A_237 = arith.constant 0 : i32
        %dma_wait3A_238 = arith.constant 0 : i32
        %dma_wait3A_239 = arith.constant 0 : i32
        %dma_wait3A_240 = tpu.memref_slice %arg14[%dma_wait3A_237, %dma_wait3A_238, %dma_wait3A_239] : memref<2x80x128xf32, #tpu.memory_space<vmem>> -> memref<1x80x128xf32, #tpu.memory_space<vmem>>
        %dma_wait3A_241 = tpu.memref_squeeze %dma_wait3A_240 : memref<1x80x128xf32, #tpu.memory_space<vmem>> -> memref<80x128xf32, #tpu.memory_space<vmem>>
        %dma_wait3A_242 = arith.constant 0 : i32
        %dma_wait3A_243 = arith.constant 0 : i32
        %dma_wait3A_244 = tpu.memref_slice %arg3[%dma_wait3A_242, %dma_wait3A_243] : memref<10000x128xf32, #tpu.memory_space<hbm>> -> memref<80x128xf32, #tpu.memory_space<hbm>>
        %dma_wait3A_245 = arith.constant 0 : i32
        %dma_wait3A_246 = arith.constant 0 : i32
        %dma_wait3A_247 = tpu.memref_slice %arg14[%dma_wait3A_237, %dma_wait3A_245, %dma_wait3A_246] : memref<2x80x128xf32, #tpu.memory_space<vmem>> -> memref<1x80x128xf32, #tpu.memory_space<vmem>>
        %dma_wait3A_248 = tpu.memref_squeeze %dma_wait3A_247 : memref<1x80x128xf32, #tpu.memory_space<vmem>> -> memref<80x128xf32, #tpu.memory_space<vmem>>
        %dma_wait3A_249 = arith.constant 0 : i32
        %dma_wait3A_250 = arith.constant 0 : i32
        %dma_wait3A_251 = tpu.memref_slice %arg3[%dma_wait3A_249, %dma_wait3A_250] : memref<10000x128xf32, #tpu.memory_space<hbm>> -> memref<80x128xf32, #tpu.memory_space<hbm>>
        tpu.wait_dma2 semaphore(%arg17 : memref<!tpu.dma_semaphore, #tpu.memory_space<semaphore_mem>>) src(%dma_wait3A_251 : memref<80x128xf32, #tpu.memory_space<hbm>>) dst(%dma_wait3A_248 : memref<80x128xf32, #tpu.memory_space<vmem>>)
        %dma_wait3A_252 = arith.constant 0 : i32
        %dma_wait3A_253 = arith.constant 0 : i32
        %dma_wait3A_254 = arith.constant 0 : i32
        %dma_wait3A_255 = tpu.memref_slice %arg14[%dma_wait3A_252, %dma_wait3A_253, %dma_wait3A_254] : memref<2x80x128xf32, #tpu.memory_space<vmem>> -> memref<1x80x128xf32, #tpu.memory_space<vmem>>
        %dma_wait3A_256 = tpu.memref_squeeze %dma_wait3A_255 : memref<1x80x128xf32, #tpu.memory_space<vmem>> -> memref<80x128xf32, #tpu.memory_space<vmem>>
        %dma_wait3A_257 = arith.constant 0 : i32
        %dma_wait3A_258 = arith.constant 0 : i32
        %dma_wait3A_259 = tpu.memref_slice %arg3[%dma_wait3A_257, %dma_wait3A_258] : memref<10000x128xf32, #tpu.memory_space<hbm>> -> memref<80x128xf32, #tpu.memory_space<hbm>>
        %dma_wait3A_260 = arith.constant 0 : i32
        %dma_wait3A_261 = arith.constant 0 : i32
        %dma_wait3A_262 = tpu.memref_slice %arg14[%dma_wait3A_252, %dma_wait3A_260, %dma_wait3A_261] : memref<2x80x128xf32, #tpu.memory_space<vmem>> -> memref<1x80x128xf32, #tpu.memory_space<vmem>>
        %dma_wait3A_263 = tpu.memref_squeeze %dma_wait3A_262 : memref<1x80x128xf32, #tpu.memory_space<vmem>> -> memref<80x128xf32, #tpu.memory_space<vmem>>
        %dma_wait3A_264 = arith.constant 0 : i32
        %dma_wait3A_265 = arith.constant 0 : i32
        %dma_wait3A_266 = tpu.memref_slice %arg3[%dma_wait3A_264, %dma_wait3A_265] : memref<10000x128xf32, #tpu.memory_space<hbm>> -> memref<80x128xf32, #tpu.memory_space<hbm>>
        tpu.wait_dma2 semaphore(%arg17 : memref<!tpu.dma_semaphore, #tpu.memory_space<semaphore_mem>>) src(%dma_wait3A_266 : memref<80x128xf32, #tpu.memory_space<hbm>>) dst(%dma_wait3A_263 : memref<80x128xf32, #tpu.memory_space<vmem>>)
        %scan3A_267 = arith.constant 0 : i32
        %scan3A_268 = arith.constant 0 : i32
        %scan3A_269 = arith.constant 80 : i32
        %scan3A_270 = arith.addi %scan3A_268, %scan3A_269 : i32
        %scan3A_271 = arith.constant 1 : i32
        %scan3A_272 = scf.for %scan3A_281 = %scan3A_268 to %scan3A_270 step %scan3A_271 iter_args(%scan3A_282 = %scan3A_267) -> (i32)  : i32 {
          %get3A = arith.constant 0 : i32
          %get3A_283 = arith.index_cast %get3A : i32 to index
          %get3A_284 = arith.index_cast %scan3A_281 : i32 to index
          %get3A_285 = arith.constant 0 : index
          %get3A_286 = tpu.vector_load %arg14[%get3A_283, %get3A_284, %get3A_285] {strides = array<i32>} : memref<2x80x128xf32, #tpu.memory_space<vmem>>, vector<1x1x16xf32>,
          %get3A_287 = vector.shape_cast %get3A_286 : vector<1x1x16xf32> to vector<16xf32>
          %get3A_288 = arith.constant 0 : i32
          %get3A_289 = arith.index_cast %get3A_288 : i32 to index
          %get3A_290 = arith.index_cast %scan3A_281 : i32 to index
          %get3A_291 = arith.constant 0 : index
          %get3A_292 = tpu.vector_load %arg13[%get3A_289, %get3A_290, %get3A_291] {strides = array<i32>} : memref<2x80x128xf32, #tpu.memory_space<vmem>>, vector<1x1x16xf32>,
          %get3A_293 = vector.shape_cast %get3A_292 : vector<1x1x16xf32> to vector<16xf32>
          %neg3A = arith.constant 0.000000e+00 : f32
          %neg3A_294 = vector.broadcast %neg3A : f32 to vector<16xf32>
          %neg3A_295 = arith.subf %neg3A_294, %get3A_293 : vector<16xf32>
          %exp3A = math.exp %neg3A_295 : vector<16xf32>
          %add3A_296 = arith.constant 1.000000e+00 : f32
          %add3A_297 = vector.broadcast %add3A_296 : f32 to vector<16xf32>
          %add3A_298 = arith.addf %add3A_297, %exp3A : vector<16xf32>
          %div3A = arith.divf %get3A_287, %add3A_298 : vector<16xf32>
          %swap3A = arith.constant 0 : i32
          %swap3A_299 = arith.index_cast %swap3A : i32 to index
          %swap3A_300 = arith.index_cast %scan3A_281 : i32 to index
          %swap3A_301 = arith.constant 0 : index
          %swap3A_302 = tpu.vector_load %arg14[%swap3A_299, %swap3A_300, %swap3A_301] {strides = array<i32>} : memref<2x80x128xf32, #tpu.memory_space<vmem>>, vector<1x1x16xf32>,
          %swap3A_303 = vector.shape_cast %swap3A_302 : vector<1x1x16xf32> to vector<16xf32>
          %swap3A_304 = vector.shape_cast %div3A : vector<16xf32> to vector<1x1x16xf32>
          tpu.vector_store %arg14[%swap3A_299, %swap3A_300, %swap3A_301], %swap3A_304 {strides = array<i32>} : memref<2x80x128xf32, #tpu.memory_space<vmem>>, vector<1x1x16xf32>,
          %get3A_305 = arith.constant 0 : i32
          %get3A_306 = arith.index_cast %get3A_305 : i32 to index
          %get3A_307 = arith.index_cast %scan3A_281 : i32 to index
          %get3A_308 = arith.constant 16 : index
          %get3A_309 = tpu.vector_load %arg14[%get3A_306, %get3A_307, %get3A_308] {strides = array<i32>} : memref<2x80x128xf32, #tpu.memory_space<vmem>>, vector<1x1x16xf32>,
          %get3A_310 = vector.shape_cast %get3A_309 : vector<1x1x16xf32> to vector<16xf32>
          %get3A_311 = arith.constant 0 : i32
          %get3A_312 = arith.index_cast %get3A_311 : i32 to index
          %get3A_313 = arith.index_cast %scan3A_281 : i32 to index
          %get3A_314 = arith.constant 16 : index
          %get3A_315 = tpu.vector_load %arg13[%get3A_312, %get3A_313, %get3A_314] {strides = array<i32>} : memref<2x80x128xf32, #tpu.memory_space<vmem>>, vector<1x1x16xf32>,
          %get3A_316 = vector.shape_cast %get3A_315 : vector<1x1x16xf32> to vector<16xf32>
          %neg3A_317 = arith.constant 0.000000e+00 : f32
          %neg3A_318 = vector.broadcast %neg3A_317 : f32 to vector<16xf32>
          %neg3A_319 = arith.subf %neg3A_318, %get3A_316 : vector<16xf32>
          %exp3A_320 = math.exp %neg3A_319 : vector<16xf32>
          %add3A_321 = arith.constant 1.000000e+00 : f32
          %add3A_322 = vector.broadcast %add3A_321 : f32 to vector<16xf32>
          %add3A_323 = arith.addf %add3A_322, %exp3A_320 : vector<16xf32>
          %div3A_324 = arith.divf %get3A_310, %add3A_323 : vector<16xf32>
          %swap3A_325 = arith.constant 0 : i32
          %swap3A_326 = arith.index_cast %swap3A_325 : i32 to index
          %swap3A_327 = arith.index_cast %scan3A_281 : i32 to index
          %swap3A_328 = arith.constant 16 : index
          %swap3A_329 = tpu.vector_load %arg14[%swap3A_326, %swap3A_327, %swap3A_328] {strides = array<i32>} : memref<2x80x128xf32, #tpu.memory_space<vmem>>, vector<1x1x16xf32>,
          %swap3A_330 = vector.shape_cast %swap3A_329 : vector<1x1x16xf32> to vector<16xf32>
          %swap3A_331 = vector.shape_cast %div3A_324 : vector<16xf32> to vector<1x1x16xf32>
          tpu.vector_store %arg14[%swap3A_326, %swap3A_327, %swap3A_328], %swap3A_331 {strides = array<i32>} : memref<2x80x128xf32, #tpu.memory_space<vmem>>, vector<1x1x16xf32>,
          %get3A_332 = arith.constant 0 : i32
          %get3A_333 = arith.index_cast %get3A_332 : i32 to index
          %get3A_334 = arith.index_cast %scan3A_281 : i32 to index
          %get3A_335 = arith.constant 32 : index
          %get3A_336 = tpu.vector_load %arg14[%get3A_333, %get3A_334, %get3A_335] {strides = array<i32>} : memref<2x80x128xf32, #tpu.memory_space<vmem>>, vector<1x1x16xf32>,
          %get3A_337 = vector.shape_cast %get3A_336 : vector<1x1x16xf32> to vector<16xf32>
          %get3A_338 = arith.constant 0 : i32
          %get3A_339 = arith.index_cast %get3A_338 : i32 to index
          %get3A_340 = arith.index_cast %scan3A_281 : i32 to index
          %get3A_341 = arith.constant 32 : index
          %get3A_342 = tpu.vector_load %arg13[%get3A_339, %get3A_340, %get3A_341] {strides = array<i32>} : memref<2x80x128xf32, #tpu.memory_space<vmem>>, vector<1x1x16xf32>,
          %get3A_343 = vector.shape_cast %get3A_342 : vector<1x1x16xf32> to vector<16xf32>
          %neg3A_344 = arith.constant 0.000000e+00 : f32
          %neg3A_345 = vector.broadcast %neg3A_344 : f32 to vector<16xf32>
          %neg3A_346 = arith.subf %neg3A_345, %get3A_343 : vector<16xf32>
          %exp3A_347 = math.exp %neg3A_346 : vector<16xf32>
          %add3A_348 = arith.constant 1.000000e+00 : f32
          %add3A_349 = vector.broadcast %add3A_348 : f32 to vector<16xf32>
          %add3A_350 = arith.addf %add3A_349, %exp3A_347 : vector<16xf32>
          %div3A_351 = arith.divf %get3A_337, %add3A_350 : vector<16xf32>
          %swap3A_352 = arith.constant 0 : i32
          %swap3A_353 = arith.index_cast %swap3A_352 : i32 to index
          %swap3A_354 = arith.index_cast %scan3A_281 : i32 to index
          %swap3A_355 = arith.constant 32 : index
          %swap3A_356 = tpu.vector_load %arg14[%swap3A_353, %swap3A_354, %swap3A_355] {strides = array<i32>} : memref<2x80x128xf32, #tpu.memory_space<vmem>>, vector<1x1x16xf32>,
          %swap3A_357 = vector.shape_cast %swap3A_356 : vector<1x1x16xf32> to vector<16xf32>
          %swap3A_358 = vector.shape_cast %div3A_351 : vector<16xf32> to vector<1x1x16xf32>
          tpu.vector_store %arg14[%swap3A_353, %swap3A_354, %swap3A_355], %swap3A_358 {strides = array<i32>} : memref<2x80x128xf32, #tpu.memory_space<vmem>>, vector<1x1x16xf32>,
          %get3A_359 = arith.constant 0 : i32
          %get3A_360 = arith.index_cast %get3A_359 : i32 to index
          %get3A_361 = arith.index_cast %scan3A_281 : i32 to index
          %get3A_362 = arith.constant 48 : index
          %get3A_363 = tpu.vector_load %arg14[%get3A_360, %get3A_361, %get3A_362] {strides = array<i32>} : memref<2x80x128xf32, #tpu.memory_space<vmem>>, vector<1x1x16xf32>,
          %get3A_364 = vector.shape_cast %get3A_363 : vector<1x1x16xf32> to vector<16xf32>
          %get3A_365 = arith.constant 0 : i32
          %get3A_366 = arith.index_cast %get3A_365 : i32 to index
          %get3A_367 = arith.index_cast %scan3A_281 : i32 to index
          %get3A_368 = arith.constant 48 : index
          %get3A_369 = tpu.vector_load %arg13[%get3A_366, %get3A_367, %get3A_368] {strides = array<i32>} : memref<2x80x128xf32, #tpu.memory_space<vmem>>, vector<1x1x16xf32>,
          %get3A_370 = vector.shape_cast %get3A_369 : vector<1x1x16xf32> to vector<16xf32>
          %neg3A_371 = arith.constant 0.000000e+00 : f32
          %neg3A_372 = vector.broadcast %neg3A_371 : f32 to vector<16xf32>
          %neg3A_373 = arith.subf %neg3A_372, %get3A_370 : vector<16xf32>
          %exp3A_374 = math.exp %neg3A_373 : vector<16xf32>
          %add3A_375 = arith.constant 1.000000e+00 : f32
          %add3A_376 = vector.broadcast %add3A_375 : f32 to vector<16xf32>
          %add3A_377 = arith.addf %add3A_376, %exp3A_374 : vector<16xf32>
          %div3A_378 = arith.divf %get3A_364, %add3A_377 : vector<16xf32>
          %swap3A_379 = arith.constant 0 : i32
          %swap3A_380 = arith.index_cast %swap3A_379 : i32 to index
          %swap3A_381 = arith.index_cast %scan3A_281 : i32 to index
          %swap3A_382 = arith.constant 48 : index
          %swap3A_383 = tpu.vector_load %arg14[%swap3A_380, %swap3A_381, %swap3A_382] {strides = array<i32>} : memref<2x80x128xf32, #tpu.memory_space<vmem>>, vector<1x1x16xf32>,
          %swap3A_384 = vector.shape_cast %swap3A_383 : vector<1x1x16xf32> to vector<16xf32>
          %swap3A_385 = vector.shape_cast %div3A_378 : vector<16xf32> to vector<1x1x16xf32>
          tpu.vector_store %arg14[%swap3A_380, %swap3A_381, %swap3A_382], %swap3A_385 {strides = array<i32>} : memref<2x80x128xf32, #tpu.memory_space<vmem>>, vector<1x1x16xf32>,
          %get3A_386 = arith.constant 0 : i32
          %get3A_387 = arith.index_cast %get3A_386 : i32 to index
          %get3A_388 = arith.index_cast %scan3A_281 : i32 to index
          %get3A_389 = arith.constant 64 : index
          %get3A_390 = tpu.vector_load %arg14[%get3A_387, %get3A_388, %get3A_389] {strides = array<i32>} : memref<2x80x128xf32, #tpu.memory_space<vmem>>, vector<1x1x16xf32>,
          %get3A_391 = vector.shape_cast %get3A_390 : vector<1x1x16xf32> to vector<16xf32>
          %get3A_392 = arith.constant 0 : i32
          %get3A_393 = arith.index_cast %get3A_392 : i32 to index
          %get3A_394 = arith.index_cast %scan3A_281 : i32 to index
          %get3A_395 = arith.constant 64 : index
          %get3A_396 = tpu.vector_load %arg13[%get3A_393, %get3A_394, %get3A_395] {strides = array<i32>} : memref<2x80x128xf32, #tpu.memory_space<vmem>>, vector<1x1x16xf32>,
          %get3A_397 = vector.shape_cast %get3A_396 : vector<1x1x16xf32> to vector<16xf32>
          %neg3A_398 = arith.constant 0.000000e+00 : f32
          %neg3A_399 = vector.broadcast %neg3A_398 : f32 to vector<16xf32>
          %neg3A_400 = arith.subf %neg3A_399, %get3A_397 : vector<16xf32>
          %exp3A_401 = math.exp %neg3A_400 : vector<16xf32>
          %add3A_402 = arith.constant 1.000000e+00 : f32
          %add3A_403 = vector.broadcast %add3A_402 : f32 to vector<16xf32>
          %add3A_404 = arith.addf %add3A_403, %exp3A_401 : vector<16xf32>
          %div3A_405 = arith.divf %get3A_391, %add3A_404 : vector<16xf32>
          %swap3A_406 = arith.constant 0 : i32
          %swap3A_407 = arith.index_cast %swap3A_406 : i32 to index
          %swap3A_408 = arith.index_cast %scan3A_281 : i32 to index
          %swap3A_409 = arith.constant 64 : index
          %swap3A_410 = tpu.vector_load %arg14[%swap3A_407, %swap3A_408, %swap3A_409] {strides = array<i32>} : memref<2x80x128xf32, #tpu.memory_space<vmem>>, vector<1x1x16xf32>,
          %swap3A_411 = vector.shape_cast %swap3A_410 : vector<1x1x16xf32> to vector<16xf32>
          %swap3A_412 = vector.shape_cast %div3A_405 : vector<16xf32> to vector<1x1x16xf32>
          tpu.vector_store %arg14[%swap3A_407, %swap3A_408, %swap3A_409], %swap3A_412 {strides = array<i32>} : memref<2x80x128xf32, #tpu.memory_space<vmem>>, vector<1x1x16xf32>,
          %get3A_413 = arith.constant 0 : i32
          %get3A_414 = arith.index_cast %get3A_413 : i32 to index
          %get3A_415 = arith.index_cast %scan3A_281 : i32 to index
          %get3A_416 = arith.constant 80 : index
          %get3A_417 = tpu.vector_load %arg14[%get3A_414, %get3A_415, %get3A_416] {strides = array<i32>} : memref<2x80x128xf32, #tpu.memory_space<vmem>>, vector<1x1x16xf32>,
          %get3A_418 = vector.shape_cast %get3A_417 : vector<1x1x16xf32> to vector<16xf32>
          %get3A_419 = arith.constant 0 : i32
          %get3A_420 = arith.index_cast %get3A_419 : i32 to index
          %get3A_421 = arith.index_cast %scan3A_281 : i32 to index
          %get3A_422 = arith.constant 80 : index
          %get3A_423 = tpu.vector_load %arg13[%get3A_420, %get3A_421, %get3A_422] {strides = array<i32>} : memref<2x80x128xf32, #tpu.memory_space<vmem>>, vector<1x1x16xf32>,
          %get3A_424 = vector.shape_cast %get3A_423 : vector<1x1x16xf32> to vector<16xf32>
          %neg3A_425 = arith.constant 0.000000e+00 : f32
          %neg3A_426 = vector.broadcast %neg3A_425 : f32 to vector<16xf32>
          %neg3A_427 = arith.subf %neg3A_426, %get3A_424 : vector<16xf32>
          %exp3A_428 = math.exp %neg3A_427 : vector<16xf32>
          %add3A_429 = arith.constant 1.000000e+00 : f32
          %add3A_430 = vector.broadcast %add3A_429 : f32 to vector<16xf32>
          %add3A_431 = arith.addf %add3A_430, %exp3A_428 : vector<16xf32>
          %div3A_432 = arith.divf %get3A_418, %add3A_431 : vector<16xf32>
          %swap3A_433 = arith.constant 0 : i32
          %swap3A_434 = arith.index_cast %swap3A_433 : i32 to index
          %swap3A_435 = arith.index_cast %scan3A_281 : i32 to index
          %swap3A_436 = arith.constant 80 : index
          %swap3A_437 = tpu.vector_load %arg14[%swap3A_434, %swap3A_435, %swap3A_436] {strides = array<i32>} : memref<2x80x128xf32, #tpu.memory_space<vmem>>, vector<1x1x16xf32>,
          %swap3A_438 = vector.shape_cast %swap3A_437 : vector<1x1x16xf32> to vector<16xf32>
          %swap3A_439 = vector.shape_cast %div3A_432 : vector<16xf32> to vector<1x1x16xf32>
          tpu.vector_store %arg14[%swap3A_434, %swap3A_435, %swap3A_436], %swap3A_439 {strides = array<i32>} : memref<2x80x128xf32, #tpu.memory_space<vmem>>, vector<1x1x16xf32>,
          %get3A_440 = arith.constant 0 : i32
          %get3A_441 = arith.index_cast %get3A_440 : i32 to index
          %get3A_442 = arith.index_cast %scan3A_281 : i32 to index
          %get3A_443 = arith.constant 96 : index
          %get3A_444 = tpu.vector_load %arg14[%get3A_441, %get3A_442, %get3A_443] {strides = array<i32>} : memref<2x80x128xf32, #tpu.memory_space<vmem>>, vector<1x1x16xf32>,
          %get3A_445 = vector.shape_cast %get3A_444 : vector<1x1x16xf32> to vector<16xf32>
          %get3A_446 = arith.constant 0 : i32
          %get3A_447 = arith.index_cast %get3A_446 : i32 to index
          %get3A_448 = arith.index_cast %scan3A_281 : i32 to index
          %get3A_449 = arith.constant 96 : index
          %get3A_450 = tpu.vector_load %arg13[%get3A_447, %get3A_448, %get3A_449] {strides = array<i32>} : memref<2x80x128xf32, #tpu.memory_space<vmem>>, vector<1x1x16xf32>,
          %get3A_451 = vector.shape_cast %get3A_450 : vector<1x1x16xf32> to vector<16xf32>
          %neg3A_452 = arith.constant 0.000000e+00 : f32
          %neg3A_453 = vector.broadcast %neg3A_452 : f32 to vector<16xf32>
          %neg3A_454 = arith.subf %neg3A_453, %get3A_451 : vector<16xf32>
          %exp3A_455 = math.exp %neg3A_454 : vector<16xf32>
          %add3A_456 = arith.constant 1.000000e+00 : f32
          %add3A_457 = vector.broadcast %add3A_456 : f32 to vector<16xf32>
          %add3A_458 = arith.addf %add3A_457, %exp3A_455 : vector<16xf32>
          %div3A_459 = arith.divf %get3A_445, %add3A_458 : vector<16xf32>
          %swap3A_460 = arith.constant 0 : i32
          %swap3A_461 = arith.index_cast %swap3A_460 : i32 to index
          %swap3A_462 = arith.index_cast %scan3A_281 : i32 to index
          %swap3A_463 = arith.constant 96 : index
          %swap3A_464 = tpu.vector_load %arg14[%swap3A_461, %swap3A_462, %swap3A_463] {strides = array<i32>} : memref<2x80x128xf32, #tpu.memory_space<vmem>>, vector<1x1x16xf32>,
          %swap3A_465 = vector.shape_cast %swap3A_464 : vector<1x1x16xf32> to vector<16xf32>
          %swap3A_466 = vector.shape_cast %div3A_459 : vector<16xf32> to vector<1x1x16xf32>
          tpu.vector_store %arg14[%swap3A_461, %swap3A_462, %swap3A_463], %swap3A_466 {strides = array<i32>} : memref<2x80x128xf32, #tpu.memory_space<vmem>>, vector<1x1x16xf32>,
          %get3A_467 = arith.constant 0 : i32
          %get3A_468 = arith.index_cast %get3A_467 : i32 to index
          %get3A_469 = arith.index_cast %scan3A_281 : i32 to index
          %get3A_470 = arith.constant 112 : index
          %get3A_471 = tpu.vector_load %arg14[%get3A_468, %get3A_469, %get3A_470] {strides = array<i32>} : memref<2x80x128xf32, #tpu.memory_space<vmem>>, vector<1x1x16xf32>,
          %get3A_472 = vector.shape_cast %get3A_471 : vector<1x1x16xf32> to vector<16xf32>
          %get3A_473 = arith.constant 0 : i32
          %get3A_474 = arith.index_cast %get3A_473 : i32 to index
          %get3A_475 = arith.index_cast %scan3A_281 : i32 to index
          %get3A_476 = arith.constant 112 : index
          %get3A_477 = tpu.vector_load %arg13[%get3A_474, %get3A_475, %get3A_476] {strides = array<i32>} : memref<2x80x128xf32, #tpu.memory_space<vmem>>, vector<1x1x16xf32>,
          %get3A_478 = vector.shape_cast %get3A_477 : vector<1x1x16xf32> to vector<16xf32>
          %neg3A_479 = arith.constant 0.000000e+00 : f32
          %neg3A_480 = vector.broadcast %neg3A_479 : f32 to vector<16xf32>
          %neg3A_481 = arith.subf %neg3A_480, %get3A_478 : vector<16xf32>
          %exp3A_482 = math.exp %neg3A_481 : vector<16xf32>
          %add3A_483 = arith.constant 1.000000e+00 : f32
          %add3A_484 = vector.broadcast %add3A_483 : f32 to vector<16xf32>
          %add3A_485 = arith.addf %add3A_484, %exp3A_482 : vector<16xf32>
          %div3A_486 = arith.divf %get3A_472, %add3A_485 : vector<16xf32>
          %swap3A_487 = arith.constant 0 : i32
          %swap3A_488 = arith.index_cast %swap3A_487 : i32 to index
          %swap3A_489 = arith.index_cast %scan3A_281 : i32 to index
          %swap3A_490 = arith.constant 112 : index
          %swap3A_491 = tpu.vector_load %arg14[%swap3A_488, %swap3A_489, %swap3A_490] {strides = array<i32>} : memref<2x80x128xf32, #tpu.memory_space<vmem>>, vector<1x1x16xf32>,
          %swap3A_492 = vector.shape_cast %swap3A_491 : vector<1x1x16xf32> to vector<16xf32>
          %swap3A_493 = vector.shape_cast %div3A_486 : vector<16xf32> to vector<1x1x16xf32>
          tpu.vector_store %arg14[%swap3A_488, %swap3A_489, %swap3A_490], %swap3A_493 {strides = array<i32>} : memref<2x80x128xf32, #tpu.memory_space<vmem>>, vector<1x1x16xf32>,
          %scan3A_494 = arith.constant 0 : i32
          scf.yield %scan3A_494 : i32
        }
        %scan3A_273 = arith.constant 80 : i32
        %mul3A_274 = arith.constant 32 : i32
        %mul3A_275 = arith.muli %mul3A_274, %add3A_161 : i32
        %add3A_276 = arith.addi %add3A, %mul3A_275 : i32
        %mul3A_277 = arith.constant 80 : i32
        %mul3A_278 = arith.muli %add3A_276, %mul3A_277 : i32
        %run_scoped3A = arith.constant 0 : i32
        "tpu.region"() ({
          %run_scoped3A_281 = tpu.sem_alloc : memref<!tpu.dma_semaphore, #tpu.memory_space<semaphore_mem>>
          %dma_start3A_282 = arith.constant 0 : i32
          %dma_start3A_283 = arith.constant 0 : i32
          %dma_start3A_284 = tpu.memref_slice %arg13[%run_scoped3A, %dma_start3A_282, %dma_start3A_283] : memref<2x80x128xf32, #tpu.memory_space<vmem>> -> memref<1x80x128xf32, #tpu.memory_space<vmem>>
          %dma_start3A_285 = tpu.memref_squeeze %dma_start3A_284 : memref<1x80x128xf32, #tpu.memory_space<vmem>> -> memref<80x128xf32, #tpu.memory_space<vmem>>
          %dma_start3A_286 = arith.constant 0 : i32
          %dma_start3A_287 = tpu.memref_slice %arg9[%mul3A_278, %dma_start3A_286] : memref<327680x128xf32, #tpu.memory_space<hbm>> -> memref<80x128xf32, #tpu.memory_space<hbm>>
          %dma_start3A_288 = arith.constant 0 : i32
          %dma_start3A_289 = tpu.memref_slice %arg9[%mul3A_278, %dma_start3A_288] : memref<327680x128xf32, #tpu.memory_space<hbm>> -> memref<80x128xf32, #tpu.memory_space<hbm>>
          %dma_start3A_290 = arith.constant 0 : i32
          %dma_start3A_291 = arith.constant 0 : i32
          %dma_start3A_292 = tpu.memref_slice %arg13[%run_scoped3A, %dma_start3A_290, %dma_start3A_291] : memref<2x80x128xf32, #tpu.memory_space<vmem>> -> memref<1x80x128xf32, #tpu.memory_space<vmem>>
          %dma_start3A_293 = tpu.memref_squeeze %dma_start3A_292 : memref<1x80x128xf32, #tpu.memory_space<vmem>> -> memref<80x128xf32, #tpu.memory_space<vmem>>
          tpu.enqueue_dma source(%dma_start3A_293 : memref<80x128xf32, #tpu.memory_space<vmem>>) target(%dma_start3A_289 : memref<80x128xf32, #tpu.memory_space<hbm>>) target_semaphore(%run_scoped3A_281 : memref<!tpu.dma_semaphore, #tpu.memory_space<semaphore_mem>>)
          %dma_wait3A_294 = arith.constant 0 : i32
          %dma_wait3A_295 = arith.constant 0 : i32
          %dma_wait3A_296 = tpu.memref_slice %arg13[%run_scoped3A, %dma_wait3A_294, %dma_wait3A_295] : memref<2x80x128xf32, #tpu.memory_space<vmem>> -> memref<1x80x128xf32, #tpu.memory_space<vmem>>
          %dma_wait3A_297 = tpu.memref_squeeze %dma_wait3A_296 : memref<1x80x128xf32, #tpu.memory_space<vmem>> -> memref<80x128xf32, #tpu.memory_space<vmem>>
          %dma_wait3A_298 = arith.constant 0 : i32
          %dma_wait3A_299 = tpu.memref_slice %arg9[%mul3A_278, %dma_wait3A_298] : memref<327680x128xf32, #tpu.memory_space<hbm>> -> memref<80x128xf32, #tpu.memory_space<hbm>>
          %dma_wait3A_300 = arith.constant 0 : i32
          %dma_wait3A_301 = tpu.memref_slice %arg9[%mul3A_278, %dma_wait3A_300] : memref<327680x128xf32, #tpu.memory_space<hbm>> -> memref<80x128xf32, #tpu.memory_space<hbm>>
          %dma_wait3A_302 = arith.constant 0 : i32
          %dma_wait3A_303 = arith.constant 0 : i32
          %dma_wait3A_304 = tpu.memref_slice %arg13[%run_scoped3A, %dma_wait3A_302, %dma_wait3A_303] : memref<2x80x128xf32, #tpu.memory_space<vmem>> -> memref<1x80x128xf32, #tpu.memory_space<vmem>>
          %dma_wait3A_305 = tpu.memref_squeeze %dma_wait3A_304 : memref<1x80x128xf32, #tpu.memory_space<vmem>> -> memref<80x128xf32, #tpu.memory_space<vmem>>
          tpu.wait_dma2 semaphore(%run_scoped3A_281 : memref<!tpu.dma_semaphore, #tpu.memory_space<semaphore_mem>>) src(%dma_wait3A_305 : memref<80x128xf32, #tpu.memory_space<vmem>>) dst(%dma_wait3A_301 : memref<80x128xf32, #tpu.memory_space<hbm>>)
          tpu.yield
        }) : () -> ()
        %run_scoped3A_279 = arith.constant 0 : i32
        %run_scoped3A_280 = arith.constant 0 : i32
        "tpu.region"() ({
          %run_scoped3A_281 = tpu.sem_alloc : memref<!tpu.dma_semaphore, #tpu.memory_space<semaphore_mem>>
          %dma_start3A_282 = arith.constant 0 : i32
          %dma_start3A_283 = arith.constant 0 : i32
          %dma_start3A_284 = tpu.memref_slice %arg14[%run_scoped3A_279, %dma_start3A_282, %dma_start3A_283] : memref<2x80x128xf32, #tpu.memory_space<vmem>> -> memref<1x80x128xf32, #tpu.memory_space<vmem>>
          %dma_start3A_285 = tpu.memref_squeeze %dma_start3A_284 : memref<1x80x128xf32, #tpu.memory_space<vmem>> -> memref<80x128xf32, #tpu.memory_space<vmem>>
          %dma_start3A_286 = arith.constant 0 : i32
          %dma_start3A_287 = tpu.memref_slice %arg11[%run_scoped3A_280, %dma_start3A_286] : memref<2x80xi32, #tpu.memory_space<vmem>> -> memref<1x80xi32, #tpu.memory_space<vmem>>
          %dma_start3A_288 = tpu.memref_squeeze %dma_start3A_287 : memref<1x80xi32, #tpu.memory_space<vmem>> -> memref<80xi32, #tpu.memory_space<vmem>>
          %dma_start3A_289 = arith.constant 0 : i32
          %dma_start3A_290 = arith.constant 0 : i32
          %dma_start3A_291 = tpu.memref_slice %arg15[%dma_start3A_289, %dma_start3A_290] : memref<10000x128xf32, #tpu.memory_space<vmem_shared>> -> memref<10000x128xf32, #tpu.memory_space<vmem_shared>>
          tpu.enqueue_indirect_dma source(%dma_start3A_285 : memref<80x128xf32, #tpu.memory_space<vmem>>) target(%dma_start3A_291 : memref<10000x128xf32, #tpu.memory_space<vmem_shared>>) offsets(%dma_start3A_288 : memref<80xi32, #tpu.memory_space<vmem>>) semaphore(%run_scoped3A_281 : memref<!tpu.dma_semaphore, #tpu.memory_space<semaphore_mem>>) {add = true}
          %dma_wait3A_292 = arith.constant 0 : i32
          %dma_wait3A_293 = arith.constant 0 : i32
          %dma_wait3A_294 = tpu.memref_slice %arg14[%run_scoped3A_279, %dma_wait3A_292, %dma_wait3A_293] : memref<2x80x128xf32, #tpu.memory_space<vmem>> -> memref<1x80x128xf32, #tpu.memory_space<vmem>>
          %dma_wait3A_295 = tpu.memref_squeeze %dma_wait3A_294 : memref<1x80x128xf32, #tpu.memory_space<vmem>> -> memref<80x128xf32, #tpu.memory_space<vmem>>
          %dma_wait3A_296 = arith.constant 0 : i32
          %dma_wait3A_297 = tpu.memref_slice %arg11[%run_scoped3A_280, %dma_wait3A_296] : memref<2x80xi32, #tpu.memory_space<vmem>> -> memref<1x80xi32, #tpu.memory_space<vmem>>
          %dma_wait3A_298 = tpu.memref_squeeze %dma_wait3A_297 : memref<1x80xi32, #tpu.memory_space<vmem>> -> memref<80xi32, #tpu.memory_space<vmem>>
          %dma_wait3A_299 = arith.constant 0 : i32
          %dma_wait3A_300 = arith.constant 0 : i32
          %dma_wait3A_301 = tpu.memref_slice %arg15[%dma_wait3A_299, %dma_wait3A_300] : memref<10000x128xf32, #tpu.memory_space<vmem_shared>> -> memref<10000x128xf32, #tpu.memory_space<vmem_shared>>
          tpu.wait_indirect_dma semaphore(%run_scoped3A_281 : memref<!tpu.dma_semaphore, #tpu.memory_space<semaphore_mem>>) src(%dma_wait3A_295 : memref<80x128xf32, #tpu.memory_space<vmem>>) dst(%dma_wait3A_301 : memref<10000x128xf32, #tpu.memory_space<vmem_shared>>)
          tpu.yield
        }) : () -> ()
      } else {
      }
      %add3A_179 = arith.constant 2 : i32
      %add3A_180 = arith.addi %add3A_161, %add3A_179 : i32
      %mul3A_181 = arith.constant 32 : i32
      %mul3A_182 = arith.muli %mul3A_181, %add3A_180 : i32
      %add3A_183 = arith.addi %add3A, %mul3A_182 : i32
      %lt3A_184 = arith.constant 4000 : i32
      %lt3A_185 = arith.cmpi slt, %add3A_183, %lt3A_184 : i32
      %convert_element_type3A_186 = arith.extui %lt3A_185 : i1 to i32
      %cond3A_187 = arith.constant 0 : i32
      %cond3A_188 = arith.cmpi ne, %convert_element_type3A_186, %cond3A_187 : i32
      scf.if %cond3A_188 {
        %add3A_222 = arith.constant 2 : i32
        %add3A_223 = arith.addi %add3A_161, %add3A_222 : i32
        %mul3A_224 = arith.constant 32 : i32
        %mul3A_225 = arith.muli %mul3A_224, %add3A_223 : i32
        %add3A_226 = arith.addi %add3A, %mul3A_225 : i32
        %mul3A_227 = arith.constant 80 : i32
        %mul3A_228 = arith.muli %add3A_226, %mul3A_227 : i32
        %dma_start3A_229 = arith.constant 0 : i32
        %dma_start3A_230 = arith.constant 0 : i32
        %dma_start3A_231 = tpu.memref_slice %arg11[%dma_start3A_229, %dma_start3A_230] : memref<2x80xi32, #tpu.memory_space<vmem>> -> memref<1x80xi32, #tpu.memory_space<vmem>>
        %dma_start3A_232 = tpu.memref_squeeze %dma_start3A_231 : memref<1x80xi32, #tpu.memory_space<vmem>> -> memref<80xi32, #tpu.memory_space<vmem>>
        %dma_start3A_233 = tpu.memref_slice %arg6[%mul3A_228] : memref<320000xi32, #tpu.memory_space<hbm>> -> memref<80xi32, #tpu.memory_space<hbm>>
        %dma_start3A_234 = arith.constant 0 : i32
        %dma_start3A_235 = tpu.memref_slice %arg11[%dma_start3A_229, %dma_start3A_234] : memref<2x80xi32, #tpu.memory_space<vmem>> -> memref<1x80xi32, #tpu.memory_space<vmem>>
        %dma_start3A_236 = tpu.memref_squeeze %dma_start3A_235 : memref<1x80xi32, #tpu.memory_space<vmem>> -> memref<80xi32, #tpu.memory_space<vmem>>
        %dma_start3A_237 = tpu.memref_slice %arg6[%mul3A_228] : memref<320000xi32, #tpu.memory_space<hbm>> -> memref<80xi32, #tpu.memory_space<hbm>>
        tpu.enqueue_dma source(%dma_start3A_237 : memref<80xi32, #tpu.memory_space<hbm>>) target(%dma_start3A_236 : memref<80xi32, #tpu.memory_space<vmem>>) target_semaphore(%arg16 : memref<!tpu.dma_semaphore, #tpu.memory_space<semaphore_mem>>)
        %dma_start3A_238 = arith.constant 0 : i32
        %dma_start3A_239 = arith.constant 0 : i32
        %dma_start3A_240 = tpu.memref_slice %arg12[%dma_start3A_238, %dma_start3A_239] : memref<2x80xi32, #tpu.memory_space<vmem>> -> memref<1x80xi32, #tpu.memory_space<vmem>>
        %dma_start3A_241 = tpu.memref_squeeze %dma_start3A_240 : memref<1x80xi32, #tpu.memory_space<vmem>> -> memref<80xi32, #tpu.memory_space<vmem>>
        %dma_start3A_242 = tpu.memref_slice %arg7[%mul3A_228] : memref<320000xi32, #tpu.memory_space<hbm>> -> memref<80xi32, #tpu.memory_space<hbm>>
        %dma_start3A_243 = arith.constant 0 : i32
        %dma_start3A_244 = tpu.memref_slice %arg12[%dma_start3A_238, %dma_start3A_243] : memref<2x80xi32, #tpu.memory_space<vmem>> -> memref<1x80xi32, #tpu.memory_space<vmem>>
        %dma_start3A_245 = tpu.memref_squeeze %dma_start3A_244 : memref<1x80xi32, #tpu.memory_space<vmem>> -> memref<80xi32, #tpu.memory_space<vmem>>
        %dma_start3A_246 = tpu.memref_slice %arg7[%mul3A_228] : memref<320000xi32, #tpu.memory_space<hbm>> -> memref<80xi32, #tpu.memory_space<hbm>>
        tpu.enqueue_dma source(%dma_start3A_246 : memref<80xi32, #tpu.memory_space<hbm>>) target(%dma_start3A_245 : memref<80xi32, #tpu.memory_space<vmem>>) target_semaphore(%arg16 : memref<!tpu.dma_semaphore, #tpu.memory_space<semaphore_mem>>)
        %dma_start3A_247 = arith.constant 0 : i32
        %dma_start3A_248 = arith.constant 0 : i32
        %dma_start3A_249 = arith.constant 0 : i32
        %dma_start3A_250 = tpu.memref_slice %arg13[%dma_start3A_247, %dma_start3A_248, %dma_start3A_249] : memref<2x80x128xf32, #tpu.memory_space<vmem>> -> memref<1x80x128xf32, #tpu.memory_space<vmem>>
        %dma_start3A_251 = tpu.memref_squeeze %dma_start3A_250 : memref<1x80x128xf32, #tpu.memory_space<vmem>> -> memref<80x128xf32, #tpu.memory_space<vmem>>
        %dma_start3A_252 = arith.constant 0 : i32
        %dma_start3A_253 = tpu.memref_slice %arg2[%mul3A_228, %dma_start3A_252] : memref<327680x128xf32, #tpu.memory_space<hbm>> -> memref<80x128xf32, #tpu.memory_space<hbm>>
        %dma_start3A_254 = arith.constant 0 : i32
        %dma_start3A_255 = arith.constant 0 : i32
        %dma_start3A_256 = tpu.memref_slice %arg13[%dma_start3A_247, %dma_start3A_254, %dma_start3A_255] : memref<2x80x128xf32, #tpu.memory_space<vmem>> -> memref<1x80x128xf32, #tpu.memory_space<vmem>>
        %dma_start3A_257 = tpu.memref_squeeze %dma_start3A_256 : memref<1x80x128xf32, #tpu.memory_space<vmem>> -> memref<80x128xf32, #tpu.memory_space<vmem>>
        %dma_start3A_258 = arith.constant 0 : i32
        %dma_start3A_259 = tpu.memref_slice %arg2[%mul3A_228, %dma_start3A_258] : memref<327680x128xf32, #tpu.memory_space<hbm>> -> memref<80x128xf32, #tpu.memory_space<hbm>>
        tpu.enqueue_dma source(%dma_start3A_259 : memref<80x128xf32, #tpu.memory_space<hbm>>) target(%dma_start3A_257 : memref<80x128xf32, #tpu.memory_space<vmem>>) target_semaphore(%arg16 : memref<!tpu.dma_semaphore, #tpu.memory_space<semaphore_mem>>)
      } else {
      }
      %mul3A_189 = arith.constant 2 : i32
      %mul3A_190 = arith.muli %mul3A_189, %scan3A_156 : i32
      %add3A_191 = arith.constant 1 : i32
      %add3A_192 = arith.addi %mul3A_190, %add3A_191 : i32
      %add3A_193 = arith.constant 1 : i32
      %add3A_194 = arith.addi %add3A_192, %add3A_193 : i32
      %mul3A_195 = arith.constant 32 : i32
      %mul3A_196 = arith.muli %mul3A_195, %add3A_194 : i32
      %add3A_197 = arith.addi %add3A, %mul3A_196 : i32
      %lt3A_198 = arith.constant 4000 : i32
      %lt3A_199 = arith.cmpi slt, %add3A_197, %lt3A_198 : i32
      %convert_element_type3A_200 = arith.extui %lt3A_199 : i1 to i32
      %cond3A_201 = arith.constant 0 : i32
      %cond3A_202 = arith.cmpi ne, %convert_element_type3A_200, %cond3A_201 : i32
      scf.if %cond3A_202 {
        %dma_wait3A_222 = arith.constant 0 : i32
        %dma_wait3A_223 = arith.constant 0 : i32
        %dma_wait3A_224 = tpu.memref_slice %arg11[%dma_wait3A_222, %dma_wait3A_223] : memref<2x80xi32, #tpu.memory_space<vmem>> -> memref<1x80xi32, #tpu.memory_space<vmem>>
        %dma_wait3A_225 = tpu.memref_squeeze %dma_wait3A_224 : memref<1x80xi32, #tpu.memory_space<vmem>> -> memref<80xi32, #tpu.memory_space<vmem>>
        %dma_wait3A_226 = arith.constant 0 : i32
        %dma_wait3A_227 = tpu.memref_slice %arg6[%dma_wait3A_226] : memref<320000xi32, #tpu.memory_space<hbm>> -> memref<80xi32, #tpu.memory_space<hbm>>
        %dma_wait3A_228 = arith.constant 0 : i32
        %dma_wait3A_229 = tpu.memref_slice %arg11[%dma_wait3A_222, %dma_wait3A_228] : memref<2x80xi32, #tpu.memory_space<vmem>> -> memref<1x80xi32, #tpu.memory_space<vmem>>
        %dma_wait3A_230 = tpu.memref_squeeze %dma_wait3A_229 : memref<1x80xi32, #tpu.memory_space<vmem>> -> memref<80xi32, #tpu.memory_space<vmem>>
        %dma_wait3A_231 = arith.constant 0 : i32
        %dma_wait3A_232 = tpu.memref_slice %arg6[%dma_wait3A_231] : memref<320000xi32, #tpu.memory_space<hbm>> -> memref<80xi32, #tpu.memory_space<hbm>>
        tpu.wait_dma2 semaphore(%arg16 : memref<!tpu.dma_semaphore, #tpu.memory_space<semaphore_mem>>) src(%dma_wait3A_232 : memref<80xi32, #tpu.memory_space<hbm>>) dst(%dma_wait3A_230 : memref<80xi32, #tpu.memory_space<vmem>>)
        %dma_wait3A_233 = arith.constant 0 : i32
        %dma_wait3A_234 = arith.constant 0 : i32
        %dma_wait3A_235 = tpu.memref_slice %arg12[%dma_wait3A_233, %dma_wait3A_234] : memref<2x80xi32, #tpu.memory_space<vmem>> -> memref<1x80xi32, #tpu.memory_space<vmem>>
        %dma_wait3A_236 = tpu.memref_squeeze %dma_wait3A_235 : memref<1x80xi32, #tpu.memory_space<vmem>> -> memref<80xi32, #tpu.memory_space<vmem>>
        %dma_wait3A_237 = arith.constant 0 : i32
        %dma_wait3A_238 = tpu.memref_slice %arg7[%dma_wait3A_237] : memref<320000xi32, #tpu.memory_space<hbm>> -> memref<80xi32, #tpu.memory_space<hbm>>
        %dma_wait3A_239 = arith.constant 0 : i32
        %dma_wait3A_240 = tpu.memref_slice %arg12[%dma_wait3A_233, %dma_wait3A_239] : memref<2x80xi32, #tpu.memory_space<vmem>> -> memref<1x80xi32, #tpu.memory_space<vmem>>
        %dma_wait3A_241 = tpu.memref_squeeze %dma_wait3A_240 : memref<1x80xi32, #tpu.memory_space<vmem>> -> memref<80xi32, #tpu.memory_space<vmem>>
        %dma_wait3A_242 = arith.constant 0 : i32
        %dma_wait3A_243 = tpu.memref_slice %arg7[%dma_wait3A_242] : memref<320000xi32, #tpu.memory_space<hbm>> -> memref<80xi32, #tpu.memory_space<hbm>>
        tpu.wait_dma2 semaphore(%arg16 : memref<!tpu.dma_semaphore, #tpu.memory_space<semaphore_mem>>) src(%dma_wait3A_243 : memref<80xi32, #tpu.memory_space<hbm>>) dst(%dma_wait3A_241 : memref<80xi32, #tpu.memory_space<vmem>>)
        %dma_wait3A_244 = arith.constant 0 : i32
        %dma_wait3A_245 = arith.constant 0 : i32
        %dma_wait3A_246 = arith.constant 0 : i32
        %dma_wait3A_247 = tpu.memref_slice %arg13[%dma_wait3A_244, %dma_wait3A_245, %dma_wait3A_246] : memref<2x80x128xf32, #tpu.memory_space<vmem>> -> memref<1x80x128xf32, #tpu.memory_space<vmem>>
        %dma_wait3A_248 = tpu.memref_squeeze %dma_wait3A_247 : memref<1x80x128xf32, #tpu.memory_space<vmem>> -> memref<80x128xf32, #tpu.memory_space<vmem>>
        %dma_wait3A_249 = arith.constant 0 : i32
        %dma_wait3A_250 = arith.constant 0 : i32
        %dma_wait3A_251 = tpu.memref_slice %arg2[%dma_wait3A_249, %dma_wait3A_250] : memref<327680x128xf32, #tpu.memory_space<hbm>> -> memref<80x128xf32, #tpu.memory_space<hbm>>
        %dma_wait3A_252 = arith.constant 0 : i32
        %dma_wait3A_253 = arith.constant 0 : i32
        %dma_wait3A_254 = tpu.memref_slice %arg13[%dma_wait3A_244, %dma_wait3A_252, %dma_wait3A_253] : memref<2x80x128xf32, #tpu.memory_space<vmem>> -> memref<1x80x128xf32, #tpu.memory_space<vmem>>
        %dma_wait3A_255 = tpu.memref_squeeze %dma_wait3A_254 : memref<1x80x128xf32, #tpu.memory_space<vmem>> -> memref<80x128xf32, #tpu.memory_space<vmem>>
        %dma_wait3A_256 = arith.constant 0 : i32
        %dma_wait3A_257 = arith.constant 0 : i32
        %dma_wait3A_258 = tpu.memref_slice %arg2[%dma_wait3A_256, %dma_wait3A_257] : memref<327680x128xf32, #tpu.memory_space<hbm>> -> memref<80x128xf32, #tpu.memory_space<hbm>>
        tpu.wait_dma2 semaphore(%arg16 : memref<!tpu.dma_semaphore, #tpu.memory_space<semaphore_mem>>) src(%dma_wait3A_258 : memref<80x128xf32, #tpu.memory_space<hbm>>) dst(%dma_wait3A_255 : memref<80x128xf32, #tpu.memory_space<vmem>>)
        %dma_start3A_259 = arith.constant 0 : i32
        %dma_start3A_260 = arith.constant 0 : i32
        %dma_start3A_261 = arith.constant 0 : i32
        %dma_start3A_262 = arith.constant 0 : i32
        %dma_start3A_263 = tpu.memref_slice %arg13[%dma_start3A_260, %dma_start3A_261, %dma_start3A_262] : memref<2x80x128xf32, #tpu.memory_space<vmem>> -> memref<1x80x128xf32, #tpu.memory_space<vmem>>
        %dma_start3A_264 = tpu.memref_squeeze %dma_start3A_263 : memref<1x80x128xf32, #tpu.memory_space<vmem>> -> memref<80x128xf32, #tpu.memory_space<vmem>>
        %dma_start3A_265 = arith.constant 0 : i32
        %dma_start3A_266 = tpu.memref_slice %arg11[%dma_start3A_259, %dma_start3A_265] : memref<2x80xi32, #tpu.memory_space<vmem>> -> memref<1x80xi32, #tpu.memory_space<vmem>>
        %dma_start3A_267 = tpu.memref_squeeze %dma_start3A_266 : memref<1x80xi32, #tpu.memory_space<vmem>> -> memref<80xi32, #tpu.memory_space<vmem>>
        %dma_start3A_268 = arith.constant 0 : i32
        %dma_start3A_269 = arith.constant 0 : i32
        %dma_start3A_270 = tpu.memref_slice %arg3[%dma_start3A_268, %dma_start3A_269] : memref<10000x128xf32, #tpu.memory_space<hbm>> -> memref<10000x128xf32, #tpu.memory_space<hbm>>
        tpu.enqueue_indirect_dma source(%dma_start3A_270 : memref<10000x128xf32, #tpu.memory_space<hbm>>) target(%dma_start3A_264 : memref<80x128xf32, #tpu.memory_space<vmem>>) offsets(%dma_start3A_267 : memref<80xi32, #tpu.memory_space<vmem>>) semaphore(%arg17 : memref<!tpu.dma_semaphore, #tpu.memory_space<semaphore_mem>>) {add = true}
        %dma_start3A_271 = arith.constant 0 : i32
        %dma_start3A_272 = arith.constant 0 : i32
        %dma_start3A_273 = arith.constant 0 : i32
        %dma_start3A_274 = arith.constant 0 : i32
        %dma_start3A_275 = tpu.memref_slice %arg13[%dma_start3A_272, %dma_start3A_273, %dma_start3A_274] : memref<2x80x128xf32, #tpu.memory_space<vmem>> -> memref<1x80x128xf32, #tpu.memory_space<vmem>>
        %dma_start3A_276 = tpu.memref_squeeze %dma_start3A_275 : memref<1x80x128xf32, #tpu.memory_space<vmem>> -> memref<80x128xf32, #tpu.memory_space<vmem>>
        %dma_start3A_277 = arith.constant 0 : i32
        %dma_start3A_278 = tpu.memref_slice %arg12[%dma_start3A_271, %dma_start3A_277] : memref<2x80xi32, #tpu.memory_space<vmem>> -> memref<1x80xi32, #tpu.memory_space<vmem>>
        %dma_start3A_279 = tpu.memref_squeeze %dma_start3A_278 : memref<1x80xi32, #tpu.memory_space<vmem>> -> memref<80xi32, #tpu.memory_space<vmem>>
        %dma_start3A_280 = arith.constant 0 : i32
        %dma_start3A_281 = arith.constant 0 : i32
        %dma_start3A_282 = tpu.memref_slice %arg4[%dma_start3A_280, %dma_start3A_281] : memref<10000x128xf32, #tpu.memory_space<hbm>> -> memref<10000x128xf32, #tpu.memory_space<hbm>>
        tpu.enqueue_indirect_dma source(%dma_start3A_282 : memref<10000x128xf32, #tpu.memory_space<hbm>>) target(%dma_start3A_276 : memref<80x128xf32, #tpu.memory_space<vmem>>) offsets(%dma_start3A_279 : memref<80xi32, #tpu.memory_space<vmem>>) semaphore(%arg17 : memref<!tpu.dma_semaphore, #tpu.memory_space<semaphore_mem>>) {add = true}
        %dma_start3A_283 = arith.constant 0 : i32
        %dma_start3A_284 = arith.constant 0 : i32
        %dma_start3A_285 = arith.constant 0 : i32
        %dma_start3A_286 = arith.constant 0 : i32
        %dma_start3A_287 = tpu.memref_slice %arg14[%dma_start3A_284, %dma_start3A_285, %dma_start3A_286] : memref<2x80x128xf32, #tpu.memory_space<vmem>> -> memref<1x80x128xf32, #tpu.memory_space<vmem>>
        %dma_start3A_288 = tpu.memref_squeeze %dma_start3A_287 : memref<1x80x128xf32, #tpu.memory_space<vmem>> -> memref<80x128xf32, #tpu.memory_space<vmem>>
        %dma_start3A_289 = arith.constant 0 : i32
        %dma_start3A_290 = tpu.memref_slice %arg12[%dma_start3A_283, %dma_start3A_289] : memref<2x80xi32, #tpu.memory_space<vmem>> -> memref<1x80xi32, #tpu.memory_space<vmem>>
        %dma_start3A_291 = tpu.memref_squeeze %dma_start3A_290 : memref<1x80xi32, #tpu.memory_space<vmem>> -> memref<80xi32, #tpu.memory_space<vmem>>
        %dma_start3A_292 = arith.constant 0 : i32
        %dma_start3A_293 = arith.constant 0 : i32
        %dma_start3A_294 = tpu.memref_slice %arg5[%dma_start3A_292, %dma_start3A_293] : memref<10000x128xf32, #tpu.memory_space<hbm>> -> memref<10000x128xf32, #tpu.memory_space<hbm>>
        tpu.enqueue_indirect_dma source(%dma_start3A_294 : memref<10000x128xf32, #tpu.memory_space<hbm>>) target(%dma_start3A_288 : memref<80x128xf32, #tpu.memory_space<vmem>>) offsets(%dma_start3A_291 : memref<80xi32, #tpu.memory_space<vmem>>) semaphore(%arg17 : memref<!tpu.dma_semaphore, #tpu.memory_space<semaphore_mem>>)
      } else {
      }
      %mul3A_203 = arith.constant 32 : i32
      %mul3A_204 = arith.muli %mul3A_203, %add3A_192 : i32
      %add3A_205 = arith.addi %add3A, %mul3A_204 : i32
      %lt3A_206 = arith.constant 4000 : i32
      %lt3A_207 = arith.cmpi slt, %add3A_205, %lt3A_206 : i32
      %convert_element_type3A_208 = arith.extui %lt3A_207 : i1 to i32
      %cond3A_209 = arith.constant 0 : i32
      %cond3A_210 = arith.cmpi ne, %convert_element_type3A_208, %cond3A_209 : i32
      scf.if %cond3A_210 {
        %dma_wait3A_222 = arith.constant 1 : i32
        %dma_wait3A_223 = arith.constant 0 : i32
        %dma_wait3A_224 = arith.constant 0 : i32
        %dma_wait3A_225 = tpu.memref_slice %arg14[%dma_wait3A_222, %dma_wait3A_223, %dma_wait3A_224] : memref<2x80x128xf32, #tpu.memory_space<vmem>> -> memref<1x80x128xf32, #tpu.memory_space<vmem>>
        %dma_wait3A_226 = tpu.memref_squeeze %dma_wait3A_225 : memref<1x80x128xf32, #tpu.memory_space<vmem>> -> memref<80x128xf32, #tpu.memory_space<vmem>>
        %dma_wait3A_227 = arith.constant 0 : i32
        %dma_wait3A_228 = arith.constant 0 : i32
        %dma_wait3A_229 = tpu.memref_slice %arg3[%dma_wait3A_227, %dma_wait3A_228] : memref<10000x128xf32, #tpu.memory_space<hbm>> -> memref<80x128xf32, #tpu.memory_space<hbm>>
        %dma_wait3A_230 = arith.constant 0 : i32
        %dma_wait3A_231 = arith.constant 0 : i32
        %dma_wait3A_232 = tpu.memref_slice %arg14[%dma_wait3A_222, %dma_wait3A_230, %dma_wait3A_231] : memref<2x80x128xf32, #tpu.memory_space<vmem>> -> memref<1x80x128xf32, #tpu.memory_space<vmem>>
        %dma_wait3A_233 = tpu.memref_squeeze %dma_wait3A_232 : memref<1x80x128xf32, #tpu.memory_space<vmem>> -> memref<80x128xf32, #tpu.memory_space<vmem>>
        %dma_wait3A_234 = arith.constant 0 : i32
        %dma_wait3A_235 = arith.constant 0 : i32
        %dma_wait3A_236 = tpu.memref_slice %arg3[%dma_wait3A_234, %dma_wait3A_235] : memref<10000x128xf32, #tpu.memory_space<hbm>> -> memref<80x128xf32, #tpu.memory_space<hbm>>
        tpu.wait_dma2 semaphore(%arg18 : memref<!tpu.dma_semaphore, #tpu.memory_space<semaphore_mem>>) src(%dma_wait3A_236 : memref<80x128xf32, #tpu.memory_space<hbm>>) dst(%dma_wait3A_233 : memref<80x128xf32, #tpu.memory_space<vmem>>)
        %dma_wait3A_237 = arith.constant 1 : i32
        %dma_wait3A_238 = arith.constant 0 : i32
        %dma_wait3A_239 = arith.constant 0 : i32
        %dma_wait3A_240 = tpu.memref_slice %arg14[%dma_wait3A_237, %dma_wait3A_238, %dma_wait3A_239] : memref<2x80x128xf32, #tpu.memory_space<vmem>> -> memref<1x80x128xf32, #tpu.memory_space<vmem>>
        %dma_wait3A_241 = tpu.memref_squeeze %dma_wait3A_240 : memref<1x80x128xf32, #tpu.memory_space<vmem>> -> memref<80x128xf32, #tpu.memory_space<vmem>>
        %dma_wait3A_242 = arith.constant 0 : i32
        %dma_wait3A_243 = arith.constant 0 : i32
        %dma_wait3A_244 = tpu.memref_slice %arg3[%dma_wait3A_242, %dma_wait3A_243] : memref<10000x128xf32, #tpu.memory_space<hbm>> -> memref<80x128xf32, #tpu.memory_space<hbm>>
        %dma_wait3A_245 = arith.constant 0 : i32
        %dma_wait3A_246 = arith.constant 0 : i32
        %dma_wait3A_247 = tpu.memref_slice %arg14[%dma_wait3A_237, %dma_wait3A_245, %dma_wait3A_246] : memref<2x80x128xf32, #tpu.memory_space<vmem>> -> memref<1x80x128xf32, #tpu.memory_space<vmem>>
        %dma_wait3A_248 = tpu.memref_squeeze %dma_wait3A_247 : memref<1x80x128xf32, #tpu.memory_space<vmem>> -> memref<80x128xf32, #tpu.memory_space<vmem>>
        %dma_wait3A_249 = arith.constant 0 : i32
        %dma_wait3A_250 = arith.constant 0 : i32
        %dma_wait3A_251 = tpu.memref_slice %arg3[%dma_wait3A_249, %dma_wait3A_250] : memref<10000x128xf32, #tpu.memory_space<hbm>> -> memref<80x128xf32, #tpu.memory_space<hbm>>
        tpu.wait_dma2 semaphore(%arg18 : memref<!tpu.dma_semaphore, #tpu.memory_space<semaphore_mem>>) src(%dma_wait3A_251 : memref<80x128xf32, #tpu.memory_space<hbm>>) dst(%dma_wait3A_248 : memref<80x128xf32, #tpu.memory_space<vmem>>)
        %dma_wait3A_252 = arith.constant 1 : i32
        %dma_wait3A_253 = arith.constant 0 : i32
        %dma_wait3A_254 = arith.constant 0 : i32
        %dma_wait3A_255 = tpu.memref_slice %arg14[%dma_wait3A_252, %dma_wait3A_253, %dma_wait3A_254] : memref<2x80x128xf32, #tpu.memory_space<vmem>> -> memref<1x80x128xf32, #tpu.memory_space<vmem>>
        %dma_wait3A_256 = tpu.memref_squeeze %dma_wait3A_255 : memref<1x80x128xf32, #tpu.memory_space<vmem>> -> memref<80x128xf32, #tpu.memory_space<vmem>>
        %dma_wait3A_257 = arith.constant 0 : i32
        %dma_wait3A_258 = arith.constant 0 : i32
        %dma_wait3A_259 = tpu.memref_slice %arg3[%dma_wait3A_257, %dma_wait3A_258] : memref<10000x128xf32, #tpu.memory_space<hbm>> -> memref<80x128xf32, #tpu.memory_space<hbm>>
        %dma_wait3A_260 = arith.constant 0 : i32
        %dma_wait3A_261 = arith.constant 0 : i32
        %dma_wait3A_262 = tpu.memref_slice %arg14[%dma_wait3A_252, %dma_wait3A_260, %dma_wait3A_261] : memref<2x80x128xf32, #tpu.memory_space<vmem>> -> memref<1x80x128xf32, #tpu.memory_space<vmem>>
        %dma_wait3A_263 = tpu.memref_squeeze %dma_wait3A_262 : memref<1x80x128xf32, #tpu.memory_space<vmem>> -> memref<80x128xf32, #tpu.memory_space<vmem>>
        %dma_wait3A_264 = arith.constant 0 : i32
        %dma_wait3A_265 = arith.constant 0 : i32
        %dma_wait3A_266 = tpu.memref_slice %arg3[%dma_wait3A_264, %dma_wait3A_265] : memref<10000x128xf32, #tpu.memory_space<hbm>> -> memref<80x128xf32, #tpu.memory_space<hbm>>
        tpu.wait_dma2 semaphore(%arg18 : memref<!tpu.dma_semaphore, #tpu.memory_space<semaphore_mem>>) src(%dma_wait3A_266 : memref<80x128xf32, #tpu.memory_space<hbm>>) dst(%dma_wait3A_263 : memref<80x128xf32, #tpu.memory_space<vmem>>)
        %scan3A_267 = arith.constant 0 : i32
        %scan3A_268 = arith.constant 0 : i32
        %scan3A_269 = arith.constant 80 : i32
        %scan3A_270 = arith.addi %scan3A_268, %scan3A_269 : i32
        %scan3A_271 = arith.constant 1 : i32
        %scan3A_272 = scf.for %scan3A_281 = %scan3A_268 to %scan3A_270 step %scan3A_271 iter_args(%scan3A_282 = %scan3A_267) -> (i32)  : i32 {
          %get3A = arith.constant 1 : i32
          %get3A_283 = arith.index_cast %get3A : i32 to index
          %get3A_284 = arith.index_cast %scan3A_281 : i32 to index
          %get3A_285 = arith.constant 0 : index
          %get3A_286 = tpu.vector_load %arg14[%get3A_283, %get3A_284, %get3A_285] {strides = array<i32>} : memref<2x80x128xf32, #tpu.memory_space<vmem>>, vector<1x1x16xf32>,
          %get3A_287 = vector.shape_cast %get3A_286 : vector<1x1x16xf32> to vector<16xf32>
          %get3A_288 = arith.constant 1 : i32
          %get3A_289 = arith.index_cast %get3A_288 : i32 to index
          %get3A_290 = arith.index_cast %scan3A_281 : i32 to index
          %get3A_291 = arith.constant 0 : index
          %get3A_292 = tpu.vector_load %arg13[%get3A_289, %get3A_290, %get3A_291] {strides = array<i32>} : memref<2x80x128xf32, #tpu.memory_space<vmem>>, vector<1x1x16xf32>,
          %get3A_293 = vector.shape_cast %get3A_292 : vector<1x1x16xf32> to vector<16xf32>
          %neg3A = arith.constant 0.000000e+00 : f32
          %neg3A_294 = vector.broadcast %neg3A : f32 to vector<16xf32>
          %neg3A_295 = arith.subf %neg3A_294, %get3A_293 : vector<16xf32>
          %exp3A = math.exp %neg3A_295 : vector<16xf32>
          %add3A_296 = arith.constant 1.000000e+00 : f32
          %add3A_297 = vector.broadcast %add3A_296 : f32 to vector<16xf32>
          %add3A_298 = arith.addf %add3A_297, %exp3A : vector<16xf32>
          %div3A = arith.divf %get3A_287, %add3A_298 : vector<16xf32>
          %swap3A = arith.constant 1 : i32
          %swap3A_299 = arith.index_cast %swap3A : i32 to index
          %swap3A_300 = arith.index_cast %scan3A_281 : i32 to index
          %swap3A_301 = arith.constant 0 : index
          %swap3A_302 = tpu.vector_load %arg14[%swap3A_299, %swap3A_300, %swap3A_301] {strides = array<i32>} : memref<2x80x128xf32, #tpu.memory_space<vmem>>, vector<1x1x16xf32>,
          %swap3A_303 = vector.shape_cast %swap3A_302 : vector<1x1x16xf32> to vector<16xf32>
          %swap3A_304 = vector.shape_cast %div3A : vector<16xf32> to vector<1x1x16xf32>
          tpu.vector_store %arg14[%swap3A_299, %swap3A_300, %swap3A_301], %swap3A_304 {strides = array<i32>} : memref<2x80x128xf32, #tpu.memory_space<vmem>>, vector<1x1x16xf32>,
          %get3A_305 = arith.constant 1 : i32
          %get3A_306 = arith.index_cast %get3A_305 : i32 to index
          %get3A_307 = arith.index_cast %scan3A_281 : i32 to index
          %get3A_308 = arith.constant 16 : index
          %get3A_309 = tpu.vector_load %arg14[%get3A_306, %get3A_307, %get3A_308] {strides = array<i32>} : memref<2x80x128xf32, #tpu.memory_space<vmem>>, vector<1x1x16xf32>,
          %get3A_310 = vector.shape_cast %get3A_309 : vector<1x1x16xf32> to vector<16xf32>
          %get3A_311 = arith.constant 1 : i32
          %get3A_312 = arith.index_cast %get3A_311 : i32 to index
          %get3A_313 = arith.index_cast %scan3A_281 : i32 to index
          %get3A_314 = arith.constant 16 : index
          %get3A_315 = tpu.vector_load %arg13[%get3A_312, %get3A_313, %get3A_314] {strides = array<i32>} : memref<2x80x128xf32, #tpu.memory_space<vmem>>, vector<1x1x16xf32>,
          %get3A_316 = vector.shape_cast %get3A_315 : vector<1x1x16xf32> to vector<16xf32>
          %neg3A_317 = arith.constant 0.000000e+00 : f32
          %neg3A_318 = vector.broadcast %neg3A_317 : f32 to vector<16xf32>
          %neg3A_319 = arith.subf %neg3A_318, %get3A_316 : vector<16xf32>
          %exp3A_320 = math.exp %neg3A_319 : vector<16xf32>
          %add3A_321 = arith.constant 1.000000e+00 : f32
          %add3A_322 = vector.broadcast %add3A_321 : f32 to vector<16xf32>
          %add3A_323 = arith.addf %add3A_322, %exp3A_320 : vector<16xf32>
          %div3A_324 = arith.divf %get3A_310, %add3A_323 : vector<16xf32>
          %swap3A_325 = arith.constant 1 : i32
          %swap3A_326 = arith.index_cast %swap3A_325 : i32 to index
          %swap3A_327 = arith.index_cast %scan3A_281 : i32 to index
          %swap3A_328 = arith.constant 16 : index
          %swap3A_329 = tpu.vector_load %arg14[%swap3A_326, %swap3A_327, %swap3A_328] {strides = array<i32>} : memref<2x80x128xf32, #tpu.memory_space<vmem>>, vector<1x1x16xf32>,
          %swap3A_330 = vector.shape_cast %swap3A_329 : vector<1x1x16xf32> to vector<16xf32>
          %swap3A_331 = vector.shape_cast %div3A_324 : vector<16xf32> to vector<1x1x16xf32>
          tpu.vector_store %arg14[%swap3A_326, %swap3A_327, %swap3A_328], %swap3A_331 {strides = array<i32>} : memref<2x80x128xf32, #tpu.memory_space<vmem>>, vector<1x1x16xf32>,
          %get3A_332 = arith.constant 1 : i32
          %get3A_333 = arith.index_cast %get3A_332 : i32 to index
          %get3A_334 = arith.index_cast %scan3A_281 : i32 to index
          %get3A_335 = arith.constant 32 : index
          %get3A_336 = tpu.vector_load %arg14[%get3A_333, %get3A_334, %get3A_335] {strides = array<i32>} : memref<2x80x128xf32, #tpu.memory_space<vmem>>, vector<1x1x16xf32>,
          %get3A_337 = vector.shape_cast %get3A_336 : vector<1x1x16xf32> to vector<16xf32>
          %get3A_338 = arith.constant 1 : i32
          %get3A_339 = arith.index_cast %get3A_338 : i32 to index
          %get3A_340 = arith.index_cast %scan3A_281 : i32 to index
          %get3A_341 = arith.constant 32 : index
          %get3A_342 = tpu.vector_load %arg13[%get3A_339, %get3A_340, %get3A_341] {strides = array<i32>} : memref<2x80x128xf32, #tpu.memory_space<vmem>>, vector<1x1x16xf32>,
          %get3A_343 = vector.shape_cast %get3A_342 : vector<1x1x16xf32> to vector<16xf32>
          %neg3A_344 = arith.constant 0.000000e+00 : f32
          %neg3A_345 = vector.broadcast %neg3A_344 : f32 to vector<16xf32>
          %neg3A_346 = arith.subf %neg3A_345, %get3A_343 : vector<16xf32>
          %exp3A_347 = math.exp %neg3A_346 : vector<16xf32>
          %add3A_348 = arith.constant 1.000000e+00 : f32
          %add3A_349 = vector.broadcast %add3A_348 : f32 to vector<16xf32>
          %add3A_350 = arith.addf %add3A_349, %exp3A_347 : vector<16xf32>
          %div3A_351 = arith.divf %get3A_337, %add3A_350 : vector<16xf32>
          %swap3A_352 = arith.constant 1 : i32
          %swap3A_353 = arith.index_cast %swap3A_352 : i32 to index
          %swap3A_354 = arith.index_cast %scan3A_281 : i32 to index
          %swap3A_355 = arith.constant 32 : index
          %swap3A_356 = tpu.vector_load %arg14[%swap3A_353, %swap3A_354, %swap3A_355] {strides = array<i32>} : memref<2x80x128xf32, #tpu.memory_space<vmem>>, vector<1x1x16xf32>,
          %swap3A_357 = vector.shape_cast %swap3A_356 : vector<1x1x16xf32> to vector<16xf32>
          %swap3A_358 = vector.shape_cast %div3A_351 : vector<16xf32> to vector<1x1x16xf32>
          tpu.vector_store %arg14[%swap3A_353, %swap3A_354, %swap3A_355], %swap3A_358 {strides = array<i32>} : memref<2x80x128xf32, #tpu.memory_space<vmem>>, vector<1x1x16xf32>,
          %get3A_359 = arith.constant 1 : i32
          %get3A_360 = arith.index_cast %get3A_359 : i32 to index
          %get3A_361 = arith.index_cast %scan3A_281 : i32 to index
          %get3A_362 = arith.constant 48 : index
          %get3A_363 = tpu.vector_load %arg14[%get3A_360, %get3A_361, %get3A_362] {strides = array<i32>} : memref<2x80x128xf32, #tpu.memory_space<vmem>>, vector<1x1x16xf32>,
          %get3A_364 = vector.shape_cast %get3A_363 : vector<1x1x16xf32> to vector<16xf32>
          %get3A_365 = arith.constant 1 : i32
          %get3A_366 = arith.index_cast %get3A_365 : i32 to index
          %get3A_367 = arith.index_cast %scan3A_281 : i32 to index
          %get3A_368 = arith.constant 48 : index
          %get3A_369 = tpu.vector_load %arg13[%get3A_366, %get3A_367, %get3A_368] {strides = array<i32>} : memref<2x80x128xf32, #tpu.memory_space<vmem>>, vector<1x1x16xf32>,
          %get3A_370 = vector.shape_cast %get3A_369 : vector<1x1x16xf32> to vector<16xf32>
          %neg3A_371 = arith.constant 0.000000e+00 : f32
          %neg3A_372 = vector.broadcast %neg3A_371 : f32 to vector<16xf32>
          %neg3A_373 = arith.subf %neg3A_372, %get3A_370 : vector<16xf32>
          %exp3A_374 = math.exp %neg3A_373 : vector<16xf32>
          %add3A_375 = arith.constant 1.000000e+00 : f32
          %add3A_376 = vector.broadcast %add3A_375 : f32 to vector<16xf32>
          %add3A_377 = arith.addf %add3A_376, %exp3A_374 : vector<16xf32>
          %div3A_378 = arith.divf %get3A_364, %add3A_377 : vector<16xf32>
          %swap3A_379 = arith.constant 1 : i32
          %swap3A_380 = arith.index_cast %swap3A_379 : i32 to index
          %swap3A_381 = arith.index_cast %scan3A_281 : i32 to index
          %swap3A_382 = arith.constant 48 : index
          %swap3A_383 = tpu.vector_load %arg14[%swap3A_380, %swap3A_381, %swap3A_382] {strides = array<i32>} : memref<2x80x128xf32, #tpu.memory_space<vmem>>, vector<1x1x16xf32>,
          %swap3A_384 = vector.shape_cast %swap3A_383 : vector<1x1x16xf32> to vector<16xf32>
          %swap3A_385 = vector.shape_cast %div3A_378 : vector<16xf32> to vector<1x1x16xf32>
          tpu.vector_store %arg14[%swap3A_380, %swap3A_381, %swap3A_382], %swap3A_385 {strides = array<i32>} : memref<2x80x128xf32, #tpu.memory_space<vmem>>, vector<1x1x16xf32>,
          %get3A_386 = arith.constant 1 : i32
          %get3A_387 = arith.index_cast %get3A_386 : i32 to index
          %get3A_388 = arith.index_cast %scan3A_281 : i32 to index
          %get3A_389 = arith.constant 64 : index
          %get3A_390 = tpu.vector_load %arg14[%get3A_387, %get3A_388, %get3A_389] {strides = array<i32>} : memref<2x80x128xf32, #tpu.memory_space<vmem>>, vector<1x1x16xf32>,
          %get3A_391 = vector.shape_cast %get3A_390 : vector<1x1x16xf32> to vector<16xf32>
          %get3A_392 = arith.constant 1 : i32
          %get3A_393 = arith.index_cast %get3A_392 : i32 to index
          %get3A_394 = arith.index_cast %scan3A_281 : i32 to index
          %get3A_395 = arith.constant 64 : index
          %get3A_396 = tpu.vector_load %arg13[%get3A_393, %get3A_394, %get3A_395] {strides = array<i32>} : memref<2x80x128xf32, #tpu.memory_space<vmem>>, vector<1x1x16xf32>,
          %get3A_397 = vector.shape_cast %get3A_396 : vector<1x1x16xf32> to vector<16xf32>
          %neg3A_398 = arith.constant 0.000000e+00 : f32
          %neg3A_399 = vector.broadcast %neg3A_398 : f32 to vector<16xf32>
          %neg3A_400 = arith.subf %neg3A_399, %get3A_397 : vector<16xf32>
          %exp3A_401 = math.exp %neg3A_400 : vector<16xf32>
          %add3A_402 = arith.constant 1.000000e+00 : f32
          %add3A_403 = vector.broadcast %add3A_402 : f32 to vector<16xf32>
          %add3A_404 = arith.addf %add3A_403, %exp3A_401 : vector<16xf32>
          %div3A_405 = arith.divf %get3A_391, %add3A_404 : vector<16xf32>
          %swap3A_406 = arith.constant 1 : i32
          %swap3A_407 = arith.index_cast %swap3A_406 : i32 to index
          %swap3A_408 = arith.index_cast %scan3A_281 : i32 to index
          %swap3A_409 = arith.constant 64 : index
          %swap3A_410 = tpu.vector_load %arg14[%swap3A_407, %swap3A_408, %swap3A_409] {strides = array<i32>} : memref<2x80x128xf32, #tpu.memory_space<vmem>>, vector<1x1x16xf32>,
          %swap3A_411 = vector.shape_cast %swap3A_410 : vector<1x1x16xf32> to vector<16xf32>
          %swap3A_412 = vector.shape_cast %div3A_405 : vector<16xf32> to vector<1x1x16xf32>
          tpu.vector_store %arg14[%swap3A_407, %swap3A_408, %swap3A_409], %swap3A_412 {strides = array<i32>} : memref<2x80x128xf32, #tpu.memory_space<vmem>>, vector<1x1x16xf32>,
          %get3A_413 = arith.constant 1 : i32
          %get3A_414 = arith.index_cast %get3A_413 : i32 to index
          %get3A_415 = arith.index_cast %scan3A_281 : i32 to index
          %get3A_416 = arith.constant 80 : index
          %get3A_417 = tpu.vector_load %arg14[%get3A_414, %get3A_415, %get3A_416] {strides = array<i32>} : memref<2x80x128xf32, #tpu.memory_space<vmem>>, vector<1x1x16xf32>,
          %get3A_418 = vector.shape_cast %get3A_417 : vector<1x1x16xf32> to vector<16xf32>
          %get3A_419 = arith.constant 1 : i32
          %get3A_420 = arith.index_cast %get3A_419 : i32 to index
          %get3A_421 = arith.index_cast %scan3A_281 : i32 to index
          %get3A_422 = arith.constant 80 : index
          %get3A_423 = tpu.vector_load %arg13[%get3A_420, %get3A_421, %get3A_422] {strides = array<i32>} : memref<2x80x128xf32, #tpu.memory_space<vmem>>, vector<1x1x16xf32>,
          %get3A_424 = vector.shape_cast %get3A_423 : vector<1x1x16xf32> to vector<16xf32>
          %neg3A_425 = arith.constant 0.000000e+00 : f32
          %neg3A_426 = vector.broadcast %neg3A_425 : f32 to vector<16xf32>
          %neg3A_427 = arith.subf %neg3A_426, %get3A_424 : vector<16xf32>
          %exp3A_428 = math.exp %neg3A_427 : vector<16xf32>
          %add3A_429 = arith.constant 1.000000e+00 : f32
          %add3A_430 = vector.broadcast %add3A_429 : f32 to vector<16xf32>
          %add3A_431 = arith.addf %add3A_430, %exp3A_428 : vector<16xf32>
          %div3A_432 = arith.divf %get3A_418, %add3A_431 : vector<16xf32>
          %swap3A_433 = arith.constant 1 : i32
          %swap3A_434 = arith.index_cast %swap3A_433 : i32 to index
          %swap3A_435 = arith.index_cast %scan3A_281 : i32 to index
          %swap3A_436 = arith.constant 80 : index
          %swap3A_437 = tpu.vector_load %arg14[%swap3A_434, %swap3A_435, %swap3A_436] {strides = array<i32>} : memref<2x80x128xf32, #tpu.memory_space<vmem>>, vector<1x1x16xf32>,
          %swap3A_438 = vector.shape_cast %swap3A_437 : vector<1x1x16xf32> to vector<16xf32>
          %swap3A_439 = vector.shape_cast %div3A_432 : vector<16xf32> to vector<1x1x16xf32>
          tpu.vector_store %arg14[%swap3A_434, %swap3A_435, %swap3A_436], %swap3A_439 {strides = array<i32>} : memref<2x80x128xf32, #tpu.memory_space<vmem>>, vector<1x1x16xf32>,
          %get3A_440 = arith.constant 1 : i32
          %get3A_441 = arith.index_cast %get3A_440 : i32 to index
          %get3A_442 = arith.index_cast %scan3A_281 : i32 to index
          %get3A_443 = arith.constant 96 : index
          %get3A_444 = tpu.vector_load %arg14[%get3A_441, %get3A_442, %get3A_443] {strides = array<i32>} : memref<2x80x128xf32, #tpu.memory_space<vmem>>, vector<1x1x16xf32>,
          %get3A_445 = vector.shape_cast %get3A_444 : vector<1x1x16xf32> to vector<16xf32>
          %get3A_446 = arith.constant 1 : i32
          %get3A_447 = arith.index_cast %get3A_446 : i32 to index
          %get3A_448 = arith.index_cast %scan3A_281 : i32 to index
          %get3A_449 = arith.constant 96 : index
          %get3A_450 = tpu.vector_load %arg13[%get3A_447, %get3A_448, %get3A_449] {strides = array<i32>} : memref<2x80x128xf32, #tpu.memory_space<vmem>>, vector<1x1x16xf32>,
          %get3A_451 = vector.shape_cast %get3A_450 : vector<1x1x16xf32> to vector<16xf32>
          %neg3A_452 = arith.constant 0.000000e+00 : f32
          %neg3A_453 = vector.broadcast %neg3A_452 : f32 to vector<16xf32>
          %neg3A_454 = arith.subf %neg3A_453, %get3A_451 : vector<16xf32>
          %exp3A_455 = math.exp %neg3A_454 : vector<16xf32>
          %add3A_456 = arith.constant 1.000000e+00 : f32
          %add3A_457 = vector.broadcast %add3A_456 : f32 to vector<16xf32>
          %add3A_458 = arith.addf %add3A_457, %exp3A_455 : vector<16xf32>
          %div3A_459 = arith.divf %get3A_445, %add3A_458 : vector<16xf32>
          %swap3A_460 = arith.constant 1 : i32
          %swap3A_461 = arith.index_cast %swap3A_460 : i32 to index
          %swap3A_462 = arith.index_cast %scan3A_281 : i32 to index
          %swap3A_463 = arith.constant 96 : index
          %swap3A_464 = tpu.vector_load %arg14[%swap3A_461, %swap3A_462, %swap3A_463] {strides = array<i32>} : memref<2x80x128xf32, #tpu.memory_space<vmem>>, vector<1x1x16xf32>,
          %swap3A_465 = vector.shape_cast %swap3A_464 : vector<1x1x16xf32> to vector<16xf32>
          %swap3A_466 = vector.shape_cast %div3A_459 : vector<16xf32> to vector<1x1x16xf32>
          tpu.vector_store %arg14[%swap3A_461, %swap3A_462, %swap3A_463], %swap3A_466 {strides = array<i32>} : memref<2x80x128xf32, #tpu.memory_space<vmem>>, vector<1x1x16xf32>,
          %get3A_467 = arith.constant 1 : i32
          %get3A_468 = arith.index_cast %get3A_467 : i32 to index
          %get3A_469 = arith.index_cast %scan3A_281 : i32 to index
          %get3A_470 = arith.constant 112 : index
          %get3A_471 = tpu.vector_load %arg14[%get3A_468, %get3A_469, %get3A_470] {strides = array<i32>} : memref<2x80x128xf32, #tpu.memory_space<vmem>>, vector<1x1x16xf32>,
          %get3A_472 = vector.shape_cast %get3A_471 : vector<1x1x16xf32> to vector<16xf32>
          %get3A_473 = arith.constant 1 : i32
          %get3A_474 = arith.index_cast %get3A_473 : i32 to index
          %get3A_475 = arith.index_cast %scan3A_281 : i32 to index
          %get3A_476 = arith.constant 112 : index
          %get3A_477 = tpu.vector_load %arg13[%get3A_474, %get3A_475, %get3A_476] {strides = array<i32>} : memref<2x80x128xf32, #tpu.memory_space<vmem>>, vector<1x1x16xf32>,
          %get3A_478 = vector.shape_cast %get3A_477 : vector<1x1x16xf32> to vector<16xf32>
          %neg3A_479 = arith.constant 0.000000e+00 : f32
          %neg3A_480 = vector.broadcast %neg3A_479 : f32 to vector<16xf32>
          %neg3A_481 = arith.subf %neg3A_480, %get3A_478 : vector<16xf32>
          %exp3A_482 = math.exp %neg3A_481 : vector<16xf32>
          %add3A_483 = arith.constant 1.000000e+00 : f32
          %add3A_484 = vector.broadcast %add3A_483 : f32 to vector<16xf32>
          %add3A_485 = arith.addf %add3A_484, %exp3A_482 : vector<16xf32>
          %div3A_486 = arith.divf %get3A_472, %add3A_485 : vector<16xf32>
          %swap3A_487 = arith.constant 1 : i32
          %swap3A_488 = arith.index_cast %swap3A_487 : i32 to index
          %swap3A_489 = arith.index_cast %scan3A_281 : i32 to index
          %swap3A_490 = arith.constant 112 : index
          %swap3A_491 = tpu.vector_load %arg14[%swap3A_488, %swap3A_489, %swap3A_490] {strides = array<i32>} : memref<2x80x128xf32, #tpu.memory_space<vmem>>, vector<1x1x16xf32>,
          %swap3A_492 = vector.shape_cast %swap3A_491 : vector<1x1x16xf32> to vector<16xf32>
          %swap3A_493 = vector.shape_cast %div3A_486 : vector<16xf32> to vector<1x1x16xf32>
          tpu.vector_store %arg14[%swap3A_488, %swap3A_489, %swap3A_490], %swap3A_493 {strides = array<i32>} : memref<2x80x128xf32, #tpu.memory_space<vmem>>, vector<1x1x16xf32>,
          %scan3A_494 = arith.constant 0 : i32
          scf.yield %scan3A_494 : i32
        }
        %scan3A_273 = arith.constant 80 : i32
        %mul3A_274 = arith.constant 32 : i32
        %mul3A_275 = arith.muli %mul3A_274, %add3A_192 : i32
        %add3A_276 = arith.addi %add3A, %mul3A_275 : i32
        %mul3A_277 = arith.constant 80 : i32
        %mul3A_278 = arith.muli %add3A_276, %mul3A_277 : i32
        %run_scoped3A = arith.constant 1 : i32
        "tpu.region"() ({
          %run_scoped3A_281 = tpu.sem_alloc : memref<!tpu.dma_semaphore, #tpu.memory_space<semaphore_mem>>
          %dma_start3A_282 = arith.constant 0 : i32
          %dma_start3A_283 = arith.constant 0 : i32
          %dma_start3A_284 = tpu.memref_slice %arg13[%run_scoped3A, %dma_start3A_282, %dma_start3A_283] : memref<2x80x128xf32, #tpu.memory_space<vmem>> -> memref<1x80x128xf32, #tpu.memory_space<vmem>>
          %dma_start3A_285 = tpu.memref_squeeze %dma_start3A_284 : memref<1x80x128xf32, #tpu.memory_space<vmem>> -> memref<80x128xf32, #tpu.memory_space<vmem>>
          %dma_start3A_286 = arith.constant 0 : i32
          %dma_start3A_287 = tpu.memref_slice %arg9[%mul3A_278, %dma_start3A_286] : memref<327680x128xf32, #tpu.memory_space<hbm>> -> memref<80x128xf32, #tpu.memory_space<hbm>>
          %dma_start3A_288 = arith.constant 0 : i32
          %dma_start3A_289 = tpu.memref_slice %arg9[%mul3A_278, %dma_start3A_288] : memref<327680x128xf32, #tpu.memory_space<hbm>> -> memref<80x128xf32, #tpu.memory_space<hbm>>
          %dma_start3A_290 = arith.constant 0 : i32
          %dma_start3A_291 = arith.constant 0 : i32
          %dma_start3A_292 = tpu.memref_slice %arg13[%run_scoped3A, %dma_start3A_290, %dma_start3A_291] : memref<2x80x128xf32, #tpu.memory_space<vmem>> -> memref<1x80x128xf32, #tpu.memory_space<vmem>>
          %dma_start3A_293 = tpu.memref_squeeze %dma_start3A_292 : memref<1x80x128xf32, #tpu.memory_space<vmem>> -> memref<80x128xf32, #tpu.memory_space<vmem>>
          tpu.enqueue_dma source(%dma_start3A_293 : memref<80x128xf32, #tpu.memory_space<vmem>>) target(%dma_start3A_289 : memref<80x128xf32, #tpu.memory_space<hbm>>) target_semaphore(%run_scoped3A_281 : memref<!tpu.dma_semaphore, #tpu.memory_space<semaphore_mem>>)
          %dma_wait3A_294 = arith.constant 0 : i32
          %dma_wait3A_295 = arith.constant 0 : i32
          %dma_wait3A_296 = tpu.memref_slice %arg13[%run_scoped3A, %dma_wait3A_294, %dma_wait3A_295] : memref<2x80x128xf32, #tpu.memory_space<vmem>> -> memref<1x80x128xf32, #tpu.memory_space<vmem>>
          %dma_wait3A_297 = tpu.memref_squeeze %dma_wait3A_296 : memref<1x80x128xf32, #tpu.memory_space<vmem>> -> memref<80x128xf32, #tpu.memory_space<vmem>>
          %dma_wait3A_298 = arith.constant 0 : i32
          %dma_wait3A_299 = tpu.memref_slice %arg9[%mul3A_278, %dma_wait3A_298] : memref<327680x128xf32, #tpu.memory_space<hbm>> -> memref<80x128xf32, #tpu.memory_space<hbm>>
          %dma_wait3A_300 = arith.constant 0 : i32
          %dma_wait3A_301 = tpu.memref_slice %arg9[%mul3A_278, %dma_wait3A_300] : memref<327680x128xf32, #tpu.memory_space<hbm>> -> memref<80x128xf32, #tpu.memory_space<hbm>>
          %dma_wait3A_302 = arith.constant 0 : i32
          %dma_wait3A_303 = arith.constant 0 : i32
          %dma_wait3A_304 = tpu.memref_slice %arg13[%run_scoped3A, %dma_wait3A_302, %dma_wait3A_303] : memref<2x80x128xf32, #tpu.memory_space<vmem>> -> memref<1x80x128xf32, #tpu.memory_space<vmem>>
          %dma_wait3A_305 = tpu.memref_squeeze %dma_wait3A_304 : memref<1x80x128xf32, #tpu.memory_space<vmem>> -> memref<80x128xf32, #tpu.memory_space<vmem>>
          tpu.wait_dma2 semaphore(%run_scoped3A_281 : memref<!tpu.dma_semaphore, #tpu.memory_space<semaphore_mem>>) src(%dma_wait3A_305 : memref<80x128xf32, #tpu.memory_space<vmem>>) dst(%dma_wait3A_301 : memref<80x128xf32, #tpu.memory_space<hbm>>)
          tpu.yield
        }) : () -> ()
        %run_scoped3A_279 = arith.constant 1 : i32
        %run_scoped3A_280 = arith.constant 1 : i32
        "tpu.region"() ({
          %run_scoped3A_281 = tpu.sem_alloc : memref<!tpu.dma_semaphore, #tpu.memory_space<semaphore_mem>>
          %dma_start3A_282 = arith.constant 0 : i32
          %dma_start3A_283 = arith.constant 0 : i32
          %dma_start3A_284 = tpu.memref_slice %arg14[%run_scoped3A_279, %dma_start3A_282, %dma_start3A_283] : memref<2x80x128xf32, #tpu.memory_space<vmem>> -> memref<1x80x128xf32, #tpu.memory_space<vmem>>
          %dma_start3A_285 = tpu.memref_squeeze %dma_start3A_284 : memref<1x80x128xf32, #tpu.memory_space<vmem>> -> memref<80x128xf32, #tpu.memory_space<vmem>>
          %dma_start3A_286 = arith.constant 0 : i32
          %dma_start3A_287 = tpu.memref_slice %arg11[%run_scoped3A_280, %dma_start3A_286] : memref<2x80xi32, #tpu.memory_space<vmem>> -> memref<1x80xi32, #tpu.memory_space<vmem>>
          %dma_start3A_288 = tpu.memref_squeeze %dma_start3A_287 : memref<1x80xi32, #tpu.memory_space<vmem>> -> memref<80xi32, #tpu.memory_space<vmem>>
          %dma_start3A_289 = arith.constant 0 : i32
          %dma_start3A_290 = arith.constant 0 : i32
          %dma_start3A_291 = tpu.memref_slice %arg15[%dma_start3A_289, %dma_start3A_290] : memref<10000x128xf32, #tpu.memory_space<vmem_shared>> -> memref<10000x128xf32, #tpu.memory_space<vmem_shared>>
          tpu.enqueue_indirect_dma source(%dma_start3A_285 : memref<80x128xf32, #tpu.memory_space<vmem>>) target(%dma_start3A_291 : memref<10000x128xf32, #tpu.memory_space<vmem_shared>>) offsets(%dma_start3A_288 : memref<80xi32, #tpu.memory_space<vmem>>) semaphore(%run_scoped3A_281 : memref<!tpu.dma_semaphore, #tpu.memory_space<semaphore_mem>>) {add = true}
          %dma_wait3A_292 = arith.constant 0 : i32
          %dma_wait3A_293 = arith.constant 0 : i32
          %dma_wait3A_294 = tpu.memref_slice %arg14[%run_scoped3A_279, %dma_wait3A_292, %dma_wait3A_293] : memref<2x80x128xf32, #tpu.memory_space<vmem>> -> memref<1x80x128xf32, #tpu.memory_space<vmem>>
          %dma_wait3A_295 = tpu.memref_squeeze %dma_wait3A_294 : memref<1x80x128xf32, #tpu.memory_space<vmem>> -> memref<80x128xf32, #tpu.memory_space<vmem>>
          %dma_wait3A_296 = arith.constant 0 : i32
          %dma_wait3A_297 = tpu.memref_slice %arg11[%run_scoped3A_280, %dma_wait3A_296] : memref<2x80xi32, #tpu.memory_space<vmem>> -> memref<1x80xi32, #tpu.memory_space<vmem>>
          %dma_wait3A_298 = tpu.memref_squeeze %dma_wait3A_297 : memref<1x80xi32, #tpu.memory_space<vmem>> -> memref<80xi32, #tpu.memory_space<vmem>>
          %dma_wait3A_299 = arith.constant 0 : i32
          %dma_wait3A_300 = arith.constant 0 : i32
          %dma_wait3A_301 = tpu.memref_slice %arg15[%dma_wait3A_299, %dma_wait3A_300] : memref<10000x128xf32, #tpu.memory_space<vmem_shared>> -> memref<10000x128xf32, #tpu.memory_space<vmem_shared>>
          tpu.wait_indirect_dma semaphore(%run_scoped3A_281 : memref<!tpu.dma_semaphore, #tpu.memory_space<semaphore_mem>>) src(%dma_wait3A_295 : memref<80x128xf32, #tpu.memory_space<vmem>>) dst(%dma_wait3A_301 : memref<10000x128xf32, #tpu.memory_space<vmem_shared>>)
          tpu.yield
        }) : () -> ()
      } else {
      }
      %add3A_211 = arith.constant 2 : i32
      %add3A_212 = arith.addi %add3A_192, %add3A_211 : i32
      %mul3A_213 = arith.constant 32 : i32
      %mul3A_214 = arith.muli %mul3A_213, %add3A_212 : i32
      %add3A_215 = arith.addi %add3A, %mul3A_214 : i32
      %lt3A_216 = arith.constant 4000 : i32
      %lt3A_217 = arith.cmpi slt, %add3A_215, %lt3A_216 : i32
      %convert_element_type3A_218 = arith.extui %lt3A_217 : i1 to i32
      %cond3A_219 = arith.constant 0 : i32
      %cond3A_220 = arith.cmpi ne, %convert_element_type3A_218, %cond3A_219 : i32
      scf.if %cond3A_220 {
        %add3A_222 = arith.constant 2 : i32
        %add3A_223 = arith.addi %add3A_192, %add3A_222 : i32
        %mul3A_224 = arith.constant 32 : i32
        %mul3A_225 = arith.muli %mul3A_224, %add3A_223 : i32
        %add3A_226 = arith.addi %add3A, %mul3A_225 : i32
        %mul3A_227 = arith.constant 80 : i32
        %mul3A_228 = arith.muli %add3A_226, %mul3A_227 : i32
        %dma_start3A_229 = arith.constant 1 : i32
        %dma_start3A_230 = arith.constant 0 : i32
        %dma_start3A_231 = tpu.memref_slice %arg11[%dma_start3A_229, %dma_start3A_230] : memref<2x80xi32, #tpu.memory_space<vmem>> -> memref<1x80xi32, #tpu.memory_space<vmem>>
        %dma_start3A_232 = tpu.memref_squeeze %dma_start3A_231 : memref<1x80xi32, #tpu.memory_space<vmem>> -> memref<80xi32, #tpu.memory_space<vmem>>
        %dma_start3A_233 = tpu.memref_slice %arg6[%mul3A_228] : memref<320000xi32, #tpu.memory_space<hbm>> -> memref<80xi32, #tpu.memory_space<hbm>>
        %dma_start3A_234 = arith.constant 0 : i32
        %dma_start3A_235 = tpu.memref_slice %arg11[%dma_start3A_229, %dma_start3A_234] : memref<2x80xi32, #tpu.memory_space<vmem>> -> memref<1x80xi32, #tpu.memory_space<vmem>>
        %dma_start3A_236 = tpu.memref_squeeze %dma_start3A_235 : memref<1x80xi32, #tpu.memory_space<vmem>> -> memref<80xi32, #tpu.memory_space<vmem>>
        %dma_start3A_237 = tpu.memref_slice %arg6[%mul3A_228] : memref<320000xi32, #tpu.memory_space<hbm>> -> memref<80xi32, #tpu.memory_space<hbm>>
        tpu.enqueue_dma source(%dma_start3A_237 : memref<80xi32, #tpu.memory_space<hbm>>) target(%dma_start3A_236 : memref<80xi32, #tpu.memory_space<vmem>>) target_semaphore(%arg16 : memref<!tpu.dma_semaphore, #tpu.memory_space<semaphore_mem>>)
        %dma_start3A_238 = arith.constant 1 : i32
        %dma_start3A_239 = arith.constant 0 : i32
        %dma_start3A_240 = tpu.memref_slice %arg12[%dma_start3A_238, %dma_start3A_239] : memref<2x80xi32, #tpu.memory_space<vmem>> -> memref<1x80xi32, #tpu.memory_space<vmem>>
        %dma_start3A_241 = tpu.memref_squeeze %dma_start3A_240 : memref<1x80xi32, #tpu.memory_space<vmem>> -> memref<80xi32, #tpu.memory_space<vmem>>
        %dma_start3A_242 = tpu.memref_slice %arg7[%mul3A_228] : memref<320000xi32, #tpu.memory_space<hbm>> -> memref<80xi32, #tpu.memory_space<hbm>>
        %dma_start3A_243 = arith.constant 0 : i32
        %dma_start3A_244 = tpu.memref_slice %arg12[%dma_start3A_238, %dma_start3A_243] : memref<2x80xi32, #tpu.memory_space<vmem>> -> memref<1x80xi32, #tpu.memory_space<vmem>>
        %dma_start3A_245 = tpu.memref_squeeze %dma_start3A_244 : memref<1x80xi32, #tpu.memory_space<vmem>> -> memref<80xi32, #tpu.memory_space<vmem>>
        %dma_start3A_246 = tpu.memref_slice %arg7[%mul3A_228] : memref<320000xi32, #tpu.memory_space<hbm>> -> memref<80xi32, #tpu.memory_space<hbm>>
        tpu.enqueue_dma source(%dma_start3A_246 : memref<80xi32, #tpu.memory_space<hbm>>) target(%dma_start3A_245 : memref<80xi32, #tpu.memory_space<vmem>>) target_semaphore(%arg16 : memref<!tpu.dma_semaphore, #tpu.memory_space<semaphore_mem>>)
        %dma_start3A_247 = arith.constant 1 : i32
        %dma_start3A_248 = arith.constant 0 : i32
        %dma_start3A_249 = arith.constant 0 : i32
        %dma_start3A_250 = tpu.memref_slice %arg13[%dma_start3A_247, %dma_start3A_248, %dma_start3A_249] : memref<2x80x128xf32, #tpu.memory_space<vmem>> -> memref<1x80x128xf32, #tpu.memory_space<vmem>>
        %dma_start3A_251 = tpu.memref_squeeze %dma_start3A_250 : memref<1x80x128xf32, #tpu.memory_space<vmem>> -> memref<80x128xf32, #tpu.memory_space<vmem>>
        %dma_start3A_252 = arith.constant 0 : i32
        %dma_start3A_253 = tpu.memref_slice %arg2[%mul3A_228, %dma_start3A_252] : memref<327680x128xf32, #tpu.memory_space<hbm>> -> memref<80x128xf32, #tpu.memory_space<hbm>>
        %dma_start3A_254 = arith.constant 0 : i32
        %dma_start3A_255 = arith.constant 0 : i32
        %dma_start3A_256 = tpu.memref_slice %arg13[%dma_start3A_247, %dma_start3A_254, %dma_start3A_255] : memref<2x80x128xf32, #tpu.memory_space<vmem>> -> memref<1x80x128xf32, #tpu.memory_space<vmem>>
        %dma_start3A_257 = tpu.memref_squeeze %dma_start3A_256 : memref<1x80x128xf32, #tpu.memory_space<vmem>> -> memref<80x128xf32, #tpu.memory_space<vmem>>
        %dma_start3A_258 = arith.constant 0 : i32
        %dma_start3A_259 = tpu.memref_slice %arg2[%mul3A_228, %dma_start3A_258] : memref<327680x128xf32, #tpu.memory_space<hbm>> -> memref<80x128xf32, #tpu.memory_space<hbm>>
        tpu.enqueue_dma source(%dma_start3A_259 : memref<80x128xf32, #tpu.memory_space<hbm>>) target(%dma_start3A_257 : memref<80x128xf32, #tpu.memory_space<vmem>>) target_semaphore(%arg16 : memref<!tpu.dma_semaphore, #tpu.memory_space<semaphore_mem>>)
      } else {
      }
      %scan3A_221 = arith.constant 0 : i32
      scf.yield %scan3A_221 : i32
    }
    %scan3A_149 = arith.constant 63 : i32
    %barrier3A_150 = arith.constant 0 : index
    tpu.barrier barrier_id(%barrier3A_150)
    %eq3A_151 = arith.constant 0 : i32
    %eq3A_152 = arith.cmpi eq, %arg1, %eq3A_151 : i32
    %convert_element_type3A_153 = arith.extui %eq3A_152 : i1 to i32
    %cond3A_154 = arith.constant 0 : i32
    %cond3A_155 = arith.cmpi ne, %convert_element_type3A_153, %cond3A_154 : i32
    scf.if %cond3A_155 {
      "tpu.region"() ({
        %run_scoped3A = tpu.sem_alloc : memref<!tpu.dma_semaphore, #tpu.memory_space<semaphore_mem>>
        %dma_start3A_156 = arith.constant 0 : i32
        %dma_start3A_157 = arith.constant 0 : i32
        %dma_start3A_158 = tpu.memref_slice %arg10[%arg0, %dma_start3A_156, %dma_start3A_157] : memref<2x10000x128xf32, #tpu.memory_space<hbm>> -> memref<1x10000x128xf32, #tpu.memory_space<hbm>>
        %dma_start3A_159 = tpu.memref_squeeze %dma_start3A_158 : memref<1x10000x128xf32, #tpu.memory_space<hbm>> -> memref<10000x128xf32, #tpu.memory_space<hbm>>
        tpu.enqueue_dma source(%arg15 : memref<10000x128xf32, #tpu.memory_space<vmem_shared>>) target(%dma_start3A_159 : memref<10000x128xf32, #tpu.memory_space<hbm>>) target_semaphore(%run_scoped3A : memref<!tpu.dma_semaphore, #tpu.memory_space<semaphore_mem>>)
        %dma_wait3A_160 = arith.constant 0 : i32
        %dma_wait3A_161 = arith.constant 0 : i32
        %dma_wait3A_162 = tpu.memref_slice %arg10[%arg0, %dma_wait3A_160, %dma_wait3A_161] : memref<2x10000x128xf32, #tpu.memory_space<hbm>> -> memref<1x10000x128xf32, #tpu.memory_space<hbm>>
        %dma_wait3A_163 = tpu.memref_squeeze %dma_wait3A_162 : memref<1x10000x128xf32, #tpu.memory_space<hbm>> -> memref<10000x128xf32, #tpu.memory_space<hbm>>
        tpu.wait_dma2 semaphore(%run_scoped3A : memref<!tpu.dma_semaphore, #tpu.memory_space<semaphore_mem>>) src(%arg15 : memref<10000x128xf32, #tpu.memory_space<vmem_shared>>) dst(%dma_wait3A_163 : memref<10000x128xf32, #tpu.memory_space<hbm>>)
        tpu.yield
      }) : () -> ()
    } else {
    }
    return
  }
}

module attributes {stable_mosaic.version = 14 : i64} {
  func.func @_pp_body(%arg0: i32, %arg1: memref<16x128xf32, #tpu.memory_space<vmem>>, %arg2: memref<128x128xf32, #tpu.memory_space<vmem>>, %arg3: memref<1x128xf32, #tpu.memory_space<vmem>>, %arg4: memref<16x128xf32, #tpu.memory_space<vmem>>, %arg5: memref<128x128xf32, #tpu.memory_space<vmem>>, %arg6: memref<1x128xf32, #tpu.memory_space<vmem>>, %arg7: memref<10240x1xf32, #tpu.memory_space<vmem>>, %arg8: memref<16x128xf32, #tpu.memory_space<vmem>>, %arg9: memref<1x128xf32, #tpu.memory_space<vmem>>, %arg10: memref<16x128xf32, #tpu.memory_space<vmem>>, %arg11: memref<1x128xf32, #tpu.memory_space<vmem>>) attributes {dimension_semantics = [#tpu.dimension_semantics<arbitrary>], iteration_bounds = array<i64: 1>, scalar_prefetch = 0 : i64, scratch_operands = 0 : i64, tpu.core_type = #tpu.core_type<tc>, window_params = [{pipeline_mode = #tpu.pipeline_mode<synchronous>, transform_indices = @transform_0, window_bounds = array<i64: 16, 128>}, {pipeline_mode = #tpu.pipeline_mode<synchronous>, transform_indices = @transform_1, window_bounds = array<i64: 128, 128>}, {pipeline_mode = #tpu.pipeline_mode<synchronous>, transform_indices = @transform_2, window_bounds = array<i64: 1, 128>}, {pipeline_mode = #tpu.pipeline_mode<synchronous>, transform_indices = @transform_3, window_bounds = array<i64: 16, 128>}, {pipeline_mode = #tpu.pipeline_mode<synchronous>, transform_indices = @transform_4, window_bounds = array<i64: 128, 128>}, {pipeline_mode = #tpu.pipeline_mode<synchronous>, transform_indices = @transform_5, window_bounds = array<i64: 1, 128>}, {pipeline_mode = #tpu.pipeline_mode<synchronous>, transform_indices = @transform_6, window_bounds = array<i64: 10240, 1>}, {pipeline_mode = #tpu.pipeline_mode<synchronous>, transform_indices = @transform_7, window_bounds = array<i64: 16, 128>}, {pipeline_mode = #tpu.pipeline_mode<synchronous>, transform_indices = @transform_8, window_bounds = array<i64: 1, 128>}, {pipeline_mode = #tpu.pipeline_mode<synchronous>, transform_indices = @transform_9, window_bounds = array<i64: 16, 128>}, {pipeline_mode = #tpu.pipeline_mode<synchronous>, transform_indices = @transform_10, window_bounds = array<i64: 1, 128>}]} {
    %get3A = arith.constant 0 : index
    %get3A_0 = arith.constant 0 : index
    %get3A_1 = vector.load %arg1[%get3A, %get3A_0] : memref<16x128xf32, #tpu.memory_space<vmem>>, vector<16x128xf32>
    %get3A_2 = arith.constant 0 : index
    %get3A_3 = arith.constant 0 : index
    %get3A_4 = vector.load %arg2[%get3A_2, %get3A_3] : memref<128x128xf32, #tpu.memory_space<vmem>>, vector<128x128xf32>
    %dot_general3A = arith.constant dense<0.000000e+00> : vector<16x128xf32>
    %dot_general3A_5 = tpu.matmul %get3A_1, %get3A_4, %dot_general3A {dimension_numbers = #tpu.dot_dimension_numbers<[1], [0], [0], [1], [0, 0, 1, 1], [], []>, transpose_lhs_hint = false} : vector<16x128xf32>, vector<128x128xf32>, vector<16x128xf32> -> vector<16x128xf32>
    %swap3A = arith.constant 0 : index
    %swap3A_6 = arith.constant 0 : index
    %swap3A_7 = vector.load %arg8[%swap3A, %swap3A_6] : memref<16x128xf32, #tpu.memory_space<vmem>>, vector<16x128xf32>
    tpu.vector_store %arg8[%swap3A, %swap3A_6], %dot_general3A_5 {strides = array<i32>} : memref<16x128xf32, #tpu.memory_space<vmem>>, vector<16x128xf32>,
    %get3A_8 = arith.constant 0 : index
    %get3A_9 = arith.constant 0 : index
    %get3A_10 = vector.load %arg3[%get3A_8, %get3A_9] : memref<1x128xf32, #tpu.memory_space<vmem>>, vector<1x128xf32>
    %get3A_11 = arith.constant 0 : index
    %get3A_12 = arith.constant 0 : index
    %get3A_13 = vector.load %arg2[%get3A_11, %get3A_12] : memref<128x128xf32, #tpu.memory_space<vmem>>, vector<128x128xf32>
    %dot_general3A_14 = arith.constant dense<0.000000e+00> : vector<1x128xf32>
    %dot_general3A_15 = tpu.matmul %get3A_10, %get3A_13, %dot_general3A_14 {dimension_numbers = #tpu.dot_dimension_numbers<[1], [0], [0], [1], [0, 0, 1, 1], [], []>, transpose_lhs_hint = false} : vector<1x128xf32>, vector<128x128xf32>, vector<1x128xf32> -> vector<1x128xf32>
    %swap3A_16 = arith.constant 0 : index
    %swap3A_17 = arith.constant 0 : index
    %swap3A_18 = vector.load %arg9[%swap3A_16, %swap3A_17] : memref<1x128xf32, #tpu.memory_space<vmem>>, vector<1x128xf32>
    tpu.vector_store %arg9[%swap3A_16, %swap3A_17], %dot_general3A_15 {strides = array<i32>} : memref<1x128xf32, #tpu.memory_space<vmem>>, vector<1x128xf32>,
    %get3A_19 = arith.constant 0 : index
    %get3A_20 = arith.constant 0 : index
    %get3A_21 = vector.load %arg4[%get3A_19, %get3A_20] : memref<16x128xf32, #tpu.memory_space<vmem>>, vector<16x128xf32>
    %max3A = arith.constant 0.000000e+00 : f32
    %max3A_22 = vector.broadcast %max3A : f32 to vector<16x128xf32>
    %max3A_23 = arith.maximumf %get3A_21, %max3A_22 : vector<16x128xf32>
    %get3A_24 = arith.constant 0 : index
    %get3A_25 = arith.constant 0 : index
    %get3A_26 = vector.load %arg5[%get3A_24, %get3A_25] : memref<128x128xf32, #tpu.memory_space<vmem>>, vector<128x128xf32>
    %dot_general3A_27 = arith.constant dense<0.000000e+00> : vector<16x128xf32>
    %dot_general3A_28 = tpu.matmul %max3A_23, %get3A_26, %dot_general3A_27 {dimension_numbers = #tpu.dot_dimension_numbers<[1], [0], [0], [1], [0, 0, 1, 1], [], []>, transpose_lhs_hint = false} : vector<16x128xf32>, vector<128x128xf32>, vector<16x128xf32> -> vector<16x128xf32>
    %get3A_29 = arith.constant 0 : index
    %get3A_30 = arith.constant 0 : index
    %get3A_31 = vector.load %arg6[%get3A_29, %get3A_30] : memref<1x128xf32, #tpu.memory_space<vmem>>, vector<1x128xf32>
    %add3A = vector.broadcast %get3A_31 : vector<1x128xf32> to vector<16x128xf32>
    %add3A_32 = arith.addf %dot_general3A_28, %add3A : vector<16x128xf32>
    %swap3A_33 = arith.constant 0 : index
    %swap3A_34 = arith.constant 0 : index
    %swap3A_35 = vector.load %arg10[%swap3A_33, %swap3A_34] : memref<16x128xf32, #tpu.memory_space<vmem>>, vector<16x128xf32>
    tpu.vector_store %arg10[%swap3A_33, %swap3A_34], %add3A_32 {strides = array<i32>} : memref<16x128xf32, #tpu.memory_space<vmem>>, vector<16x128xf32>,
    %iota3A = tpu.iota {dimensions = array<i32: 1>} : vector<10240x128xi32>
    %convert_element_type3A = arith.sitofp %iota3A : vector<10240x128xi32> to vector<10240x128xf32>
    %get3A_36 = arith.constant 0 : index
    %get3A_37 = arith.constant 0 : index
    %get3A_38 = vector.load %arg7[%get3A_36, %get3A_37] : memref<10240x1xf32, #tpu.memory_space<vmem>>, vector<10240x1xf32>
    %lt3A = vector.broadcast %get3A_38 : vector<10240x1xf32> to vector<10240x128xf32>
    %lt3A_39 = arith.cmpf olt, %lt3A, %convert_element_type3A : vector<10240x128xf32>
    %convert_element_type3A_40 = arith.extui %lt3A_39 : vector<10240x128xi1> to vector<10240x128xi32>
    %convert_element_type3A_41 = arith.sitofp %convert_element_type3A_40 : vector<10240x128xi32> to vector<10240x128xf32>
    %broadcast_in_dim3A = arith.constant 1.000000e+00 : f32
    %broadcast_in_dim3A_42 = vector.broadcast %broadcast_in_dim3A : f32 to vector<1x10240xf32>
    %dot_general3A_43 = arith.constant dense<0.000000e+00> : vector<1x128xf32>
    %dot_general3A_44 = tpu.matmul %broadcast_in_dim3A_42, %convert_element_type3A_41, %dot_general3A_43 {dimension_numbers = #tpu.dot_dimension_numbers<[1], [0], [0], [1], [0, 0, 1, 1], [], []>, transpose_lhs_hint = false} : vector<1x10240xf32>, vector<10240x128xf32>, vector<1x128xf32> -> vector<1x128xf32>
    %swap3A_45 = arith.constant 0 : index
    %swap3A_46 = arith.constant 0 : index
    %swap3A_47 = vector.load %arg11[%swap3A_45, %swap3A_46] : memref<1x128xf32, #tpu.memory_space<vmem>>, vector<1x128xf32>
    tpu.vector_store %arg11[%swap3A_45, %swap3A_46], %dot_general3A_44 {strides = array<i32>} : memref<1x128xf32, #tpu.memory_space<vmem>>, vector<1x128xf32>,
    return
  }
  func.func @transform_0(%arg0: i32) -> (i32, i32) {
    %c0_i32 = arith.constant 0 : i32
    %c0_i32_0 = arith.constant 0 : i32
    %c0_i32_1 = arith.constant 0 : i32
    return %c0_i32, %c0_i32_0 : i32, i32
  }
  func.func @transform_1(%arg0: i32) -> (i32, i32) {
    %c0_i32 = arith.constant 0 : i32
    %c0_i32_0 = arith.constant 0 : i32
    %c0_i32_1 = arith.constant 0 : i32
    return %c0_i32, %c0_i32_0 : i32, i32
  }
  func.func @transform_2(%arg0: i32) -> (i32, i32) {
    %c0_i32 = arith.constant 0 : i32
    %c0_i32_0 = arith.constant 0 : i32
    %c0_i32_1 = arith.constant 0 : i32
    return %c0_i32, %c0_i32_0 : i32, i32
  }
  func.func @transform_3(%arg0: i32) -> (i32, i32) {
    %c0_i32 = arith.constant 0 : i32
    %c0_i32_0 = arith.constant 0 : i32
    %c0_i32_1 = arith.constant 0 : i32
    return %c0_i32, %c0_i32_0 : i32, i32
  }
  func.func @transform_4(%arg0: i32) -> (i32, i32) {
    %c0_i32 = arith.constant 0 : i32
    %c0_i32_0 = arith.constant 0 : i32
    %c0_i32_1 = arith.constant 0 : i32
    return %c0_i32, %c0_i32_0 : i32, i32
  }
  func.func @transform_5(%arg0: i32) -> (i32, i32) {
    %c0_i32 = arith.constant 0 : i32
    %c0_i32_0 = arith.constant 0 : i32
    %c0_i32_1 = arith.constant 0 : i32
    return %c0_i32, %c0_i32_0 : i32, i32
  }
  func.func @transform_6(%arg0: i32) -> (i32, i32) {
    %c0_i32 = arith.constant 0 : i32
    %c0_i32_0 = arith.constant 0 : i32
    %c0_i32_1 = arith.constant 0 : i32
    return %c0_i32, %c0_i32_0 : i32, i32
  }
  func.func @transform_7(%arg0: i32) -> (i32, i32) {
    %c0_i32 = arith.constant 0 : i32
    %c0_i32_0 = arith.constant 0 : i32
    %c0_i32_1 = arith.constant 0 : i32
    return %c0_i32, %c0_i32_0 : i32, i32
  }
  func.func @transform_8(%arg0: i32) -> (i32, i32) {
    %c0_i32 = arith.constant 0 : i32
    %c0_i32_0 = arith.constant 0 : i32
    %c0_i32_1 = arith.constant 0 : i32
    return %c0_i32, %c0_i32_0 : i32, i32
  }
  func.func @transform_9(%arg0: i32) -> (i32, i32) {
    %c0_i32 = arith.constant 0 : i32
    %c0_i32_0 = arith.constant 0 : i32
    %c0_i32_1 = arith.constant 0 : i32
    return %c0_i32, %c0_i32_0 : i32, i32
  }
  func.func @transform_10(%arg0: i32) -> (i32, i32) {
    %c0_i32 = arith.constant 0 : i32
    %c0_i32_0 = arith.constant 0 : i32
    %c0_i32_1 = arith.constant 0 : i32
    return %c0_i32, %c0_i32_0 : i32, i32
  }
}

module attributes {stable_mosaic.version = 14 : i64} {
  func.func @_a_body(%arg0: i32, %arg1: memref<16x8192xf32, #tpu.memory_space<vmem>>, %arg2: memref<16x128xf32, #tpu.memory_space<vmem>>, %arg3: memref<1x128xf32, #tpu.memory_space<vmem>>, %arg4: memref<8192x128xf32, #tpu.memory_space<vmem>>) attributes {dimension_semantics = [#tpu.dimension_semantics<arbitrary>], iteration_bounds = array<i64: 40>, scalar_prefetch = 0 : i64, scratch_operands = 0 : i64, tpu.core_type = #tpu.core_type<tc>, window_params = [{transform_indices = @transform_0, window_bounds = array<i64: 16, 8192>}, {pipeline_mode = #tpu.pipeline_mode<synchronous>, transform_indices = @transform_1, window_bounds = array<i64: 16, 128>}, {pipeline_mode = #tpu.pipeline_mode<synchronous>, transform_indices = @transform_2, window_bounds = array<i64: 1, 128>}, {transform_indices = @transform_3, window_bounds = array<i64: 8192, 128>}]} {
    %get3A = arith.constant 0 : index
    %get3A_0 = arith.constant 0 : index
    %get3A_1 = vector.load %arg1[%get3A, %get3A_0] : memref<16x8192xf32, #tpu.memory_space<vmem>>, vector<16x8192xf32>
    %get3A_2 = arith.constant 0 : index
    %get3A_3 = arith.constant 0 : index
    %get3A_4 = vector.load %arg2[%get3A_2, %get3A_3] : memref<16x128xf32, #tpu.memory_space<vmem>>, vector<16x128xf32>
    %dot_general3A = arith.constant dense<0.000000e+00> : vector<8192x128xf32>
    %dot_general3A_5 = tpu.matmul %get3A_1, %get3A_4, %dot_general3A {dimension_numbers = #tpu.dot_dimension_numbers<[0], [0], [1], [1], [0, 1, 1, 1], [], []>, transpose_lhs_hint = false} : vector<16x8192xf32>, vector<16x128xf32>, vector<8192x128xf32> -> vector<8192x128xf32>
    %get3A_6 = arith.constant 0 : index
    %get3A_7 = arith.constant 0 : index
    %get3A_8 = vector.load %arg3[%get3A_6, %get3A_7] : memref<1x128xf32, #tpu.memory_space<vmem>>, vector<1x128xf32>
    %add3A = vector.broadcast %get3A_8 : vector<1x128xf32> to vector<8192x128xf32>
    %add3A_9 = arith.addf %dot_general3A_5, %add3A : vector<8192x128xf32>
    %swap3A = arith.constant 0 : index
    %swap3A_10 = arith.constant 0 : index
    %swap3A_11 = vector.load %arg4[%swap3A, %swap3A_10] : memref<8192x128xf32, #tpu.memory_space<vmem>>, vector<8192x128xf32>
    tpu.vector_store %arg4[%swap3A, %swap3A_10], %add3A_9 {strides = array<i32>} : memref<8192x128xf32, #tpu.memory_space<vmem>>, vector<8192x128xf32>,
    return
  }
  func.func @transform_0(%arg0: i32) -> (i32, i32) {
    %c0_i32 = arith.constant 0 : i32
    %c0_i32_0 = arith.constant 0 : i32
    return %c0_i32, %arg0 : i32, i32
  }
  func.func @transform_1(%arg0: i32) -> (i32, i32) {
    %c0_i32 = arith.constant 0 : i32
    %c0_i32_0 = arith.constant 0 : i32
    %c0_i32_1 = arith.constant 0 : i32
    return %c0_i32, %c0_i32_0 : i32, i32
  }
  func.func @transform_2(%arg0: i32) -> (i32, i32) {
    %c0_i32 = arith.constant 0 : i32
    %c0_i32_0 = arith.constant 0 : i32
    %c0_i32_1 = arith.constant 0 : i32
    return %c0_i32, %c0_i32_0 : i32, i32
  }
  func.func @transform_3(%arg0: i32) -> (i32, i32) {
    %c0_i32 = arith.constant 0 : i32
    %c0_i32_0 = arith.constant 0 : i32
    return %arg0, %c0_i32 : i32, i32
  }
}

module attributes {stable_mosaic.version = 14 : i64} {
  func.func @_node_body(%arg0: i32, %arg1: memref<1000x128xf32, #tpu.memory_space<vmem>>, %arg2: memref<128x128xf32, #tpu.memory_space<vmem>>, %arg3: memref<128x128xf32, #tpu.memory_space<vmem>>, %arg4: memref<128x128xf32, #tpu.memory_space<vmem>>, %arg5: memref<128x128xf32, #tpu.memory_space<vmem>>, %arg6: memref<1x128xf32, #tpu.memory_space<vmem>>, %arg7: memref<1x128xf32, #tpu.memory_space<vmem>>, %arg8: memref<1x128xf32, #tpu.memory_space<vmem>>, %arg9: memref<1x128xf32, #tpu.memory_space<vmem>>, %arg10: memref<1000x128xf32, #tpu.memory_space<vmem>>, %arg11: memref<1000x128xf32, #tpu.memory_space<vmem>>, %arg12: memref<1000x128xf32, #tpu.memory_space<vmem>>, %arg13: memref<1000x128xf32, #tpu.memory_space<vmem>>) attributes {dimension_semantics = [#tpu.dimension_semantics<arbitrary>], iteration_bounds = array<i64: 10>, scalar_prefetch = 0 : i64, scratch_operands = 0 : i64, tpu.core_type = #tpu.core_type<tc>, window_params = [{transform_indices = @transform_0, window_bounds = array<i64: 1000, 128>}, {pipeline_mode = #tpu.pipeline_mode<synchronous>, transform_indices = @transform_1, window_bounds = array<i64: 128, 128>}, {pipeline_mode = #tpu.pipeline_mode<synchronous>, transform_indices = @transform_2, window_bounds = array<i64: 128, 128>}, {pipeline_mode = #tpu.pipeline_mode<synchronous>, transform_indices = @transform_3, window_bounds = array<i64: 128, 128>}, {pipeline_mode = #tpu.pipeline_mode<synchronous>, transform_indices = @transform_4, window_bounds = array<i64: 128, 128>}, {pipeline_mode = #tpu.pipeline_mode<synchronous>, transform_indices = @transform_5, window_bounds = array<i64: 1, 128>}, {pipeline_mode = #tpu.pipeline_mode<synchronous>, transform_indices = @transform_6, window_bounds = array<i64: 1, 128>}, {pipeline_mode = #tpu.pipeline_mode<synchronous>, transform_indices = @transform_7, window_bounds = array<i64: 1, 128>}, {pipeline_mode = #tpu.pipeline_mode<synchronous>, transform_indices = @transform_8, window_bounds = array<i64: 1, 128>}, {transform_indices = @transform_9, window_bounds = array<i64: 1000, 128>}, {transform_indices = @transform_10, window_bounds = array<i64: 1000, 128>}, {transform_indices = @transform_11, window_bounds = array<i64: 1000, 128>}, {transform_indices = @transform_12, window_bounds = array<i64: 1000, 128>}]} {
    %get3A = arith.constant 0 : index
    %get3A_0 = arith.constant 0 : index
    %get3A_1 = vector.load %arg1[%get3A, %get3A_0] : memref<1000x128xf32, #tpu.memory_space<vmem>>, vector<1000x128xf32>
    %get3A_2 = arith.constant 0 : index
    %get3A_3 = arith.constant 0 : index
    %get3A_4 = vector.load %arg2[%get3A_2, %get3A_3] : memref<128x128xf32, #tpu.memory_space<vmem>>, vector<128x128xf32>
    %dot_general3A = arith.constant dense<0.000000e+00> : vector<1000x128xf32>
    %dot_general3A_5 = tpu.matmul %get3A_1, %get3A_4, %dot_general3A {dimension_numbers = #tpu.dot_dimension_numbers<[1], [0], [0], [1], [0, 0, 1, 1], [], []>, transpose_lhs_hint = false} : vector<1000x128xf32>, vector<128x128xf32>, vector<1000x128xf32> -> vector<1000x128xf32>
    %get3A_6 = arith.constant 0 : index
    %get3A_7 = arith.constant 0 : index
    %get3A_8 = vector.load %arg6[%get3A_6, %get3A_7] : memref<1x128xf32, #tpu.memory_space<vmem>>, vector<1x128xf32>
    %add3A = vector.broadcast %get3A_8 : vector<1x128xf32> to vector<1000x128xf32>
    %add3A_9 = arith.addf %dot_general3A_5, %add3A : vector<1000x128xf32>
    %swap3A = arith.constant 0 : index
    %swap3A_10 = arith.constant 0 : index
    %swap3A_11 = vector.load %arg10[%swap3A, %swap3A_10] : memref<1000x128xf32, #tpu.memory_space<vmem>>, vector<1000x128xf32>
    tpu.vector_store %arg10[%swap3A, %swap3A_10], %add3A_9 {strides = array<i32>} : memref<1000x128xf32, #tpu.memory_space<vmem>>, vector<1000x128xf32>,
    %get3A_12 = arith.constant 0 : index
    %get3A_13 = arith.constant 0 : index
    %get3A_14 = vector.load %arg3[%get3A_12, %get3A_13] : memref<128x128xf32, #tpu.memory_space<vmem>>, vector<128x128xf32>
    %dot_general3A_15 = arith.constant dense<0.000000e+00> : vector<1000x128xf32>
    %dot_general3A_16 = tpu.matmul %get3A_1, %get3A_14, %dot_general3A_15 {dimension_numbers = #tpu.dot_dimension_numbers<[1], [0], [0], [1], [0, 0, 1, 1], [], []>, transpose_lhs_hint = false} : vector<1000x128xf32>, vector<128x128xf32>, vector<1000x128xf32> -> vector<1000x128xf32>
    %get3A_17 = arith.constant 0 : index
    %get3A_18 = arith.constant 0 : index
    %get3A_19 = vector.load %arg7[%get3A_17, %get3A_18] : memref<1x128xf32, #tpu.memory_space<vmem>>, vector<1x128xf32>
    %add3A_20 = vector.broadcast %get3A_19 : vector<1x128xf32> to vector<1000x128xf32>
    %add3A_21 = arith.addf %dot_general3A_16, %add3A_20 : vector<1000x128xf32>
    %swap3A_22 = arith.constant 0 : index
    %swap3A_23 = arith.constant 0 : index
    %swap3A_24 = vector.load %arg11[%swap3A_22, %swap3A_23] : memref<1000x128xf32, #tpu.memory_space<vmem>>, vector<1000x128xf32>
    tpu.vector_store %arg11[%swap3A_22, %swap3A_23], %add3A_21 {strides = array<i32>} : memref<1000x128xf32, #tpu.memory_space<vmem>>, vector<1000x128xf32>,
    %get3A_25 = arith.constant 0 : index
    %get3A_26 = arith.constant 0 : index
    %get3A_27 = vector.load %arg4[%get3A_25, %get3A_26] : memref<128x128xf32, #tpu.memory_space<vmem>>, vector<128x128xf32>
    %dot_general3A_28 = arith.constant dense<0.000000e+00> : vector<1000x128xf32>
    %dot_general3A_29 = tpu.matmul %get3A_1, %get3A_27, %dot_general3A_28 {dimension_numbers = #tpu.dot_dimension_numbers<[1], [0], [0], [1], [0, 0, 1, 1], [], []>, transpose_lhs_hint = false} : vector<1000x128xf32>, vector<128x128xf32>, vector<1000x128xf32> -> vector<1000x128xf32>
    %get3A_30 = arith.constant 0 : index
    %get3A_31 = arith.constant 0 : index
    %get3A_32 = vector.load %arg8[%get3A_30, %get3A_31] : memref<1x128xf32, #tpu.memory_space<vmem>>, vector<1x128xf32>
    %add3A_33 = vector.broadcast %get3A_32 : vector<1x128xf32> to vector<1000x128xf32>
    %add3A_34 = arith.addf %dot_general3A_29, %add3A_33 : vector<1000x128xf32>
    %swap3A_35 = arith.constant 0 : index
    %swap3A_36 = arith.constant 0 : index
    %swap3A_37 = vector.load %arg12[%swap3A_35, %swap3A_36] : memref<1000x128xf32, #tpu.memory_space<vmem>>, vector<1000x128xf32>
    tpu.vector_store %arg12[%swap3A_35, %swap3A_36], %add3A_34 {strides = array<i32>} : memref<1000x128xf32, #tpu.memory_space<vmem>>, vector<1000x128xf32>,
    %get3A_38 = arith.constant 0 : index
    %get3A_39 = arith.constant 0 : index
    %get3A_40 = vector.load %arg5[%get3A_38, %get3A_39] : memref<128x128xf32, #tpu.memory_space<vmem>>, vector<128x128xf32>
    %dot_general3A_41 = arith.constant dense<0.000000e+00> : vector<1000x128xf32>
    %dot_general3A_42 = tpu.matmul %get3A_1, %get3A_40, %dot_general3A_41 {dimension_numbers = #tpu.dot_dimension_numbers<[1], [0], [0], [1], [0, 0, 1, 1], [], []>, transpose_lhs_hint = false} : vector<1000x128xf32>, vector<128x128xf32>, vector<1000x128xf32> -> vector<1000x128xf32>
    %get3A_43 = arith.constant 0 : index
    %get3A_44 = arith.constant 0 : index
    %get3A_45 = vector.load %arg9[%get3A_43, %get3A_44] : memref<1x128xf32, #tpu.memory_space<vmem>>, vector<1x128xf32>
    %add3A_46 = vector.broadcast %get3A_45 : vector<1x128xf32> to vector<1000x128xf32>
    %add3A_47 = arith.addf %dot_general3A_42, %add3A_46 : vector<1000x128xf32>
    %swap3A_48 = arith.constant 0 : index
    %swap3A_49 = arith.constant 0 : index
    %swap3A_50 = vector.load %arg13[%swap3A_48, %swap3A_49] : memref<1000x128xf32, #tpu.memory_space<vmem>>, vector<1000x128xf32>
    tpu.vector_store %arg13[%swap3A_48, %swap3A_49], %add3A_47 {strides = array<i32>} : memref<1000x128xf32, #tpu.memory_space<vmem>>, vector<1000x128xf32>,
    return
  }
  func.func @transform_0(%arg0: i32) -> (i32, i32) {
    %c0_i32 = arith.constant 0 : i32
    %c0_i32_0 = arith.constant 0 : i32
    return %arg0, %c0_i32 : i32, i32
  }
  func.func @transform_1(%arg0: i32) -> (i32, i32) {
    %c0_i32 = arith.constant 0 : i32
    %c0_i32_0 = arith.constant 0 : i32
    %c0_i32_1 = arith.constant 0 : i32
    return %c0_i32, %c0_i32_0 : i32, i32
  }
  func.func @transform_2(%arg0: i32) -> (i32, i32) {
    %c0_i32 = arith.constant 0 : i32
    %c0_i32_0 = arith.constant 0 : i32
    %c0_i32_1 = arith.constant 0 : i32
    return %c0_i32, %c0_i32_0 : i32, i32
  }
  func.func @transform_3(%arg0: i32) -> (i32, i32) {
    %c0_i32 = arith.constant 0 : i32
    %c0_i32_0 = arith.constant 0 : i32
    %c0_i32_1 = arith.constant 0 : i32
    return %c0_i32, %c0_i32_0 : i32, i32
  }
  func.func @transform_4(%arg0: i32) -> (i32, i32) {
    %c0_i32 = arith.constant 0 : i32
    %c0_i32_0 = arith.constant 0 : i32
    %c0_i32_1 = arith.constant 0 : i32
    return %c0_i32, %c0_i32_0 : i32, i32
  }
  func.func @transform_5(%arg0: i32) -> (i32, i32) {
    %c0_i32 = arith.constant 0 : i32
    %c0_i32_0 = arith.constant 0 : i32
    %c0_i32_1 = arith.constant 0 : i32
    return %c0_i32, %c0_i32_0 : i32, i32
  }
  func.func @transform_6(%arg0: i32) -> (i32, i32) {
    %c0_i32 = arith.constant 0 : i32
    %c0_i32_0 = arith.constant 0 : i32
    %c0_i32_1 = arith.constant 0 : i32
    return %c0_i32, %c0_i32_0 : i32, i32
  }
  func.func @transform_7(%arg0: i32) -> (i32, i32) {
    %c0_i32 = arith.constant 0 : i32
    %c0_i32_0 = arith.constant 0 : i32
    %c0_i32_1 = arith.constant 0 : i32
    return %c0_i32, %c0_i32_0 : i32, i32
  }
  func.func @transform_8(%arg0: i32) -> (i32, i32) {
    %c0_i32 = arith.constant 0 : i32
    %c0_i32_0 = arith.constant 0 : i32
    %c0_i32_1 = arith.constant 0 : i32
    return %c0_i32, %c0_i32_0 : i32, i32
  }
  func.func @transform_9(%arg0: i32) -> (i32, i32) {
    %c0_i32 = arith.constant 0 : i32
    %c0_i32_0 = arith.constant 0 : i32
    return %arg0, %c0_i32 : i32, i32
  }
  func.func @transform_10(%arg0: i32) -> (i32, i32) {
    %c0_i32 = arith.constant 0 : i32
    %c0_i32_0 = arith.constant 0 : i32
    return %arg0, %c0_i32 : i32, i32
  }
  func.func @transform_11(%arg0: i32) -> (i32, i32) {
    %c0_i32 = arith.constant 0 : i32
    %c0_i32_0 = arith.constant 0 : i32
    return %arg0, %c0_i32 : i32, i32
  }
  func.func @transform_12(%arg0: i32) -> (i32, i32) {
    %c0_i32 = arith.constant 0 : i32
    %c0_i32_0 = arith.constant 0 : i32
    return %arg0, %c0_i32 : i32, i32
  }
}

module attributes {stable_mosaic.version = 14 : i64} {
  func.func @_stats_body(%arg0: i32, %arg1: memref<8192x128xf32, #tpu.memory_space<vmem>>, %arg2: memref<8192xi32, #tpu.memory_space<vmem>>, %arg3: memref<1x128xf32, #tpu.memory_space<vmem>>, %arg4: memref<16x128xf32, #tpu.memory_space<vmem>>, %arg5: memref<16x128xf32, #tpu.memory_space<vmem>>, %arg6: memref<16x128xf32, #tpu.memory_space<vmem>>) attributes {dimension_semantics = [#tpu.dimension_semantics<arbitrary>], iteration_bounds = array<i64: 40>, scalar_prefetch = 0 : i64, scratch_operands = 0 : i64, tpu.core_type = #tpu.core_type<tc>, window_params = [{transform_indices = @transform_0, window_bounds = array<i64: 8192, 128>}, {transform_indices = @transform_1, window_bounds = array<i64: 8192>}, {pipeline_mode = #tpu.pipeline_mode<synchronous>, transform_indices = @transform_2, window_bounds = array<i64: 1, 128>}, {pipeline_mode = #tpu.pipeline_mode<synchronous>, transform_indices = @transform_3, window_bounds = array<i64: 16, 128>}, {pipeline_mode = #tpu.pipeline_mode<synchronous>, transform_indices = @transform_4, window_bounds = array<i64: 16, 128>}, {pipeline_mode = #tpu.pipeline_mode<synchronous>, transform_indices = @transform_5, window_bounds = array<i64: 16, 128>}]} {
    %eq3A = arith.constant 0 : i32
    %eq3A_0 = arith.cmpi eq, %arg0, %eq3A : i32
    %convert_element_type3A = arith.extui %eq3A_0 : i1 to i32
    %cond3A = arith.constant 0 : i32
    %cond3A_1 = arith.cmpi ne, %convert_element_type3A, %cond3A : i32
    scf.if %cond3A_1 {
      %broadcast_in_dim3A_169 = arith.constant 0.000000e+00 : f32
      %broadcast_in_dim3A_170 = vector.broadcast %broadcast_in_dim3A_169 : f32 to vector<16x128xf32>
      %swap3A_171 = arith.constant 0 : index
      %swap3A_172 = arith.constant 0 : index
      %swap3A_173 = vector.load %arg4[%swap3A_171, %swap3A_172] : memref<16x128xf32, #tpu.memory_space<vmem>>, vector<16x128xf32>
      tpu.vector_store %arg4[%swap3A_171, %swap3A_172], %broadcast_in_dim3A_170 {strides = array<i32>} : memref<16x128xf32, #tpu.memory_space<vmem>>, vector<16x128xf32>,
      %broadcast_in_dim3A_174 = arith.constant 0.000000e+00 : f32
      %broadcast_in_dim3A_175 = vector.broadcast %broadcast_in_dim3A_174 : f32 to vector<16x128xf32>
      %swap3A_176 = arith.constant 0 : index
      %swap3A_177 = arith.constant 0 : index
      %swap3A_178 = vector.load %arg5[%swap3A_176, %swap3A_177] : memref<16x128xf32, #tpu.memory_space<vmem>>, vector<16x128xf32>
      tpu.vector_store %arg5[%swap3A_176, %swap3A_177], %broadcast_in_dim3A_175 {strides = array<i32>} : memref<16x128xf32, #tpu.memory_space<vmem>>, vector<16x128xf32>,
      %broadcast_in_dim3A_179 = arith.constant 0.000000e+00 : f32
      %broadcast_in_dim3A_180 = vector.broadcast %broadcast_in_dim3A_179 : f32 to vector<16x128xf32>
      %swap3A_181 = arith.constant 0 : index
      %swap3A_182 = arith.constant 0 : index
      %swap3A_183 = vector.load %arg6[%swap3A_181, %swap3A_182] : memref<16x128xf32, #tpu.memory_space<vmem>>, vector<16x128xf32>
      tpu.vector_store %arg6[%swap3A_181, %swap3A_182], %broadcast_in_dim3A_180 {strides = array<i32>} : memref<16x128xf32, #tpu.memory_space<vmem>>, vector<16x128xf32>,
    } else {
    }
    %get3A = arith.constant 0 : index
    %get3A_2 = vector.load %arg2[%get3A] : memref<8192xi32, #tpu.memory_space<vmem>>, vector<8192xi32>
    %broadcast_in_dim3A = vector.shape_cast %get3A_2 : vector<8192xi32> to vector<8192x1xi32>
    %ge3A = arith.constant 0 : i32
    %ge3A_3 = vector.broadcast %ge3A : i32 to vector<8192x1xi32>
    %ge3A_4 = arith.cmpi sge, %broadcast_in_dim3A, %ge3A_3 : vector<8192x1xi32>
    %get3A_5 = arith.constant 0 : index
    %get3A_6 = arith.constant 0 : index
    %get3A_7 = vector.load %arg1[%get3A_5, %get3A_6] : memref<8192x128xf32, #tpu.memory_space<vmem>>, vector<8192x128xf32>
    %jit3A = arith.constant 0.000000e+00 : f32
    %broadcast_in_dim3A_8 = vector.shape_cast %ge3A_4 : vector<8192x1xi1> to vector<8192x1xi1>
    %broadcast_in_dim3A_9 = vector.broadcast %broadcast_in_dim3A_8 : vector<8192x1xi1> to vector<8192x128xi1>
    %broadcast_in_dim3A_10 = vector.broadcast %jit3A : f32 to vector<8192x128xf32>
    %select_n3A = arith.select %broadcast_in_dim3A_9, %get3A_7, %broadcast_in_dim3A_10 : vector<8192x128xi1>, vector<8192x128xf32>
    %convert_element_type3A_11 = arith.sitofp %get3A_2 : vector<8192xi32> to vector<8192xf32>
    %broadcast_in_dim3A_12 = arith.constant 0 : i32
    %broadcast_in_dim3A_13 = vector.broadcast %broadcast_in_dim3A_12 : i32 to vector<8192xi32>
    %get3A_14 = arith.constant 0 : index
    %get3A_15 = arith.constant 1 : index
    %get3A_16 = vector.load %arg3[%get3A_14, %get3A_15] : memref<1x128xf32, #tpu.memory_space<vmem>>, vector<1x1xf32>
    %get3A_17 = vector.extract %get3A_16[0, 0] : f32 from vector<1x1xf32>
    %ge3A_18 = vector.broadcast %get3A_17 : f32 to vector<8192xf32>
    %ge3A_19 = arith.cmpf oge, %convert_element_type3A_11, %ge3A_18 : vector<8192xf32>
    %convert_element_type3A_20 = arith.extui %ge3A_19 : vector<8192xi1> to vector<8192xi32>
    %add3A = arith.addi %broadcast_in_dim3A_13, %convert_element_type3A_20 : vector<8192xi32>
    %get3A_21 = arith.constant 0 : index
    %get3A_22 = arith.constant 2 : index
    %get3A_23 = vector.load %arg3[%get3A_21, %get3A_22] : memref<1x128xf32, #tpu.memory_space<vmem>>, vector<1x1xf32>
    %get3A_24 = vector.extract %get3A_23[0, 0] : f32 from vector<1x1xf32>
    %ge3A_25 = vector.broadcast %get3A_24 : f32 to vector<8192xf32>
    %ge3A_26 = arith.cmpf oge, %convert_element_type3A_11, %ge3A_25 : vector<8192xf32>
    %convert_element_type3A_27 = arith.extui %ge3A_26 : vector<8192xi1> to vector<8192xi32>
    %add3A_28 = arith.addi %add3A, %convert_element_type3A_27 : vector<8192xi32>
    %get3A_29 = arith.constant 0 : index
    %get3A_30 = arith.constant 3 : index
    %get3A_31 = vector.load %arg3[%get3A_29, %get3A_30] : memref<1x128xf32, #tpu.memory_space<vmem>>, vector<1x1xf32>
    %get3A_32 = vector.extract %get3A_31[0, 0] : f32 from vector<1x1xf32>
    %ge3A_33 = vector.broadcast %get3A_32 : f32 to vector<8192xf32>
    %ge3A_34 = arith.cmpf oge, %convert_element_type3A_11, %ge3A_33 : vector<8192xf32>
    %convert_element_type3A_35 = arith.extui %ge3A_34 : vector<8192xi1> to vector<8192xi32>
    %add3A_36 = arith.addi %add3A_28, %convert_element_type3A_35 : vector<8192xi32>
    %get3A_37 = arith.constant 0 : index
    %get3A_38 = arith.constant 4 : index
    %get3A_39 = vector.load %arg3[%get3A_37, %get3A_38] : memref<1x128xf32, #tpu.memory_space<vmem>>, vector<1x1xf32>
    %get3A_40 = vector.extract %get3A_39[0, 0] : f32 from vector<1x1xf32>
    %ge3A_41 = vector.broadcast %get3A_40 : f32 to vector<8192xf32>
    %ge3A_42 = arith.cmpf oge, %convert_element_type3A_11, %ge3A_41 : vector<8192xf32>
    %convert_element_type3A_43 = arith.extui %ge3A_42 : vector<8192xi1> to vector<8192xi32>
    %add3A_44 = arith.addi %add3A_36, %convert_element_type3A_43 : vector<8192xi32>
    %get3A_45 = arith.constant 0 : index
    %get3A_46 = arith.constant 5 : index
    %get3A_47 = vector.load %arg3[%get3A_45, %get3A_46] : memref<1x128xf32, #tpu.memory_space<vmem>>, vector<1x1xf32>
    %get3A_48 = vector.extract %get3A_47[0, 0] : f32 from vector<1x1xf32>
    %ge3A_49 = vector.broadcast %get3A_48 : f32 to vector<8192xf32>
    %ge3A_50 = arith.cmpf oge, %convert_element_type3A_11, %ge3A_49 : vector<8192xf32>
    %convert_element_type3A_51 = arith.extui %ge3A_50 : vector<8192xi1> to vector<8192xi32>
    %add3A_52 = arith.addi %add3A_44, %convert_element_type3A_51 : vector<8192xi32>
    %get3A_53 = arith.constant 0 : index
    %get3A_54 = arith.constant 6 : index
    %get3A_55 = vector.load %arg3[%get3A_53, %get3A_54] : memref<1x128xf32, #tpu.memory_space<vmem>>, vector<1x1xf32>
    %get3A_56 = vector.extract %get3A_55[0, 0] : f32 from vector<1x1xf32>
    %ge3A_57 = vector.broadcast %get3A_56 : f32 to vector<8192xf32>
    %ge3A_58 = arith.cmpf oge, %convert_element_type3A_11, %ge3A_57 : vector<8192xf32>
    %convert_element_type3A_59 = arith.extui %ge3A_58 : vector<8192xi1> to vector<8192xi32>
    %add3A_60 = arith.addi %add3A_52, %convert_element_type3A_59 : vector<8192xi32>
    %get3A_61 = arith.constant 0 : index
    %get3A_62 = arith.constant 7 : index
    %get3A_63 = vector.load %arg3[%get3A_61, %get3A_62] : memref<1x128xf32, #tpu.memory_space<vmem>>, vector<1x1xf32>
    %get3A_64 = vector.extract %get3A_63[0, 0] : f32 from vector<1x1xf32>
    %ge3A_65 = vector.broadcast %get3A_64 : f32 to vector<8192xf32>
    %ge3A_66 = arith.cmpf oge, %convert_element_type3A_11, %ge3A_65 : vector<8192xf32>
    %convert_element_type3A_67 = arith.extui %ge3A_66 : vector<8192xi1> to vector<8192xi32>
    %add3A_68 = arith.addi %add3A_60, %convert_element_type3A_67 : vector<8192xi32>
    %get3A_69 = arith.constant 0 : index
    %get3A_70 = arith.constant 8 : index
    %get3A_71 = vector.load %arg3[%get3A_69, %get3A_70] : memref<1x128xf32, #tpu.memory_space<vmem>>, vector<1x1xf32>
    %get3A_72 = vector.extract %get3A_71[0, 0] : f32 from vector<1x1xf32>
    %ge3A_73 = vector.broadcast %get3A_72 : f32 to vector<8192xf32>
    %ge3A_74 = arith.cmpf oge, %convert_element_type3A_11, %ge3A_73 : vector<8192xf32>
    %convert_element_type3A_75 = arith.extui %ge3A_74 : vector<8192xi1> to vector<8192xi32>
    %add3A_76 = arith.addi %add3A_68, %convert_element_type3A_75 : vector<8192xi32>
    %get3A_77 = arith.constant 0 : index
    %get3A_78 = arith.constant 9 : index
    %get3A_79 = vector.load %arg3[%get3A_77, %get3A_78] : memref<1x128xf32, #tpu.memory_space<vmem>>, vector<1x1xf32>
    %get3A_80 = vector.extract %get3A_79[0, 0] : f32 from vector<1x1xf32>
    %ge3A_81 = vector.broadcast %get3A_80 : f32 to vector<8192xf32>
    %ge3A_82 = arith.cmpf oge, %convert_element_type3A_11, %ge3A_81 : vector<8192xf32>
    %convert_element_type3A_83 = arith.extui %ge3A_82 : vector<8192xi1> to vector<8192xi32>
    %add3A_84 = arith.addi %add3A_76, %convert_element_type3A_83 : vector<8192xi32>
    %get3A_85 = arith.constant 0 : index
    %get3A_86 = arith.constant 10 : index
    %get3A_87 = vector.load %arg3[%get3A_85, %get3A_86] : memref<1x128xf32, #tpu.memory_space<vmem>>, vector<1x1xf32>
    %get3A_88 = vector.extract %get3A_87[0, 0] : f32 from vector<1x1xf32>
    %ge3A_89 = vector.broadcast %get3A_88 : f32 to vector<8192xf32>
    %ge3A_90 = arith.cmpf oge, %convert_element_type3A_11, %ge3A_89 : vector<8192xf32>
    %convert_element_type3A_91 = arith.extui %ge3A_90 : vector<8192xi1> to vector<8192xi32>
    %add3A_92 = arith.addi %add3A_84, %convert_element_type3A_91 : vector<8192xi32>
    %get3A_93 = arith.constant 0 : index
    %get3A_94 = arith.constant 11 : index
    %get3A_95 = vector.load %arg3[%get3A_93, %get3A_94] : memref<1x128xf32, #tpu.memory_space<vmem>>, vector<1x1xf32>
    %get3A_96 = vector.extract %get3A_95[0, 0] : f32 from vector<1x1xf32>
    %ge3A_97 = vector.broadcast %get3A_96 : f32 to vector<8192xf32>
    %ge3A_98 = arith.cmpf oge, %convert_element_type3A_11, %ge3A_97 : vector<8192xf32>
    %convert_element_type3A_99 = arith.extui %ge3A_98 : vector<8192xi1> to vector<8192xi32>
    %add3A_100 = arith.addi %add3A_92, %convert_element_type3A_99 : vector<8192xi32>
    %get3A_101 = arith.constant 0 : index
    %get3A_102 = arith.constant 12 : index
    %get3A_103 = vector.load %arg3[%get3A_101, %get3A_102] : memref<1x128xf32, #tpu.memory_space<vmem>>, vector<1x1xf32>
    %get3A_104 = vector.extract %get3A_103[0, 0] : f32 from vector<1x1xf32>
    %ge3A_105 = vector.broadcast %get3A_104 : f32 to vector<8192xf32>
    %ge3A_106 = arith.cmpf oge, %convert_element_type3A_11, %ge3A_105 : vector<8192xf32>
    %convert_element_type3A_107 = arith.extui %ge3A_106 : vector<8192xi1> to vector<8192xi32>
    %add3A_108 = arith.addi %add3A_100, %convert_element_type3A_107 : vector<8192xi32>
    %get3A_109 = arith.constant 0 : index
    %get3A_110 = arith.constant 13 : index
    %get3A_111 = vector.load %arg3[%get3A_109, %get3A_110] : memref<1x128xf32, #tpu.memory_space<vmem>>, vector<1x1xf32>
    %get3A_112 = vector.extract %get3A_111[0, 0] : f32 from vector<1x1xf32>
    %ge3A_113 = vector.broadcast %get3A_112 : f32 to vector<8192xf32>
    %ge3A_114 = arith.cmpf oge, %convert_element_type3A_11, %ge3A_113 : vector<8192xf32>
    %convert_element_type3A_115 = arith.extui %ge3A_114 : vector<8192xi1> to vector<8192xi32>
    %add3A_116 = arith.addi %add3A_108, %convert_element_type3A_115 : vector<8192xi32>
    %get3A_117 = arith.constant 0 : index
    %get3A_118 = arith.constant 14 : index
    %get3A_119 = vector.load %arg3[%get3A_117, %get3A_118] : memref<1x128xf32, #tpu.memory_space<vmem>>, vector<1x1xf32>
    %get3A_120 = vector.extract %get3A_119[0, 0] : f32 from vector<1x1xf32>
    %ge3A_121 = vector.broadcast %get3A_120 : f32 to vector<8192xf32>
    %ge3A_122 = arith.cmpf oge, %convert_element_type3A_11, %ge3A_121 : vector<8192xf32>
    %convert_element_type3A_123 = arith.extui %ge3A_122 : vector<8192xi1> to vector<8192xi32>
    %add3A_124 = arith.addi %add3A_116, %convert_element_type3A_123 : vector<8192xi32>
    %get3A_125 = arith.constant 0 : index
    %get3A_126 = arith.constant 15 : index
    %get3A_127 = vector.load %arg3[%get3A_125, %get3A_126] : memref<1x128xf32, #tpu.memory_space<vmem>>, vector<1x1xf32>
    %get3A_128 = vector.extract %get3A_127[0, 0] : f32 from vector<1x1xf32>
    %ge3A_129 = vector.broadcast %get3A_128 : f32 to vector<8192xf32>
    %ge3A_130 = arith.cmpf oge, %convert_element_type3A_11, %ge3A_129 : vector<8192xf32>
    %convert_element_type3A_131 = arith.extui %ge3A_130 : vector<8192xi1> to vector<8192xi32>
    %add3A_132 = arith.addi %add3A_124, %convert_element_type3A_131 : vector<8192xi32>
    %iota3A = tpu.iota {dimensions = array<i32: 1>} : vector<8192x16xi32>
    %broadcast_in_dim3A_133 = vector.shape_cast %add3A_132 : vector<8192xi32> to vector<8192x1xi32>
    %eq3A_134 = vector.broadcast %broadcast_in_dim3A_133 : vector<8192x1xi32> to vector<8192x16xi32>
    %eq3A_135 = arith.cmpi eq, %eq3A_134, %iota3A : vector<8192x16xi32>
    %ge3A_136 = arith.constant 0 : i32
    %ge3A_137 = vector.broadcast %ge3A_136 : i32 to vector<8192x1xi32>
    %ge3A_138 = arith.cmpi sge, %broadcast_in_dim3A, %ge3A_137 : vector<8192x1xi32>
    %and3A = vector.broadcast %ge3A_138 : vector<8192x1xi1> to vector<8192x16xi1>
    %and3A_139 = arith.andi %eq3A_135, %and3A : vector<8192x16xi1>
    %convert_element_type3A_140 = arith.extui %and3A_139 : vector<8192x16xi1> to vector<8192x16xi32>
    %convert_element_type3A_141 = arith.sitofp %convert_element_type3A_140 : vector<8192x16xi32> to vector<8192x16xf32>
    %get3A_142 = arith.constant 0 : index
    %get3A_143 = arith.constant 0 : index
    %get3A_144 = vector.load %arg4[%get3A_142, %get3A_143] : memref<16x128xf32, #tpu.memory_space<vmem>>, vector<16x128xf32>
    %dot_general3A = arith.constant dense<0.000000e+00> : vector<16x128xf32>
    %dot_general3A_145 = tpu.matmul %convert_element_type3A_141, %select_n3A, %dot_general3A {dimension_numbers = #tpu.dot_dimension_numbers<[0], [0], [1], [1], [0, 1, 1, 1], [], []>, transpose_lhs_hint = false} : vector<8192x16xf32>, vector<8192x128xf32>, vector<16x128xf32> -> vector<16x128xf32>
    %add3A_146 = arith.addf %get3A_144, %dot_general3A_145 : vector<16x128xf32>
    %swap3A = arith.constant 0 : index
    %swap3A_147 = arith.constant 0 : index
    %swap3A_148 = vector.load %arg4[%swap3A, %swap3A_147] : memref<16x128xf32, #tpu.memory_space<vmem>>, vector<16x128xf32>
    tpu.vector_store %arg4[%swap3A, %swap3A_147], %add3A_146 {strides = array<i32>} : memref<16x128xf32, #tpu.memory_space<vmem>>, vector<16x128xf32>,
    %get3A_149 = arith.constant 0 : index
    %get3A_150 = arith.constant 0 : index
    %get3A_151 = vector.load %arg5[%get3A_149, %get3A_150] : memref<16x128xf32, #tpu.memory_space<vmem>>, vector<16x128xf32>
    %mul3A = arith.mulf %select_n3A, %select_n3A : vector<8192x128xf32>
    %dot_general3A_152 = arith.constant dense<0.000000e+00> : vector<16x128xf32>
    %dot_general3A_153 = tpu.matmul %convert_element_type3A_141, %mul3A, %dot_general3A_152 {dimension_numbers = #tpu.dot_dimension_numbers<[0], [0], [1], [1], [0, 1, 1, 1], [], []>, transpose_lhs_hint = false} : vector<8192x16xf32>, vector<8192x128xf32>, vector<16x128xf32> -> vector<16x128xf32>
    %add3A_154 = arith.addf %get3A_151, %dot_general3A_153 : vector<16x128xf32>
    %swap3A_155 = arith.constant 0 : index
    %swap3A_156 = arith.constant 0 : index
    %swap3A_157 = vector.load %arg5[%swap3A_155, %swap3A_156] : memref<16x128xf32, #tpu.memory_space<vmem>>, vector<16x128xf32>
    tpu.vector_store %arg5[%swap3A_155, %swap3A_156], %add3A_154 {strides = array<i32>} : memref<16x128xf32, #tpu.memory_space<vmem>>, vector<16x128xf32>,
    %get3A_158 = arith.constant 0 : index
    %get3A_159 = arith.constant 0 : index
    %get3A_160 = vector.load %arg6[%get3A_158, %get3A_159] : memref<16x128xf32, #tpu.memory_space<vmem>>, vector<16x128xf32>
    %reduce_sum3A = arith.constant dense<0.000000e+00> : vector<16xf32>
    %reduce_sum3A_161 = vector.multi_reduction <add>, %convert_element_type3A_141, %reduce_sum3A [0] : vector<8192x16xf32> to vector<16xf32>
    %broadcast_in_dim3A_162 = vector.shape_cast %reduce_sum3A_161 : vector<16xf32> to vector<16x1xf32>
    %broadcast_in_dim3A_163 = vector.shape_cast %broadcast_in_dim3A_162 : vector<16x1xf32> to vector<16x1xf32>
    %broadcast_in_dim3A_164 = vector.broadcast %broadcast_in_dim3A_163 : vector<16x1xf32> to vector<16x128xf32>
    %add3A_165 = arith.addf %get3A_160, %broadcast_in_dim3A_164 : vector<16x128xf32>
    %swap3A_166 = arith.constant 0 : index
    %swap3A_167 = arith.constant 0 : index
    %swap3A_168 = vector.load %arg6[%swap3A_166, %swap3A_167] : memref<16x128xf32, #tpu.memory_space<vmem>>, vector<16x128xf32>
    tpu.vector_store %arg6[%swap3A_166, %swap3A_167], %add3A_165 {strides = array<i32>} : memref<16x128xf32, #tpu.memory_space<vmem>>, vector<16x128xf32>,
    return
  }
  func.func @transform_0(%arg0: i32) -> (i32, i32) {
    %c0_i32 = arith.constant 0 : i32
    %c0_i32_0 = arith.constant 0 : i32
    return %arg0, %c0_i32 : i32, i32
  }
  func.func @transform_1(%arg0: i32) -> i32 {
    %c0_i32 = arith.constant 0 : i32
    return %arg0 : i32
  }
  func.func @transform_2(%arg0: i32) -> (i32, i32) {
    %c0_i32 = arith.constant 0 : i32
    %c0_i32_0 = arith.constant 0 : i32
    %c0_i32_1 = arith.constant 0 : i32
    return %c0_i32, %c0_i32_0 : i32, i32
  }
  func.func @transform_3(%arg0: i32) -> (i32, i32) {
    %c0_i32 = arith.constant 0 : i32
    %c0_i32_0 = arith.constant 0 : i32
    %c0_i32_1 = arith.constant 0 : i32
    return %c0_i32, %c0_i32_0 : i32, i32
  }
  func.func @transform_4(%arg0: i32) -> (i32, i32) {
    %c0_i32 = arith.constant 0 : i32
    %c0_i32_0 = arith.constant 0 : i32
    %c0_i32_1 = arith.constant 0 : i32
    return %c0_i32, %c0_i32_0 : i32, i32
  }
  func.func @transform_5(%arg0: i32) -> (i32, i32) {
    %c0_i32 = arith.constant 0 : i32
    %c0_i32_0 = arith.constant 0 : i32
    %c0_i32_1 = arith.constant 0 : i32
    return %c0_i32, %c0_i32_0 : i32, i32
  }
}

module attributes {stable_mosaic.version = 14 : i64} {
  func.func @_h_body(%arg0: i32, %arg1: memref<10000x128xf32, #tpu.memory_space<vmem>>, %arg2: memref<10000x128xf32, #tpu.memory_space<vmem>>, %arg3: memref<10000x128xf32, #tpu.memory_space<vmem>>, %arg4: memref<10000x128xf32, #tpu.memory_space<vmem>>, %arg5: memref<10240xi32, #tpu.memory_space<vmem>>, %arg6: memref<1x128xf32, #tpu.memory_space<vmem>>, %arg7: memref<1x128xf32, #tpu.memory_space<vmem>>, %arg8: memref<1x128xf32, #tpu.memory_space<vmem>>, %arg9: memref<10000x128xf32, #tpu.memory_space<vmem>>) attributes {dimension_semantics = [#tpu.dimension_semantics<arbitrary>], iteration_bounds = array<i64: 1>, scalar_prefetch = 0 : i64, scratch_operands = 0 : i64, tpu.core_type = #tpu.core_type<tc>, window_params = [{pipeline_mode = #tpu.pipeline_mode<synchronous>, transform_indices = @transform_0, window_bounds = array<i64: 10000, 128>}, {pipeline_mode = #tpu.pipeline_mode<synchronous>, transform_indices = @transform_1, window_bounds = array<i64: 10000, 128>}, {pipeline_mode = #tpu.pipeline_mode<synchronous>, transform_indices = @transform_2, window_bounds = array<i64: 10000, 128>}, {pipeline_mode = #tpu.pipeline_mode<synchronous>, transform_indices = @transform_3, window_bounds = array<i64: 10000, 128>}, {pipeline_mode = #tpu.pipeline_mode<synchronous>, transform_indices = @transform_4, window_bounds = array<i64: 10240>}, {pipeline_mode = #tpu.pipeline_mode<synchronous>, transform_indices = @transform_5, window_bounds = array<i64: 1, 128>}, {pipeline_mode = #tpu.pipeline_mode<synchronous>, transform_indices = @transform_6, window_bounds = array<i64: 1, 128>}, {pipeline_mode = #tpu.pipeline_mode<synchronous>, transform_indices = @transform_7, window_bounds = array<i64: 1, 128>}, {pipeline_mode = #tpu.pipeline_mode<synchronous>, transform_indices = @transform_8, window_bounds = array<i64: 10000, 128>}]} {
    %get3A = arith.constant 0 : index
    %get3A_0 = arith.constant 0 : index
    %get3A_1 = vector.load %arg2[%get3A, %get3A_0] : memref<10000x128xf32, #tpu.memory_space<vmem>>, vector<10000x128xf32>
    %get3A_2 = arith.constant 0 : index
    %get3A_3 = arith.constant 0 : index
    %get3A_4 = vector.load %arg3[%get3A_2, %get3A_3] : memref<10000x128xf32, #tpu.memory_space<vmem>>, vector<10000x128xf32>
    %add3A = arith.addf %get3A_1, %get3A_4 : vector<10000x128xf32>
    %get3A_5 = arith.constant 0 : index
    %get3A_6 = arith.constant 0 : index
    %get3A_7 = vector.load %arg4[%get3A_5, %get3A_6] : memref<10000x128xf32, #tpu.memory_space<vmem>>, vector<10000x128xf32>
    %add3A_8 = arith.addf %add3A, %get3A_7 : vector<10000x128xf32>
    %get3A_9 = arith.constant 0 : index
    %get3A_10 = vector.load %arg5[%get3A_9] : memref<10240xi32, #tpu.memory_space<vmem>>, vector<10240xi32>
    %slice3A = vector.extract_strided_slice %get3A_10 {offsets = [0], sizes = [10000], strides = [1]} : vector<10240xi32> to vector<10000xi32>
    %iota3A = tpu.iota {dimensions = array<i32: 1>} : vector<10000x16xi32>
    %broadcast_in_dim3A = vector.shape_cast %slice3A : vector<10000xi32> to vector<10000x1xi32>
    %eq3A = vector.broadcast %broadcast_in_dim3A : vector<10000x1xi32> to vector<10000x16xi32>
    %eq3A_11 = arith.cmpi eq, %eq3A, %iota3A : vector<10000x16xi32>
    %convert_element_type3A = arith.extui %eq3A_11 : vector<10000x16xi1> to vector<10000x16xi32>
    %convert_element_type3A_12 = arith.sitofp %convert_element_type3A : vector<10000x16xi32> to vector<10000x16xf32>
    %reduce_sum3A = arith.constant dense<0.000000e+00> : vector<16xf32>
    %reduce_sum3A_13 = vector.multi_reduction <add>, %convert_element_type3A_12, %reduce_sum3A [0] : vector<10000x16xf32> to vector<16xf32>
    %max3A = arith.constant 1.000000e+00 : f32
    %max3A_14 = vector.broadcast %max3A : f32 to vector<16xf32>
    %max3A_15 = arith.maximumf %reduce_sum3A_13, %max3A_14 : vector<16xf32>
    %broadcast_in_dim3A_16 = vector.shape_cast %max3A_15 : vector<16xf32> to vector<16x1xf32>
    %dot_general3A = arith.constant dense<0.000000e+00> : vector<16x128xf32>
    %dot_general3A_17 = tpu.matmul %convert_element_type3A_12, %add3A_8, %dot_general3A {dimension_numbers = #tpu.dot_dimension_numbers<[0], [0], [1], [1], [0, 1, 1, 1], [], []>, transpose_lhs_hint = false} : vector<10000x16xf32>, vector<10000x128xf32>, vector<16x128xf32> -> vector<16x128xf32>
    %div3A = vector.broadcast %broadcast_in_dim3A_16 : vector<16x1xf32> to vector<16x128xf32>
    %div3A_18 = arith.divf %dot_general3A_17, %div3A : vector<16x128xf32>
    %dot_general3A_19 = arith.constant dense<0.000000e+00> : vector<10000x128xf32>
    %dot_general3A_20 = tpu.matmul %convert_element_type3A_12, %div3A_18, %dot_general3A_19 {dimension_numbers = #tpu.dot_dimension_numbers<[1], [0], [0], [1], [0, 0, 1, 1], [], []>, transpose_lhs_hint = false} : vector<10000x16xf32>, vector<16x128xf32>, vector<10000x128xf32> -> vector<10000x128xf32>
    %get3A_21 = arith.constant 0 : index
    %get3A_22 = arith.constant 0 : index
    %get3A_23 = vector.load %arg8[%get3A_21, %get3A_22] : memref<1x128xf32, #tpu.memory_space<vmem>>, vector<1x128xf32>
    %mul3A = vector.broadcast %get3A_23 : vector<1x128xf32> to vector<10000x128xf32>
    %mul3A_24 = arith.mulf %dot_general3A_20, %mul3A : vector<10000x128xf32>
    %sub3A = arith.subf %add3A_8, %mul3A_24 : vector<10000x128xf32>
    %mul3A_25 = arith.mulf %sub3A, %sub3A : vector<10000x128xf32>
    %dot_general3A_26 = arith.constant dense<0.000000e+00> : vector<16x128xf32>
    %dot_general3A_27 = tpu.matmul %convert_element_type3A_12, %mul3A_25, %dot_general3A_26 {dimension_numbers = #tpu.dot_dimension_numbers<[0], [0], [1], [1], [0, 1, 1, 1], [], []>, transpose_lhs_hint = false} : vector<10000x16xf32>, vector<10000x128xf32>, vector<16x128xf32> -> vector<16x128xf32>
    %div3A_28 = vector.broadcast %broadcast_in_dim3A_16 : vector<16x1xf32> to vector<16x128xf32>
    %div3A_29 = arith.divf %dot_general3A_27, %div3A_28 : vector<16x128xf32>
    %add3A_30 = arith.constant 9.99999974E-6 : f32
    %add3A_31 = vector.broadcast %add3A_30 : f32 to vector<16x128xf32>
    %add3A_32 = arith.addf %div3A_29, %add3A_31 : vector<16x128xf32>
    %sqrt3A = math.sqrt %add3A_32 : vector<16x128xf32>
    %div3A_33 = arith.constant 1.000000e+00 : f32
    %div3A_34 = vector.broadcast %div3A_33 : f32 to vector<16x128xf32>
    %div3A_35 = arith.divf %div3A_34, %sqrt3A : vector<16x128xf32>
    %dot_general3A_36 = arith.constant dense<0.000000e+00> : vector<10000x128xf32>
    %dot_general3A_37 = tpu.matmul %convert_element_type3A_12, %div3A_35, %dot_general3A_36 {dimension_numbers = #tpu.dot_dimension_numbers<[1], [0], [0], [1], [0, 0, 1, 1], [], []>, transpose_lhs_hint = false} : vector<10000x16xf32>, vector<16x128xf32>, vector<10000x128xf32> -> vector<10000x128xf32>
    %mul3A_38 = arith.mulf %sub3A, %dot_general3A_37 : vector<10000x128xf32>
    %get3A_39 = arith.constant 0 : index
    %get3A_40 = arith.constant 0 : index
    %get3A_41 = vector.load %arg6[%get3A_39, %get3A_40] : memref<1x128xf32, #tpu.memory_space<vmem>>, vector<1x128xf32>
    %mul3A_42 = vector.broadcast %get3A_41 : vector<1x128xf32> to vector<10000x128xf32>
    %mul3A_43 = arith.mulf %mul3A_38, %mul3A_42 : vector<10000x128xf32>
    %get3A_44 = arith.constant 0 : index
    %get3A_45 = arith.constant 0 : index
    %get3A_46 = vector.load %arg7[%get3A_44, %get3A_45] : memref<1x128xf32, #tpu.memory_space<vmem>>, vector<1x128xf32>
    %add3A_47 = vector.broadcast %get3A_46 : vector<1x128xf32> to vector<10000x128xf32>
    %add3A_48 = arith.addf %mul3A_43, %add3A_47 : vector<10000x128xf32>
    %get3A_49 = arith.constant 0 : index
    %get3A_50 = arith.constant 0 : index
    %get3A_51 = vector.load %arg1[%get3A_49, %get3A_50] : memref<10000x128xf32, #tpu.memory_space<vmem>>, vector<10000x128xf32>
    %max3A_52 = arith.constant 0.000000e+00 : f32
    %max3A_53 = vector.broadcast %max3A_52 : f32 to vector<10000x128xf32>
    %max3A_54 = arith.maximumf %add3A_48, %max3A_53 : vector<10000x128xf32>
    %add3A_55 = arith.addf %get3A_51, %max3A_54 : vector<10000x128xf32>
    %swap3A = arith.constant 0 : index
    %swap3A_56 = arith.constant 0 : index
    %swap3A_57 = vector.load %arg9[%swap3A, %swap3A_56] : memref<10000x128xf32, #tpu.memory_space<vmem>>, vector<10000x128xf32>
    tpu.vector_store %arg9[%swap3A, %swap3A_56], %add3A_55 {strides = array<i32>} : memref<10000x128xf32, #tpu.memory_space<vmem>>, vector<10000x128xf32>,
    return
  }
  func.func @transform_0(%arg0: i32) -> (i32, i32) {
    %c0_i32 = arith.constant 0 : i32
    %c0_i32_0 = arith.constant 0 : i32
    %c0_i32_1 = arith.constant 0 : i32
    return %c0_i32, %c0_i32_0 : i32, i32
  }
  func.func @transform_1(%arg0: i32) -> (i32, i32) {
    %c0_i32 = arith.constant 0 : i32
    %c0_i32_0 = arith.constant 0 : i32
    %c0_i32_1 = arith.constant 0 : i32
    return %c0_i32, %c0_i32_0 : i32, i32
  }
  func.func @transform_2(%arg0: i32) -> (i32, i32) {
    %c0_i32 = arith.constant 0 : i32
    %c0_i32_0 = arith.constant 0 : i32
    %c0_i32_1 = arith.constant 0 : i32
    return %c0_i32, %c0_i32_0 : i32, i32
  }
  func.func @transform_3(%arg0: i32) -> (i32, i32) {
    %c0_i32 = arith.constant 0 : i32
    %c0_i32_0 = arith.constant 0 : i32
    %c0_i32_1 = arith.constant 0 : i32
    return %c0_i32, %c0_i32_0 : i32, i32
  }
  func.func @transform_4(%arg0: i32) -> i32 {
    %c0_i32 = arith.constant 0 : i32
    %c0_i32_0 = arith.constant 0 : i32
    return %c0_i32 : i32
  }
  func.func @transform_5(%arg0: i32) -> (i32, i32) {
    %c0_i32 = arith.constant 0 : i32
    %c0_i32_0 = arith.constant 0 : i32
    %c0_i32_1 = arith.constant 0 : i32
    return %c0_i32, %c0_i32_0 : i32, i32
  }
  func.func @transform_6(%arg0: i32) -> (i32, i32) {
    %c0_i32 = arith.constant 0 : i32
    %c0_i32_0 = arith.constant 0 : i32
    %c0_i32_1 = arith.constant 0 : i32
    return %c0_i32, %c0_i32_0 : i32, i32
  }
  func.func @transform_7(%arg0: i32) -> (i32, i32) {
    %c0_i32 = arith.constant 0 : i32
    %c0_i32_0 = arith.constant 0 : i32
    %c0_i32_1 = arith.constant 0 : i32
    return %c0_i32, %c0_i32_0 : i32, i32
  }
  func.func @transform_8(%arg0: i32) -> (i32, i32) {
    %c0_i32 = arith.constant 0 : i32
    %c0_i32_0 = arith.constant 0 : i32
    %c0_i32_1 = arith.constant 0 : i32
    return %c0_i32, %c0_i32_0 : i32, i32
  }
}

module attributes {stable_mosaic.version = 14 : i64} {
  func.func @_f_body(%arg0: i32, %arg1: memref<8192x128xf32, #tpu.memory_space<vmem>>, %arg2: memref<8192xi32, #tpu.memory_space<vmem>>, %arg3: memref<1x128xf32, #tpu.memory_space<vmem>>, %arg4: memref<16x8192xf32, #tpu.memory_space<vmem>>, %arg5: memref<16x128xf32, #tpu.memory_space<vmem>>, %arg6: memref<16x128xf32, #tpu.memory_space<vmem>>, %arg7: memref<16x128xf32, #tpu.memory_space<vmem>>, %arg8: memref<16x128xf32, #tpu.memory_space<vmem>>, %arg9: memref<1x128xf32, #tpu.memory_space<vmem>>, %arg10: memref<1x128xf32, #tpu.memory_space<vmem>>, %arg11: memref<1x128xf32, #tpu.memory_space<vmem>>, %arg12: memref<1x128xf32, #tpu.memory_space<vmem>>, %arg13: memref<1x128xf32, #tpu.memory_space<vmem>>, %arg14: memref<128x128xf32, #tpu.memory_space<vmem>>, %arg15: memref<1x128xf32, #tpu.memory_space<vmem>>, %arg16: memref<16x128xf32, #tpu.memory_space<vmem>>, %arg17: memref<1x128xf32, #tpu.memory_space<vmem>>, %arg18: memref<8192x128xf32, #tpu.memory_space<vmem>>) attributes {dimension_semantics = [#tpu.dimension_semantics<arbitrary>], iteration_bounds = array<i64: 40>, scalar_prefetch = 0 : i64, scratch_operands = 0 : i64, tpu.core_type = #tpu.core_type<tc>, window_params = [{transform_indices = @transform_0, window_bounds = array<i64: 8192, 128>}, {transform_indices = @transform_1, window_bounds = array<i64: 8192>}, {pipeline_mode = #tpu.pipeline_mode<synchronous>, transform_indices = @transform_2, window_bounds = array<i64: 1, 128>}, {transform_indices = @transform_3, window_bounds = array<i64: 16, 8192>}, {pipeline_mode = #tpu.pipeline_mode<synchronous>, transform_indices = @transform_4, window_bounds = array<i64: 16, 128>}, {pipeline_mode = #tpu.pipeline_mode<synchronous>, transform_indices = @transform_5, window_bounds = array<i64: 16, 128>}, {pipeline_mode = #tpu.pipeline_mode<synchronous>, transform_indices = @transform_6, window_bounds = array<i64: 16, 128>}, {pipeline_mode = #tpu.pipeline_mode<synchronous>, transform_indices = @transform_7, window_bounds = array<i64: 16, 128>}, {pipeline_mode = #tpu.pipeline_mode<synchronous>, transform_indices = @transform_8, window_bounds = array<i64: 1, 128>}, {pipeline_mode = #tpu.pipeline_mode<synchronous>, transform_indices = @transform_9, window_bounds = array<i64: 1, 128>}, {pipeline_mode = #tpu.pipeline_mode<synchronous>, transform_indices = @transform_10, window_bounds = array<i64: 1, 128>}, {pipeline_mode = #tpu.pipeline_mode<synchronous>, transform_indices = @transform_11, window_bounds = array<i64: 1, 128>}, {pipeline_mode = #tpu.pipeline_mode<synchronous>, transform_indices = @transform_12, window_bounds = array<i64: 1, 128>}, {pipeline_mode = #tpu.pipeline_mode<synchronous>, transform_indices = @transform_13, window_bounds = array<i64: 128, 128>}, {pipeline_mode = #tpu.pipeline_mode<synchronous>, transform_indices = @transform_14, window_bounds = array<i64: 1, 128>}, {pipeline_mode = #tpu.pipeline_mode<synchronous>, transform_indices = @transform_15, window_bounds = array<i64: 16, 128>}, {pipeline_mode = #tpu.pipeline_mode<synchronous>, transform_indices = @transform_16, window_bounds = array<i64: 1, 128>}, {transform_indices = @transform_17, window_bounds = array<i64: 8192, 128>}]} {
    %get3A = arith.constant 0 : index
    %get3A_0 = arith.constant 0 : index
    %get3A_1 = vector.load %arg7[%get3A, %get3A_0] : memref<16x128xf32, #tpu.memory_space<vmem>>, vector<16x128xf32>
    %max3A = arith.constant 1.000000e+00 : f32
    %max3A_2 = vector.broadcast %max3A : f32 to vector<16x128xf32>
    %max3A_3 = arith.maximumf %get3A_1, %max3A_2 : vector<16x128xf32>
    %get3A_4 = arith.constant 0 : index
    %get3A_5 = arith.constant 0 : index
    %get3A_6 = vector.load %arg5[%get3A_4, %get3A_5] : memref<16x128xf32, #tpu.memory_space<vmem>>, vector<16x128xf32>
    %div3A = arith.divf %get3A_6, %max3A_3 : vector<16x128xf32>
    %get3A_7 = arith.constant 0 : index
    %get3A_8 = arith.constant 0 : index
    %get3A_9 = vector.load %arg11[%get3A_7, %get3A_8] : memref<1x128xf32, #tpu.memory_space<vmem>>, vector<1x128xf32>
    %get3A_10 = arith.constant 0 : index
    %get3A_11 = arith.constant 0 : index
    %get3A_12 = vector.load %arg6[%get3A_10, %get3A_11] : memref<16x128xf32, #tpu.memory_space<vmem>>, vector<16x128xf32>
    %div3A_13 = arith.divf %get3A_12, %max3A_3 : vector<16x128xf32>
    %mul3A = arith.constant 2.000000e+00 : f32
    %mul3A_14 = vector.broadcast %mul3A : f32 to vector<1x128xf32>
    %mul3A_15 = arith.mulf %mul3A_14, %get3A_9 : vector<1x128xf32>
    %mul3A_16 = vector.broadcast %mul3A_15 : vector<1x128xf32> to vector<16x128xf32>
    %mul3A_17 = arith.mulf %mul3A_16, %div3A : vector<16x128xf32>
    %mul3A_18 = arith.mulf %mul3A_17, %div3A : vector<16x128xf32>
    %sub3A = arith.subf %div3A_13, %mul3A_18 : vector<16x128xf32>
    %mul3A_19 = arith.mulf %get3A_9, %get3A_9 : vector<1x128xf32>
    %mul3A_20 = vector.broadcast %mul3A_19 : vector<1x128xf32> to vector<16x128xf32>
    %mul3A_21 = arith.mulf %mul3A_20, %div3A : vector<16x128xf32>
    %mul3A_22 = arith.mulf %mul3A_21, %div3A : vector<16x128xf32>
    %add3A = arith.addf %sub3A, %mul3A_22 : vector<16x128xf32>
    %add3A_23 = arith.constant 9.99999974E-6 : f32
    %add3A_24 = vector.broadcast %add3A_23 : f32 to vector<16x128xf32>
    %add3A_25 = arith.addf %add3A, %add3A_24 : vector<16x128xf32>
    %sqrt3A = math.sqrt %add3A_25 : vector<16x128xf32>
    %div3A_26 = arith.constant 1.000000e+00 : f32
    %div3A_27 = vector.broadcast %div3A_26 : f32 to vector<16x128xf32>
    %div3A_28 = arith.divf %div3A_27, %sqrt3A : vector<16x128xf32>
    %get3A_29 = arith.constant 0 : index
    %get3A_30 = arith.constant 0 : index
    %get3A_31 = vector.load %arg9[%get3A_29, %get3A_30] : memref<1x128xf32, #tpu.memory_space<vmem>>, vector<1x128xf32>
    %mul3A_32 = vector.broadcast %get3A_31 : vector<1x128xf32> to vector<16x128xf32>
    %mul3A_33 = arith.mulf %div3A_28, %mul3A_32 : vector<16x128xf32>
    %get3A_34 = arith.constant 0 : index
    %get3A_35 = arith.constant 0 : index
    %get3A_36 = vector.load %arg10[%get3A_34, %get3A_35] : memref<1x128xf32, #tpu.memory_space<vmem>>, vector<1x128xf32>
    %mul3A_37 = vector.broadcast %get3A_9 : vector<1x128xf32> to vector<16x128xf32>
    %mul3A_38 = arith.mulf %div3A, %mul3A_37 : vector<16x128xf32>
    %mul3A_39 = arith.mulf %mul3A_38, %mul3A_33 : vector<16x128xf32>
    %sub3A_40 = vector.broadcast %get3A_36 : vector<1x128xf32> to vector<16x128xf32>
    %sub3A_41 = arith.subf %sub3A_40, %mul3A_39 : vector<16x128xf32>
    %get3A_42 = arith.constant 0 : index
    %get3A_43 = vector.load %arg2[%get3A_42] : memref<8192xi32, #tpu.memory_space<vmem>>, vector<8192xi32>
    %convert_element_type3A = arith.sitofp %get3A_43 : vector<8192xi32> to vector<8192xf32>
    %broadcast_in_dim3A = arith.constant 0 : i32
    %broadcast_in_dim3A_44 = vector.broadcast %broadcast_in_dim3A : i32 to vector<8192xi32>
    %get3A_45 = arith.constant 0 : index
    %get3A_46 = arith.constant 1 : index
    %get3A_47 = vector.load %arg3[%get3A_45, %get3A_46] : memref<1x128xf32, #tpu.memory_space<vmem>>, vector<1x1xf32>
    %get3A_48 = vector.extract %get3A_47[0, 0] : f32 from vector<1x1xf32>
    %ge3A = vector.broadcast %get3A_48 : f32 to vector<8192xf32>
    %ge3A_49 = arith.cmpf oge, %convert_element_type3A, %ge3A : vector<8192xf32>
    %convert_element_type3A_50 = arith.extui %ge3A_49 : vector<8192xi1> to vector<8192xi32>
    %add3A_51 = arith.addi %broadcast_in_dim3A_44, %convert_element_type3A_50 : vector<8192xi32>
    %get3A_52 = arith.constant 0 : index
    %get3A_53 = arith.constant 2 : index
    %get3A_54 = vector.load %arg3[%get3A_52, %get3A_53] : memref<1x128xf32, #tpu.memory_space<vmem>>, vector<1x1xf32>
    %get3A_55 = vector.extract %get3A_54[0, 0] : f32 from vector<1x1xf32>
    %ge3A_56 = vector.broadcast %get3A_55 : f32 to vector<8192xf32>
    %ge3A_57 = arith.cmpf oge, %convert_element_type3A, %ge3A_56 : vector<8192xf32>
    %convert_element_type3A_58 = arith.extui %ge3A_57 : vector<8192xi1> to vector<8192xi32>
    %add3A_59 = arith.addi %add3A_51, %convert_element_type3A_58 : vector<8192xi32>
    %get3A_60 = arith.constant 0 : index
    %get3A_61 = arith.constant 3 : index
    %get3A_62 = vector.load %arg3[%get3A_60, %get3A_61] : memref<1x128xf32, #tpu.memory_space<vmem>>, vector<1x1xf32>
    %get3A_63 = vector.extract %get3A_62[0, 0] : f32 from vector<1x1xf32>
    %ge3A_64 = vector.broadcast %get3A_63 : f32 to vector<8192xf32>
    %ge3A_65 = arith.cmpf oge, %convert_element_type3A, %ge3A_64 : vector<8192xf32>
    %convert_element_type3A_66 = arith.extui %ge3A_65 : vector<8192xi1> to vector<8192xi32>
    %add3A_67 = arith.addi %add3A_59, %convert_element_type3A_66 : vector<8192xi32>
    %get3A_68 = arith.constant 0 : index
    %get3A_69 = arith.constant 4 : index
    %get3A_70 = vector.load %arg3[%get3A_68, %get3A_69] : memref<1x128xf32, #tpu.memory_space<vmem>>, vector<1x1xf32>
    %get3A_71 = vector.extract %get3A_70[0, 0] : f32 from vector<1x1xf32>
    %ge3A_72 = vector.broadcast %get3A_71 : f32 to vector<8192xf32>
    %ge3A_73 = arith.cmpf oge, %convert_element_type3A, %ge3A_72 : vector<8192xf32>
    %convert_element_type3A_74 = arith.extui %ge3A_73 : vector<8192xi1> to vector<8192xi32>
    %add3A_75 = arith.addi %add3A_67, %convert_element_type3A_74 : vector<8192xi32>
    %get3A_76 = arith.constant 0 : index
    %get3A_77 = arith.constant 5 : index
    %get3A_78 = vector.load %arg3[%get3A_76, %get3A_77] : memref<1x128xf32, #tpu.memory_space<vmem>>, vector<1x1xf32>
    %get3A_79 = vector.extract %get3A_78[0, 0] : f32 from vector<1x1xf32>
    %ge3A_80 = vector.broadcast %get3A_79 : f32 to vector<8192xf32>
    %ge3A_81 = arith.cmpf oge, %convert_element_type3A, %ge3A_80 : vector<8192xf32>
    %convert_element_type3A_82 = arith.extui %ge3A_81 : vector<8192xi1> to vector<8192xi32>
    %add3A_83 = arith.addi %add3A_75, %convert_element_type3A_82 : vector<8192xi32>
    %get3A_84 = arith.constant 0 : index
    %get3A_85 = arith.constant 6 : index
    %get3A_86 = vector.load %arg3[%get3A_84, %get3A_85] : memref<1x128xf32, #tpu.memory_space<vmem>>, vector<1x1xf32>
    %get3A_87 = vector.extract %get3A_86[0, 0] : f32 from vector<1x1xf32>
    %ge3A_88 = vector.broadcast %get3A_87 : f32 to vector<8192xf32>
    %ge3A_89 = arith.cmpf oge, %convert_element_type3A, %ge3A_88 : vector<8192xf32>
    %convert_element_type3A_90 = arith.extui %ge3A_89 : vector<8192xi1> to vector<8192xi32>
    %add3A_91 = arith.addi %add3A_83, %convert_element_type3A_90 : vector<8192xi32>
    %get3A_92 = arith.constant 0 : index
    %get3A_93 = arith.constant 7 : index
    %get3A_94 = vector.load %arg3[%get3A_92, %get3A_93] : memref<1x128xf32, #tpu.memory_space<vmem>>, vector<1x1xf32>
    %get3A_95 = vector.extract %get3A_94[0, 0] : f32 from vector<1x1xf32>
    %ge3A_96 = vector.broadcast %get3A_95 : f32 to vector<8192xf32>
    %ge3A_97 = arith.cmpf oge, %convert_element_type3A, %ge3A_96 : vector<8192xf32>
    %convert_element_type3A_98 = arith.extui %ge3A_97 : vector<8192xi1> to vector<8192xi32>
    %add3A_99 = arith.addi %add3A_91, %convert_element_type3A_98 : vector<8192xi32>
    %get3A_100 = arith.constant 0 : index
    %get3A_101 = arith.constant 8 : index
    %get3A_102 = vector.load %arg3[%get3A_100, %get3A_101] : memref<1x128xf32, #tpu.memory_space<vmem>>, vector<1x1xf32>
    %get3A_103 = vector.extract %get3A_102[0, 0] : f32 from vector<1x1xf32>
    %ge3A_104 = vector.broadcast %get3A_103 : f32 to vector<8192xf32>
    %ge3A_105 = arith.cmpf oge, %convert_element_type3A, %ge3A_104 : vector<8192xf32>
    %convert_element_type3A_106 = arith.extui %ge3A_105 : vector<8192xi1> to vector<8192xi32>
    %add3A_107 = arith.addi %add3A_99, %convert_element_type3A_106 : vector<8192xi32>
    %get3A_108 = arith.constant 0 : index
    %get3A_109 = arith.constant 9 : index
    %get3A_110 = vector.load %arg3[%get3A_108, %get3A_109] : memref<1x128xf32, #tpu.memory_space<vmem>>, vector<1x1xf32>
    %get3A_111 = vector.extract %get3A_110[0, 0] : f32 from vector<1x1xf32>
    %ge3A_112 = vector.broadcast %get3A_111 : f32 to vector<8192xf32>
    %ge3A_113 = arith.cmpf oge, %convert_element_type3A, %ge3A_112 : vector<8192xf32>
    %convert_element_type3A_114 = arith.extui %ge3A_113 : vector<8192xi1> to vector<8192xi32>
    %add3A_115 = arith.addi %add3A_107, %convert_element_type3A_114 : vector<8192xi32>
    %get3A_116 = arith.constant 0 : index
    %get3A_117 = arith.constant 10 : index
    %get3A_118 = vector.load %arg3[%get3A_116, %get3A_117] : memref<1x128xf32, #tpu.memory_space<vmem>>, vector<1x1xf32>
    %get3A_119 = vector.extract %get3A_118[0, 0] : f32 from vector<1x1xf32>
    %ge3A_120 = vector.broadcast %get3A_119 : f32 to vector<8192xf32>
    %ge3A_121 = arith.cmpf oge, %convert_element_type3A, %ge3A_120 : vector<8192xf32>
    %convert_element_type3A_122 = arith.extui %ge3A_121 : vector<8192xi1> to vector<8192xi32>
    %add3A_123 = arith.addi %add3A_115, %convert_element_type3A_122 : vector<8192xi32>
    %get3A_124 = arith.constant 0 : index
    %get3A_125 = arith.constant 11 : index
    %get3A_126 = vector.load %arg3[%get3A_124, %get3A_125] : memref<1x128xf32, #tpu.memory_space<vmem>>, vector<1x1xf32>
    %get3A_127 = vector.extract %get3A_126[0, 0] : f32 from vector<1x1xf32>
    %ge3A_128 = vector.broadcast %get3A_127 : f32 to vector<8192xf32>
    %ge3A_129 = arith.cmpf oge, %convert_element_type3A, %ge3A_128 : vector<8192xf32>
    %convert_element_type3A_130 = arith.extui %ge3A_129 : vector<8192xi1> to vector<8192xi32>
    %add3A_131 = arith.addi %add3A_123, %convert_element_type3A_130 : vector<8192xi32>
    %get3A_132 = arith.constant 0 : index
    %get3A_133 = arith.constant 12 : index
    %get3A_134 = vector.load %arg3[%get3A_132, %get3A_133] : memref<1x128xf32, #tpu.memory_space<vmem>>, vector<1x1xf32>
    %get3A_135 = vector.extract %get3A_134[0, 0] : f32 from vector<1x1xf32>
    %ge3A_136 = vector.broadcast %get3A_135 : f32 to vector<8192xf32>
    %ge3A_137 = arith.cmpf oge, %convert_element_type3A, %ge3A_136 : vector<8192xf32>
    %convert_element_type3A_138 = arith.extui %ge3A_137 : vector<8192xi1> to vector<8192xi32>
    %add3A_139 = arith.addi %add3A_131, %convert_element_type3A_138 : vector<8192xi32>
    %get3A_140 = arith.constant 0 : index
    %get3A_141 = arith.constant 13 : index
    %get3A_142 = vector.load %arg3[%get3A_140, %get3A_141] : memref<1x128xf32, #tpu.memory_space<vmem>>, vector<1x1xf32>
    %get3A_143 = vector.extract %get3A_142[0, 0] : f32 from vector<1x1xf32>
    %ge3A_144 = vector.broadcast %get3A_143 : f32 to vector<8192xf32>
    %ge3A_145 = arith.cmpf oge, %convert_element_type3A, %ge3A_144 : vector<8192xf32>
    %convert_element_type3A_146 = arith.extui %ge3A_145 : vector<8192xi1> to vector<8192xi32>
    %add3A_147 = arith.addi %add3A_139, %convert_element_type3A_146 : vector<8192xi32>
    %get3A_148 = arith.constant 0 : index
    %get3A_149 = arith.constant 14 : index
    %get3A_150 = vector.load %arg3[%get3A_148, %get3A_149] : memref<1x128xf32, #tpu.memory_space<vmem>>, vector<1x1xf32>
    %get3A_151 = vector.extract %get3A_150[0, 0] : f32 from vector<1x1xf32>
    %ge3A_152 = vector.broadcast %get3A_151 : f32 to vector<8192xf32>
    %ge3A_153 = arith.cmpf oge, %convert_element_type3A, %ge3A_152 : vector<8192xf32>
    %convert_element_type3A_154 = arith.extui %ge3A_153 : vector<8192xi1> to vector<8192xi32>
    %add3A_155 = arith.addi %add3A_147, %convert_element_type3A_154 : vector<8192xi32>
    %get3A_156 = arith.constant 0 : index
    %get3A_157 = arith.constant 15 : index
    %get3A_158 = vector.load %arg3[%get3A_156, %get3A_157] : memref<1x128xf32, #tpu.memory_space<vmem>>, vector<1x1xf32>
    %get3A_159 = vector.extract %get3A_158[0, 0] : f32 from vector<1x1xf32>
    %ge3A_160 = vector.broadcast %get3A_159 : f32 to vector<8192xf32>
    %ge3A_161 = arith.cmpf oge, %convert_element_type3A, %ge3A_160 : vector<8192xf32>
    %convert_element_type3A_162 = arith.extui %ge3A_161 : vector<8192xi1> to vector<8192xi32>
    %add3A_163 = arith.addi %add3A_155, %convert_element_type3A_162 : vector<8192xi32>
    %iota3A = tpu.iota {dimensions = array<i32: 1>} : vector<8192x16xi32>
    %broadcast_in_dim3A_164 = vector.shape_cast %add3A_163 : vector<8192xi32> to vector<8192x1xi32>
    %eq3A = vector.broadcast %broadcast_in_dim3A_164 : vector<8192x1xi32> to vector<8192x16xi32>
    %eq3A_165 = arith.cmpi eq, %eq3A, %iota3A : vector<8192x16xi32>
    %convert_element_type3A_166 = arith.extui %eq3A_165 : vector<8192x16xi1> to vector<8192x16xi32>
    %convert_element_type3A_167 = arith.sitofp %convert_element_type3A_166 : vector<8192x16xi32> to vector<8192x16xf32>
    %get3A_168 = arith.constant 0 : index
    %get3A_169 = arith.constant 0 : index
    %get3A_170 = vector.load %arg1[%get3A_168, %get3A_169] : memref<8192x128xf32, #tpu.memory_space<vmem>>, vector<8192x128xf32>
    %dot_general3A = arith.constant dense<0.000000e+00> : vector<8192x128xf32>
    %dot_general3A_171 = tpu.matmul %convert_element_type3A_167, %mul3A_33, %dot_general3A {dimension_numbers = #tpu.dot_dimension_numbers<[1], [0], [0], [1], [0, 0, 1, 1], [], []>, transpose_lhs_hint = false} : vector<8192x16xf32>, vector<16x128xf32>, vector<8192x128xf32> -> vector<8192x128xf32>
    %mul3A_172 = arith.mulf %get3A_170, %dot_general3A_171 : vector<8192x128xf32>
    %dot_general3A_173 = arith.constant dense<0.000000e+00> : vector<8192x128xf32>
    %dot_general3A_174 = tpu.matmul %convert_element_type3A_167, %sub3A_41, %dot_general3A_173 {dimension_numbers = #tpu.dot_dimension_numbers<[1], [0], [0], [1], [0, 0, 1, 1], [], []>, transpose_lhs_hint = false} : vector<8192x16xf32>, vector<16x128xf32>, vector<8192x128xf32> -> vector<8192x128xf32>
    %add3A_175 = arith.addf %mul3A_172, %dot_general3A_174 : vector<8192x128xf32>
    %max3A_176 = arith.constant 0.000000e+00 : f32
    %max3A_177 = vector.broadcast %max3A_176 : f32 to vector<8192x128xf32>
    %max3A_178 = arith.maximumf %add3A_175, %max3A_177 : vector<8192x128xf32>
    %get3A_179 = arith.constant 0 : index
    %get3A_180 = arith.constant 0 : index
    %get3A_181 = vector.load %arg8[%get3A_179, %get3A_180] : memref<16x128xf32, #tpu.memory_space<vmem>>, vector<16x128xf32>
    %dot_general3A_182 = arith.constant dense<0.000000e+00> : vector<8192x128xf32>
    %dot_general3A_183 = tpu.matmul %convert_element_type3A_167, %get3A_181, %dot_general3A_182 {dimension_numbers = #tpu.dot_dimension_numbers<[1], [0], [0], [1], [0, 0, 1, 1], [], []>, transpose_lhs_hint = false} : vector<8192x16xf32>, vector<16x128xf32>, vector<8192x128xf32> -> vector<8192x128xf32>
    %add3A_184 = arith.addf %max3A_178, %dot_general3A_183 : vector<8192x128xf32>
    %reduce_sum3A = arith.constant dense<0.000000e+00> : vector<8192xf32>
    %reduce_sum3A_185 = vector.multi_reduction <add>, %add3A_184, %reduce_sum3A [1] : vector<8192x128xf32> to vector<8192xf32>
    %broadcast_in_dim3A_186 = vector.shape_cast %reduce_sum3A_185 : vector<8192xf32> to vector<8192x1xf32>
    %div3A_187 = arith.constant 1.280000e+02 : f32
    %div3A_188 = vector.broadcast %div3A_187 : f32 to vector<8192x1xf32>
    %div3A_189 = arith.divf %broadcast_in_dim3A_186, %div3A_188 : vector<8192x1xf32>
    %sub3A_190 = vector.broadcast %div3A_189 : vector<8192x1xf32> to vector<8192x128xf32>
    %sub3A_191 = arith.subf %add3A_184, %sub3A_190 : vector<8192x128xf32>
    %integer_pow3A = arith.mulf %sub3A_191, %sub3A_191 : vector<8192x128xf32>
    %reduce_sum3A_192 = arith.constant dense<0.000000e+00> : vector<8192xf32>
    %reduce_sum3A_193 = vector.multi_reduction <add>, %integer_pow3A, %reduce_sum3A_192 [1] : vector<8192x128xf32> to vector<8192xf32>
    %broadcast_in_dim3A_194 = vector.shape_cast %reduce_sum3A_193 : vector<8192xf32> to vector<8192x1xf32>
    %div3A_195 = arith.constant 1.280000e+02 : f32
    %div3A_196 = vector.broadcast %div3A_195 : f32 to vector<8192x1xf32>
    %div3A_197 = arith.divf %broadcast_in_dim3A_194, %div3A_196 : vector<8192x1xf32>
    %sub3A_198 = vector.broadcast %div3A_189 : vector<8192x1xf32> to vector<8192x128xf32>
    %sub3A_199 = arith.subf %add3A_184, %sub3A_198 : vector<8192x128xf32>
    %add3A_200 = arith.constant 9.99999974E-6 : f32
    %add3A_201 = vector.broadcast %add3A_200 : f32 to vector<8192x1xf32>
    %add3A_202 = arith.addf %div3A_197, %add3A_201 : vector<8192x1xf32>
    %sqrt3A_203 = math.sqrt %add3A_202 : vector<8192x1xf32>
    %div3A_204 = vector.broadcast %sqrt3A_203 : vector<8192x1xf32> to vector<8192x128xf32>
    %div3A_205 = arith.divf %sub3A_199, %div3A_204 : vector<8192x128xf32>
    %get3A_206 = arith.constant 0 : index
    %get3A_207 = arith.constant 0 : index
    %get3A_208 = vector.load %arg12[%get3A_206, %get3A_207] : memref<1x128xf32, #tpu.memory_space<vmem>>, vector<1x128xf32>
    %mul3A_209 = vector.broadcast %get3A_208 : vector<1x128xf32> to vector<8192x128xf32>
    %mul3A_210 = arith.mulf %div3A_205, %mul3A_209 : vector<8192x128xf32>
    %get3A_211 = arith.constant 0 : index
    %get3A_212 = arith.constant 0 : index
    %get3A_213 = vector.load %arg13[%get3A_211, %get3A_212] : memref<1x128xf32, #tpu.memory_space<vmem>>, vector<1x128xf32>
    %add3A_214 = vector.broadcast %get3A_213 : vector<1x128xf32> to vector<8192x128xf32>
    %add3A_215 = arith.addf %mul3A_210, %add3A_214 : vector<8192x128xf32>
    %logistic3A = arith.negf %add3A_215 : vector<8192x128xf32>
    %logistic3A_216 = math.exp %logistic3A : vector<8192x128xf32>
    %logistic3A_217 = arith.constant 1.000000e+00 : f32
    %logistic3A_218 = vector.broadcast %logistic3A_217 : f32 to vector<8192x128xf32>
    %logistic3A_219 = arith.addf %logistic3A_218, %logistic3A_216 : vector<8192x128xf32>
    %logistic3A_220 = arith.divf %logistic3A_218, %logistic3A_219 : vector<8192x128xf32>
    %mul3A_221 = arith.mulf %add3A_215, %logistic3A_220 : vector<8192x128xf32>
    %convert_element_type3A_222 = arith.truncf %mul3A_221 : vector<8192x128xf32> to vector<8192x128xbf16>
    %get3A_223 = arith.constant 0 : index
    %get3A_224 = arith.constant 0 : index
    %get3A_225 = vector.load %arg14[%get3A_223, %get3A_224] : memref<128x128xf32, #tpu.memory_space<vmem>>, vector<128x128xf32>
    %convert_element_type3A_226 = arith.truncf %get3A_225 : vector<128x128xf32> to vector<128x128xbf16>
    %dot_general3A_227 = arith.constant dense<0.000000e+00> : vector<8192x128xf32>
    %dot_general3A_228 = tpu.matmul %convert_element_type3A_222, %convert_element_type3A_226, %dot_general3A_227 {dimension_numbers = #tpu.dot_dimension_numbers<[1], [0], [0], [1], [0, 0, 1, 1], [], []>, transpose_lhs_hint = false} : vector<8192x128xbf16>, vector<128x128xbf16>, vector<8192x128xf32> -> vector<8192x128xf32>
    %get3A_229 = arith.constant 0 : index
    %get3A_230 = arith.constant 0 : index
    %get3A_231 = vector.load %arg15[%get3A_229, %get3A_230] : memref<1x128xf32, #tpu.memory_space<vmem>>, vector<1x128xf32>
    %add3A_232 = vector.broadcast %get3A_231 : vector<1x128xf32> to vector<8192x128xf32>
    %add3A_233 = arith.addf %dot_general3A_228, %add3A_232 : vector<8192x128xf32>
    %get3A_234 = arith.constant 0 : index
    %get3A_235 = arith.constant 0 : index
    %get3A_236 = vector.load %arg4[%get3A_234, %get3A_235] : memref<16x8192xf32, #tpu.memory_space<vmem>>, vector<16x8192xf32>
    %get3A_237 = arith.constant 0 : index
    %get3A_238 = arith.constant 0 : index
    %get3A_239 = vector.load %arg16[%get3A_237, %get3A_238] : memref<16x128xf32, #tpu.memory_space<vmem>>, vector<16x128xf32>
    %dot_general3A_240 = arith.constant dense<0.000000e+00> : vector<8192x128xf32>
    %dot_general3A_241 = tpu.matmul %get3A_236, %get3A_239, %dot_general3A_240 {dimension_numbers = #tpu.dot_dimension_numbers<[0], [0], [1], [1], [0, 1, 1, 1], [], []>, transpose_lhs_hint = false} : vector<16x8192xf32>, vector<16x128xf32>, vector<8192x128xf32> -> vector<8192x128xf32>
    %get3A_242 = arith.constant 0 : index
    %get3A_243 = arith.constant 0 : index
    %get3A_244 = vector.load %arg17[%get3A_242, %get3A_243] : memref<1x128xf32, #tpu.memory_space<vmem>>, vector<1x128xf32>
    %add3A_245 = vector.broadcast %get3A_244 : vector<1x128xf32> to vector<8192x128xf32>
    %add3A_246 = arith.addf %dot_general3A_241, %add3A_245 : vector<8192x128xf32>
    %add3A_247 = arith.addf %add3A_246, %add3A_233 : vector<8192x128xf32>
    %swap3A = arith.constant 0 : index
    %swap3A_248 = arith.constant 0 : index
    %swap3A_249 = vector.load %arg18[%swap3A, %swap3A_248] : memref<8192x128xf32, #tpu.memory_space<vmem>>, vector<8192x128xf32>
    tpu.vector_store %arg18[%swap3A, %swap3A_248], %add3A_247 {strides = array<i32>} : memref<8192x128xf32, #tpu.memory_space<vmem>>, vector<8192x128xf32>,
    return
  }
  func.func @transform_0(%arg0: i32) -> (i32, i32) {
    %c0_i32 = arith.constant 0 : i32
    %c0_i32_0 = arith.constant 0 : i32
    return %arg0, %c0_i32 : i32, i32
  }
  func.func @transform_1(%arg0: i32) -> i32 {
    %c0_i32 = arith.constant 0 : i32
    return %arg0 : i32
  }
  func.func @transform_2(%arg0: i32) -> (i32, i32) {
    %c0_i32 = arith.constant 0 : i32
    %c0_i32_0 = arith.constant 0 : i32
    %c0_i32_1 = arith.constant 0 : i32
    return %c0_i32, %c0_i32_0 : i32, i32
  }
  func.func @transform_3(%arg0: i32) -> (i32, i32) {
    %c0_i32 = arith.constant 0 : i32
    %c0_i32_0 = arith.constant 0 : i32
    return %c0_i32, %arg0 : i32, i32
  }
  func.func @transform_4(%arg0: i32) -> (i32, i32) {
    %c0_i32 = arith.constant 0 : i32
    %c0_i32_0 = arith.constant 0 : i32
    %c0_i32_1 = arith.constant 0 : i32
    return %c0_i32, %c0_i32_0 : i32, i32
  }
  func.func @transform_5(%arg0: i32) -> (i32, i32) {
    %c0_i32 = arith.constant 0 : i32
    %c0_i32_0 = arith.constant 0 : i32
    %c0_i32_1 = arith.constant 0 : i32
    return %c0_i32, %c0_i32_0 : i32, i32
  }
  func.func @transform_6(%arg0: i32) -> (i32, i32) {
    %c0_i32 = arith.constant 0 : i32
    %c0_i32_0 = arith.constant 0 : i32
    %c0_i32_1 = arith.constant 0 : i32
    return %c0_i32, %c0_i32_0 : i32, i32
  }
  func.func @transform_7(%arg0: i32) -> (i32, i32) {
    %c0_i32 = arith.constant 0 : i32
    %c0_i32_0 = arith.constant 0 : i32
    %c0_i32_1 = arith.constant 0 : i32
    return %c0_i32, %c0_i32_0 : i32, i32
  }
  func.func @transform_8(%arg0: i32) -> (i32, i32) {
    %c0_i32 = arith.constant 0 : i32
    %c0_i32_0 = arith.constant 0 : i32
    %c0_i32_1 = arith.constant 0 : i32
    return %c0_i32, %c0_i32_0 : i32, i32
  }
  func.func @transform_9(%arg0: i32) -> (i32, i32) {
    %c0_i32 = arith.constant 0 : i32
    %c0_i32_0 = arith.constant 0 : i32
    %c0_i32_1 = arith.constant 0 : i32
    return %c0_i32, %c0_i32_0 : i32, i32
  }
  func.func @transform_10(%arg0: i32) -> (i32, i32) {
    %c0_i32 = arith.constant 0 : i32
    %c0_i32_0 = arith.constant 0 : i32
    %c0_i32_1 = arith.constant 0 : i32
    return %c0_i32, %c0_i32_0 : i32, i32
  }
  func.func @transform_11(%arg0: i32) -> (i32, i32) {
    %c0_i32 = arith.constant 0 : i32
    %c0_i32_0 = arith.constant 0 : i32
    %c0_i32_1 = arith.constant 0 : i32
    return %c0_i32, %c0_i32_0 : i32, i32
  }
  func.func @transform_12(%arg0: i32) -> (i32, i32) {
    %c0_i32 = arith.constant 0 : i32
    %c0_i32_0 = arith.constant 0 : i32
    %c0_i32_1 = arith.constant 0 : i32
    return %c0_i32, %c0_i32_0 : i32, i32
  }
  func.func @transform_13(%arg0: i32) -> (i32, i32) {
    %c0_i32 = arith.constant 0 : i32
    %c0_i32_0 = arith.constant 0 : i32
    %c0_i32_1 = arith.constant 0 : i32
    return %c0_i32, %c0_i32_0 : i32, i32
  }
  func.func @transform_14(%arg0: i32) -> (i32, i32) {
    %c0_i32 = arith.constant 0 : i32
    %c0_i32_0 = arith.constant 0 : i32
    %c0_i32_1 = arith.constant 0 : i32
    return %c0_i32, %c0_i32_0 : i32, i32
  }
  func.func @transform_15(%arg0: i32) -> (i32, i32) {
    %c0_i32 = arith.constant 0 : i32
    %c0_i32_0 = arith.constant 0 : i32
    %c0_i32_1 = arith.constant 0 : i32
    return %c0_i32, %c0_i32_0 : i32, i32
  }
  func.func @transform_16(%arg0: i32) -> (i32, i32) {
    %c0_i32 = arith.constant 0 : i32
    %c0_i32_0 = arith.constant 0 : i32
    %c0_i32_1 = arith.constant 0 : i32
    return %c0_i32, %c0_i32_0 : i32, i32
  }
  func.func @transform_17(%arg0: i32) -> (i32, i32) {
    %c0_i32 = arith.constant 0 : i32
    %c0_i32_0 = arith.constant 0 : i32
    return %arg0, %c0_i32 : i32, i32
  }
}

</mosaic_0001>

<sc_bundles>
// kernel: kernel.9.cloned.1.call-start
scs
__scs_entry_jumppad:
0x0: {  	(pc) =	sbr.rel $0x88, $3  }
0x1: {  	(tag) =	ssettag $0x0;
	lr =	simm.s32 $0x1  }
0x2: {  	[smem:$0x3F84] =	sst lr;
	_ =	strace $0xD0000000  }
0x3: {  	_ = 	snop  }
0x4: {  	_ = 	snop  }
0x5: {  	_ = 	snop  }
0x6: {  	_ = 	snop  }
0x7: {  	_ = 	snop  }
__scs_overlays_trampoline_lowered:
0x8: {  	[smem:$0x3F93] =	sst s0  }
0x9: {  	[smem:$0x3F94] =	sst s1  }
0xa: {  	[smem:$0x3F95] =	sst s2  }
0xb: {  	[smem:$0x3F96] =	sst s3  }
0xc: {  	[smem:$0x3F97] =	sst s4  }
0xd: {  	[smem:$0x3F98] =	sst s5  }
0xe: {  	[smem:$0x3F99] =	sst s6  }
0xf: {  	[smem:$0x3F9A] =	sst s7  }
0x10: {  	[smem:$0x3F9B] =	sst s8  }
0x11: {  	[smem:$0x3F9C] =	sst s9;
	s0 =	simm.s32 @!p0 $0x0  }
0x12: {  	s1 =	sld [smem:$0x3F82];
	s0 =	simm.s32 @p0 $0x1  }
0x13: {  	[smem:$0x3F9D] =	sst s0;
	s0 =	simm.s32 @!p1 $0x0  }
0x14: {  	s2 =	sld [smem:$0x3F81];
	s0 =	simm.s32 @p1 $0x1  }
0x15: {  	[smem:$0x3F9E] =	sst s0;
	s0 =	simm.s32 @!p2 $0x0  }
0x16: {  	s3 =	sld [smem:$0x3FDB];
	s0 =	simm.s32 @p2 $0x1  }
0x17: {  	s4 =	simm.s32 $0x1BF5;
	[smem:$0x3FA0] =	sst s0  }
0x18: {  	s0 =	sld [smem:$0x3F83];
	_ =	swait.ge [sflag:s4], $0x0  }
0x19: {  	s7 =	sld [smem:$0x3F84]  }
0x1a: {  	s8 =	sadd.s32 $0xFFFFE003, lr  }
0x1b: {  	s9 =	sadd.s32 $0xFFFFFEF7, lr;
	s5 =	simm.s32 $0xFFFFFFFF;
	p2 =	slt.u32 s8, $0xFFFFF086  }
0x1c: {  	p1 =	slt.u32 s9, $0xF7A;
	s5 =	simm.s32 @!p2 $0x0  }
0x1d: {  	s5 =	simm.s32 @p1 $0x1;
	p0 =	seq.s32 s7, s2  }
0x1e: {  	s7 =	smul.u32 @!p0 $0xF7A, s2;
	p2 =	seq.s32 @!p0 s5, $0x0  }
0x1f: {  	s9 =	smul.u32 $0xF7A, s1;
	s8 =	simm.s32 @!p0 $0x1BF5;
	p2 =	por !p2, p0  }
0x20: {  	[sflag:s8] =	ssyncset.s32 @!p0 $0xFFFFF086;
	s6 =	sadd.s32 @!p0 s3, s7;
	s7 =	simm.s32 @!p0 $0x108  }
0x21: {  	s3 =	sadd.s32 s3, s9;
	s6 =	sadd.s32 @!p0 $0x88, s6;
	s7 =	simm.s32 @p2 $0x1082  }
0x22: {  	[simem:s7], [sflag:s8] =	dma.local @!p0 [hbm:s6], $0xF7A  }
0x23: {  	s9 =	sor.u32 $0xD0000000, s2;
	s6 =	simm.s32 $0x108;
	_ =	swait.ge @!p0 [sflag:s8], $0x0  }
0x24: {  	s3 =	sadd.s32 $0x88, s3;
	s6 =	simm.s32 @!p1 $0x1082;
	[sflag:s4] =	ssyncset.s32 $0xFFFFF086  }
0x25: {  	[simem:s6], [sflag:s4] =	dma.local [hbm:s3], $0xF7A  }
0x26: {  	[smem:$0x3F84] =	sst s1;
	(tag) =	ssettag s2;
	_ =	strace s9  }
0x27: {  	s1 =	sld [smem:$0x3F94]  }
0x28: {  	s2 =	sld [smem:$0x3F95]  }
0x29: {  	s4 =	sld [smem:$0x3F97]  }
0x2a: {  	p0 =	seq.s32 s5, $0x0;
	s5 =	sld [smem:$0x3F98]  }
0x2b: {  	s6 =	sld [smem:$0x3F99]  }
0x2c: {  	s7 =	sld [smem:$0x3F9A]  }
0x2d: {  	s3 =	simm.s32 $0x108;
	s8 =	sld [smem:$0x3F9B]  }
0x2e: {  	s3 =	simm.s32 @!p0 $0x1082;
	s9 =	sld [smem:$0x3F9C]  }
0x2f: {  	lr =	sadd.s32 s0, s3;
	s0 =	sld [smem:$0x3F93]  }
0x30: {  	s3 =	sld [smem:$0x3F96]  }
0x31: {  	[smem:$0x3F9F] =	sst s10  }
0x32: {  	s10 =	sld [smem:$0x3F9D];
	_ =	sdelay $0x3  }
0x33: {  	p0 =	seq.s32 s10, $0x1;
	s10 =	sld [smem:$0x3F9F];
	_ =	sdelay $0x3  }
0x34: {  	[smem:$0x3F9F] =	sst s10  }
0x35: {  	s10 =	sld [smem:$0x3F9E];
	_ =	sdelay $0x3  }
0x36: {  	p1 =	seq.s32 s10, $0x1;
	s10 =	sld [smem:$0x3F9F];
	_ =	sdelay $0x3  }
0x37: {  	[smem:$0x3F9F] =	sst s10  }
0x38: {  	s10 =	sld [smem:$0x3FA0]  }
0x39: {  	_ = 	snop;
	(pc) =	sbr.ind lr, $3  }
0x3a: {  	_ = 	snop  }
0x3b: {  	_ = 	snop  }
0x3c: {  	p2 =	seq.s32 s10, $0x1;
	s10 =	sld [smem:$0x3F9F]  }
0x3d: {  	_ =	shalt  }
0x3e: {  	_ =	shalt  }
0x3f: {  	_ =	shalt  }
0x40: {  	_ =	shalt  }
0x41: {  	_ =	shalt  }
0x42: {  	_ =	shalt  }
0x43: {  	_ =	shalt  }
0x44: {  	_ =	shalt  }
0x45: {  	_ =	shalt  }
0x46: {  	_ =	shalt  }
0x47: {  	_ =	shalt  }
0x48: {  	_ =	shalt  }
0x49: {  	_ =	shalt  }
0x4a: {  	_ =	shalt  }
0x4b: {  	_ =	shalt  }
0x4c: {  	_ =	shalt  }
0x4d: {  	_ =	shalt  }
0x4e: {  	_ =	shalt  }
0x4f: {  	_ =	shalt  }
0x50: {  	_ =	shalt  }
0x51: {  	_ =	shalt  }
0x52: {  	_ =	shalt  }
0x53: {  	_ =	shalt  }
0x54: {  	_ =	shalt  }
0x55: {  	_ =	shalt  }
0x56: {  	_ =	shalt  }
0x57: {  	_ =	shalt  }
0x58: {  	_ =	shalt  }
0x59: {  	_ =	shalt  }
0x5a: {  	_ =	shalt  }
0x5b: {  	_ =	shalt  }
0x5c: {  	_ =	shalt  }
0x5d: {  	_ =	shalt  }
0x5e: {  	_ =	shalt  }
0x5f: {  	_ =	shalt  }
0x60: {  	_ =	shalt  }
0x61: {  	_ =	shalt  }
0x62: {  	_ =	shalt  }
0x63: {  	_ =	shalt  }
0x64: {  	_ =	shalt  }
0x65: {  	_ =	shalt  }
0x66: {  	_ =	shalt  }
0x67: {  	_ =	shalt  }
0x68: {  	_ =	shalt  }
0x69: {  	_ =	shalt  }
0x6a: {  	_ =	shalt  }
0x6b: {  	_ =	shalt  }
0x6c: {  	_ =	shalt  }
0x6d: {  	_ =	shalt  }
0x6e: {  	_ =	shalt  }
0x6f: {  	_ =	shalt  }
0x70: {  	_ =	shalt  }
0x71: {  	_ =	shalt  }
0x72: {  	_ =	shalt  }
0x73: {  	_ =	shalt  }
0x74: {  	_ =	shalt  }
0x75: {  	_ =	shalt  }
0x76: {  	_ =	shalt  }
0x77: {  	_ =	shalt  }
0x78: {  	_ =	shalt  }
0x79: {  	_ =	shalt  }
0x7a: {  	_ =	shalt  }
0x7b: {  	_ =	shalt  }
0x7c: {  	_ =	shalt  }
0x7d: {  	_ =	shalt  }
0x7e: {  	_ =	shalt  }
0x7f: {  	_ =	shalt  }
0x80: {  	_ =	shalt  }
0x81: {  	_ =	shalt  }
0x82: {  	_ =	shalt  }
0x83: {  	_ =	shalt  }
0x84: {  	_ =	shalt  }
0x85: {  	_ =	shalt  }
0x86: {  	_ =	shalt  }
0x87: {  	_ =	shalt  }
.Lfunc_end0:
.L_simem_size_0:
called_computation_lowered:
.L_overlay_start_0:
0x88: {  	s2 =	sld [smem:$0x3FD9]  }
0x89: {  	s3 =	sld [smem:$0x3FFE];
	_ =	sdelay $0x1  }
0x8a: {  	s1 =	srdreg.scid  }
0x8b: {  	s0 =	sand.u32 $0x1, s1  }
0x8c: {  	s14 =	sshll.u32 s0, $0xA;
	s2 =	sadd.s32 s3, s2  }
0x8d: {  	s2 =	sadd.s32 s2, s14  }
0x8e: {  	[smem:$0x3FAB] =	sst s2  }
0x8f: {  	_ = 	snop  }
0x90: {  	s2 =	sld [smem:$0x3FD0];
	_ =	sdelay $0x2  }
0x91: {  	s15 =	simm.s32 $0xA;
	s4 =	simm.s32 $0x10  }
0x92: {  	[smem:s4], [sflag:s15] =	dma.local [hbm:s2], $0x1  }
0x93: {  	_ =	swait.eq [sflag:s15], $0x1  }
0x94: {  	[sflag:s15] =	ssyncset.done $0x0  }
0x95: {  	[sflag:s15] =	ssyncadd.s32 $0xFFFFFFFF  }
0x96: {  	s16 =	sld [smem:$0x11];
	(tm) =	ssettm $0x1  }
0x97: {  	s17 =	sld [smem:$0x3FFB];
	_ =	sdelay $0x3  }
0x98: {  	_ =	strace s17  }
0x99: {  	s3 =	sld [smem:$0x3FFC];
	_ =	sdelay $0x3  }
0x9a: {  	_ =	strace s3  }
0x9b: {  	s3 =	sld [smem:$0x3FFD];
	_ =	sdelay $0x3  }
0x9c: {  	_ =	strace s3  }
0x9d: {  	_ =	strace $0x8FFFFFFF  }
0x9e: {  	s18 =	sld [smem:$0x3FDB];
	_ =	sdelay $0x1  }
0x9f: {  	s19 =	simm.s32 $_scs_section_size  }
0xa0: {  	s5 =	simm.s32 $_size__tile_overlayer_lowered;
	s6 =	simm.s32 $_tile_overlayer_lowered  }
0xa1: {  	s22 =	simm.s32 $0x1BFF;
	s21 =	sshll.u32 s6, $0x1;
	s3 =	sadd.s32 s19, s18  }
0xa2: {  	s7 =	simm.s32 $0x0;
	s20 =	sshll.u32 s5, $0x1;
	s5 =	sadd.s32 s21, s3  }
0xa3: {  	[timem:s7], [sflag:s22] =	dma.local [hbm:s5], s20  }
0xa4: {  	_ =	swait.ge [sflag:s22], s20  }
0xa5: {  	s4 =	ssub.s32 $0x0, s20;
	[sflag:s22] =	ssyncset.done $0x0  }
0xa6: {  	[sflag:s22] =	ssyncadd.s32 s4;
	_ =	sdelay $0x1  }
0xa7: {  	s23 =	simm.s32 $0x1B8B  }
0xa8: {  	_ =	swait.ge [sflag:s23], $0x1  }
0xa9: {  	[sflag:s23] =	ssyncset.done $0x0  }
0xaa: {  	s25 =	simm.s32 $0x1B8E;
	s24 =	sld [smem:$0x3FFE];
	[sflag:s23] =	ssyncadd.s32 $0xFFFFFFFF  }
0xab: {  	s26 =	simm.s32 $execute0_lowered;
	[smem:$0x3FD2] =	sst s25  }
0xac: {  	s5 =	sshll.u32 s26, $0x1;
	_ =	strace $0x80000046;
	[dreg:$0x1] =	wrdreg $0xFFFFFFFF  }
0xad: {  	s28 =	simm.s32 $_size_execute0_lowered;
	s3 =	sadd.s32 s3, s5;
	[dreg:$0x0] =	wrdreg $0x0  }
0xae: {  	s5 =	sshll.u32 s28, $0x1;
	[dreg:$0x2] =	wrdreg s3  }
0xaf: {  	[dreg:$0x3] =	wrdreg s5  }
0xb0: {  	[dreg:$0x4] =	wrdreg $0xC0  }
0xb1: {  	_ =	task [dreg:s7], $0x5FFFF  }
0xb2: {  	[dreg:$0x1] =	wrdreg $0xFFFFFFFF  }
0xb3: {  	[dreg:$0x0] =	wrdreg $0x60  }
0xb4: {  	[dreg:$0x2] =	wrdreg s24  }
0xb5: {  	[dreg:$0x3] =	wrdreg s16  }
0xb6: {  	[dreg:$0x4] =	wrdreg $0xA2000  }
0xb7: {  	[dreg:$0x5] =	wrdreg $0x9  }
0xb8: {  	_ =	task.clear_ibuf [dreg:s7], $0x6FFFF;
	_ =	strace $0x90000046  }
0xb9: {  	s29 =	simm.s32 $0x9;
	_ =	strace $0x80000048  }
0xba: {  	_ =	swait.ge [sflag:s29], $0x1  }
0xbb: {  	[sflag:s29] =	ssyncadd.s32 $0xFFFFFFFF  }
0xbc: {  	_ =	strace $0x90000048  }
0xbd: {  	_ =	sfence  }
0xbe: {  	s30 =	sld [smem:$0x0];
	_ =	sdelay $0x2  }
0xbf: {  	s31 =	sshll.u32 s1, $0xD;
	s1 =	sshrl.u32 s1, $0x2  }
0xc0: {  	s3 =	sand.u32 $0x4000, s31;
	s1 =	sadd.s32 s1, s30  }
0xc1: {  	s0 =	sor.u32 s3, s0;
	s1 =	sshll.u32 s1, $0x11  }
0xc2: {  	s0 =	sor.u32 s1, s0  }
0xc3: {  	s0 =	sadd.s32 $0x8F2B, s0  }
0xc4: {  	[sflag:s0] =	ssyncadd.remote.s32 $0x1  }
0xc5: {  	_ =	sfence.sel $0xFFFF  }
0xc6: {  	[dreg:$0x0] =	wrdreg $0xFFFFFFFF;
	(pc) =	sbr.abs _section_cstart, $3  }
0xc7: {  	[dreg:$0x1] =	wrdreg $0xFFFFFFFF  }
0xc8: {  	_ =	task.clear_ibuf [dreg:s7], $0x2FFFF;
	_ =	strace $0x9FFFFFFF  }
0xc9: {  	(tm) =	ssettm $0x7FFFFFFF  }
tec
execute0_lowered:
.L_overlay_start_1:
0x0: {  	(tag) =	ssettag $0x1  }
0x1: {  	s0 =	rddreg [dreg:$0x0]  }
0x2: {  	s10 =	rddreg [dreg:$0x1]  }
0x3: {  	s1 =	rddreg [dreg:$0x2];
	s2 =	simm.s32 $0x0;
	s5 =	srdreg.scid  }
0x4: {  	s12 =	stileid.u32;
	s28 =	simm.s32 $0x5200;
	s29 =	simm.s32 $0x80  }
0x5: {  	s31 =	simm.s32 $0x2A00;
	s30 =	simm.s32 $0x4;
	[smem:$0x7FF] =	sst s2  }
0x6: {  	s3 =	sadd.s32 $0x1B000, s0;
	s4 =	sadd.s32 $0x569400, s0;
	s13 =	sand.u32 $0x1, s5  }
0x7: {  	s7 =	sshll.u32 s12, $0x1;
	s5 =	sadd.s32 $0x51B000, s0;
	s6 =	sadd.s32 $0x542200, s0  }
0x8: {  	s8 =	sadd.s32 $0x10E00, s0;
	s9 =	sadd.s32 $0x7000, s0;
	s11 =	sadd.s32 $0x590600, s0  }
0x9: {  	s7 =	sor.u32 s13, s7;
	s15 =	ssub.s32 $0x2, s13;
	s13 =	smul.u32 $0x27100, s13  }
0xa: {  	p0 =	sne.s32 s12, $0x0;
	s12 =	simm.s32 $0x7A00;
	s14 =	smul.u32 $0xA, s7  }
0xb: {  	_ =	strace $0x80000047;
	[dreg:$0x4] =	wrdreg s11;
	s16 =	smul.u32 $0x50, s7  }
0xc: {  	s11 =	sadd.s32 $0x5B7800, s0;
	s20 =	sshrl.u32 s15, $0x1;
	s17 =	smul.u32 $0x500, s7  }
0xd: {  	s18 =	sor.u32 $0x40, s7;
	s19 =	sor.u32 $0x60, s7;
	s10 =	sadd.s32 s10, s13  }
0xe: {  	s0 =	ssub.s32 s15, s20;
	s21 =	sadd.s32 s8, s14;
	[dreg:$0xb] =	wrdreg s10  }
0xf: {  	s13 =	simm.s32 $0x0;
	s14 =	sadd.s32 s9, s14;
	[dreg:$0x5] =	wrdreg s21  }
0x10: {  	s22 =	sadd.s32 $0xA00, s16;
	s23 =	sadd.s32 s3, s17;
	[dreg:$0x6] =	wrdreg s14  }
0x11: {  	s0 =	smax.u32 s0, $0x1;
	s16 =	sshrl.u32 @!p0 s1, $0x3;
	[dreg:$0x7] =	wrdreg s23  }
.Ltmp0:
0x12: {  	s24 =	sshrl.u32 s22, $0x3;
	[dreg:$0xc] =	wrdreg s0;
	(pc) =	sbr.rel .LBB2_1-.Ltmp0, $4  }
0x13: {  	s10 =	simm.s32 $0x3;
	[dreg:$0xd] =	wrdreg s16;
	s25 =	sadd.s32 s8, s24  }
0x14: {  	s15 =	sshll.u32 s22, $0x4;
	s14 =	sadd.s32 s9, s24;
	[dreg:$0x8] =	wrdreg s25  }
0x15: {  	s0 =	simm.s32 $0x2;
	s26 =	sadd.s32 s3, s15;
	[dreg:$0x9] =	wrdreg s14  }
0x16: {  	s24 =	simm.s32 $0x200;
	[dreg:$0xa] =	wrdreg s26;
	s26 =	simm.s32 $0x50  }
.LBB2_9:
0x17: {  	[bflag:$0x0] =	sbarrier.arrive $0xFFFF  }
0x18: {  	s15 =	rddreg [dreg:$0xb]  }
0x19: {  	s14 =	simm.s32 @!p0 $0x1C04;
	s16 =	rddreg [dreg:$0xd]  }
0x1a: {  	[hbm:s15], [sflag:s14] =	dma.local @!p0 [spmem:s16], $0x27100  }
0x1b: {  	s14 =	simm.s32 @!p0 $0x4  }
0x1c: {  	_ =	swait.ge @!p0 [sflag:s14], $0x27100  }
0x1d: {  	s13 =	sadd.s32 $0x1, s13;
	s25 =	rddreg [dreg:$0xc]  }
0x1e: {  	p1 =	sne.s32 s13, s25  }
.Ltmp1:
0x1f: {  	_ = 	snop;
	(pc) =	sbr.rel @!p1 .LBB2_10-.Ltmp1, $3  }
0x20: {  	_ =	sdelay $0x1  }
0x21: {  	[sflag:s14] =	ssyncset.done @!p0 $0x0  }
0x22: {  	[sflag:s14] =	ssyncadd.s32 @!p0 $0xFFFD8F00  }
.LBB2_1:
0x23: {  	s14 =	simm.s32 @!p0 $0x1C04;
	s15 =	rddreg [dreg:$0x4]  }
0x24: {  	[spmem:s16], [sflag:s14] =	dma.local @!p0 [hbm:s15], $0x27100  }
0x25: {  	s14 =	simm.s32 @!p0 $0x4  }
0x26: {  	_ =	swait.ge @!p0 [sflag:s14], $0x27100  }
0x27: {  	[sflag:s14] =	ssyncset.done @!p0 $0x0  }
0x28: {  	[sflag:s14] =	ssyncadd.s32 @!p0 $0xFFFD8F00  }
0x29: {  	[bflag:$0x0] =	sbarrier.arrive $0xFFFF  }
0x2a: {  	s25 =	rddreg [dreg:$0x5]  }
0x2b: {  	[tilespmem:s2], [sflag:$0x1] =	stream.linear.gather [hbm4b:s25+s2], $0x50, $0x38;
	[tilespmem:$0x1DA80] =	vst v63  }
0x2c: {  	s16 =	simm.s32 $0x100;
	s15 =	rddreg [dreg:$0x6]  }
0x2d: {  	[tilespmem:s16], [sflag:$0x1] =	stream.linear.gather [hbm4b:s15+s2], $0x50, $0x38;
	[tilespmem:$0x1DA80] =	vst v63  }
0x2e: {  	s20 =	simm.s32 $0x1;
	s17 =	rddreg [dreg:$0x7]  }
0x2f: {  	[tilespmem:s24], [sflag:$0x1] =	stream.linear.gather [hbm4b:s17+s2], $0x2800, $0x38;
	[tilespmem:$0x1DA80] =	vst v63  }
0x30: {  	_ =	swait.ge [sflag:s20], $0x50  }
0x31: {  	[sflag:s20] =	ssyncset.done $0x0  }
0x32: {  	[sflag:s20] =	ssyncadd.s32 $0xFFFFFFB0  }
0x33: {  	_ =	swait.ge [sflag:s20], $0x50  }
0x34: {  	[sflag:s20] =	ssyncset.done $0x0  }
0x35: {  	[sflag:s20] =	ssyncadd.s32 $0xFFFFFFB0  }
0x36: {  	_ =	swait.ge [sflag:s20], $0x2800  }
0x37: {  	[sflag:s20] =	ssyncset.done $0x0  }
0x38: {  	[sflag:s20] =	ssyncadd.s32 $0xFFFFD800  }
0x39: {  	[tilespmem:s24], [sflag:$0x2] =	stream.indirect.gather.add.f32 [hbm:s4], $0x80, s2, s26, $0xb8;
	[tilespmem:$0x1DA80] =	vst v63  }
0x3a: {  	_ = 	snop  }
0x3b: {  	[tilespmem:s24], [sflag:$0x2] =	stream.indirect.gather.add.f32 [hbm:s5], $0x80, s16, s26, $0xb8;
	[tilespmem:$0x1DA80] =	vst v63  }
0x3c: {  	_ = 	snop  }
0x3d: {  	[tilespmem:s28], [sflag:$0x2] =	stream.indirect.gather [hbm4b:s6+s26], $0x80, s16, s26, $0xb8;
	[tilespmem:$0x1DA80] =	vst v63  }
0x3e: {  	s21 =	rddreg [dreg:$0x8]  }
0x3f: {  	[tilespmem:s29], [sflag:$0x1] =	stream.linear.gather [hbm4b:s21+s2], $0x50, $0x38;
	[tilespmem:$0x1DA80] =	vst v63  }
.Ltmp2:
0x40: {  	_ = 	snop;
	(pc) =	sbr.rel .LBB2_2-.Ltmp2, $4  }
0x41: {  	s23 =	simm.s32 $0x180;
	s22 =	rddreg [dreg:$0x9]  }
0x42: {  	[tilespmem:s23], [sflag:$0x1] =	stream.linear.gather [hbm4b:s22+s2], $0x50, $0x38;
	[tilespmem:$0x1DA80] =	vst v63  }
0x43: {  	s14 =	simm.s32 $0x0;
	s25 =	rddreg [dreg:$0xa]  }
0x44: {  	[tilespmem:s31], [sflag:$0x1] =	stream.linear.gather [hbm4b:s25+s2], $0x2800, $0x38;
	[tilespmem:$0x1DA80] =	vst v63  }
.LBB2_8:
0x45: {  	p1 =	sgt.u32 s14, $0x3C  }
0x46: {  	s15 =	sadd.s32 @!p1 s19, s15  }
0x47: {  	s16 =	smul.u32 @!p1 $0xA, s15;
	_ =	sdelay $0x1  }
0x48: {  	s20 =	simm.s32 @!p1 $0x0;
	s21 =	simm.s32 @!p1 $0x80;
	s17 =	sadd.s32 @!p1 s8, s16  }
0x49: {  	[tilespmem:s21], [sflag:$0x1] =	stream.linear.gather @!p1 [hbm4b:s17+s20], $0x50, $0x38;
	[tilespmem:$0x1DA80] =	vst v63  }
0x4a: {  	s15 =	smul.u32 @!p1 $0x500, s15;
	s16 =	sadd.s32 @!p1 s9, s16;
	s17 =	simm.s32 @!p1 $0x180  }
0x4b: {  	[tilespmem:s17], [sflag:$0x1] =	stream.linear.gather @!p1 [hbm4b:s16+s20], $0x50, $0x38;
	[tilespmem:$0x1DA80] =	vst v63  }
0x4c: {  	s14 =	sadd.s32 $0x1, s14;
	s15 =	sadd.s32 @!p1 s3, s15;
	s16 =	simm.s32 @!p1 $0x2A00  }
0x4d: {  	[tilespmem:s16], [sflag:$0x1] =	stream.linear.gather @!p1 [hbm4b:s15+s20], $0x2800, $0x38;
	[tilespmem:$0x1DA80] =	vst v63  }
0x4e: {  	p1 =	sne.s32 s14, $0x3F  }
.Ltmp3:
0x4f: {  	_ = 	snop;
	(pc) =	sbr.rel @!p1 .LBB2_9-.Ltmp3, $1  }
0x50: {  	_ =	sdelay $0x3  }
.LBB2_2:
0x51: {  	s15 =	sshll.u32 s14, $0x6  }
0x52: {  	s16 =	sor.u32 $0x20, s15  }
0x53: {  	p1 =	sgt.u32 s16, $0xF9F  }
0x54: {  	s17 =	simm.s32 @!p1 $0x1  }
0x55: {  	_ =	swait.ge @!p1 [sflag:s17], $0x50  }
0x56: {  	[sflag:s17] =	ssyncset.done @!p1 $0x0  }
0x57: {  	[sflag:s17] =	ssyncadd.s32 @!p1 $0xFFFFFFB0  }
0x58: {  	_ =	swait.ge @!p1 [sflag:s17], $0x50  }
0x59: {  	[sflag:s17] =	ssyncset.done @!p1 $0x0  }
0x5a: {  	[sflag:s17] =	ssyncadd.s32 @!p1 $0xFFFFFFB0  }
0x5b: {  	_ =	swait.ge @!p1 [sflag:s17], $0x2800  }
0x5c: {  	s20 =	simm.s32 @!p1 $0x80;
	[sflag:s17] =	ssyncset.done @!p1 $0x0  }
0x5d: {  	s21 =	simm.s32 @!p1 $0x2A00;
	[sflag:s17] =	ssyncadd.s32 @!p1 $0xFFFFD800;
	s17 =	simm.s32 @!p1 $0x50  }
0x5e: {  	[tilespmem:s21], [sflag:$0x3] =	stream.indirect.gather.add.f32 @!p1 [hbm:s4], $0x80, s20, s17, $0xb8;
	[tilespmem:$0x1DA80] =	vst v63  }
0x5f: {  	s20 =	simm.s32 @!p1 $0x180  }
0x60: {  	[tilespmem:s21], [sflag:$0x3] =	stream.indirect.gather.add.f32 @!p1 [hbm:s5], $0x80, s20, s17, $0xb8;
	[tilespmem:$0x1DA80] =	vst v63  }
0x61: {  	s21 =	simm.s32 @!p1 $0x7A00  }
0x62: {  	[tilespmem:s21], [sflag:$0x3] =	stream.indirect.gather @!p1 [hbm4b:s6+s17], $0x80, s20, s17, $0xb8;
	[tilespmem:$0x1DA80] =	vst v63  }
0x63: {  	_ =	swait.ge [sflag:s0], $0x2800  }
0x64: {  	[sflag:s0] =	ssyncset.done $0x0  }
0x65: {  	[sflag:s0] =	ssyncadd.s32 $0xFFFFD800  }
0x66: {  	_ =	swait.ge [sflag:s0], $0x2800  }
0x67: {  	[sflag:s0] =	ssyncset.done $0x0  }
0x68: {  	[sflag:s0] =	ssyncadd.s32 $0xFFFFD800  }
0x69: {  	_ =	swait.ge [sflag:s0], $0x2800  }
0x6a: {  	[sflag:s0] =	ssyncset.done $0x0  }
0x6b: {  	s23 =	simm.s32 $0x0;
	[sflag:s0] =	ssyncadd.s32 $0xFFFFD800  }
0x6c: {  	v0 =	vld [tilespmem:s23+$0x260]  }
0x6d: {  	v1 =	vld [tilespmem:s23+$0x220]  }
0x6e: {  	v2 =	vld [tilespmem:s23+$0x230];
	_ =	sdelay $0x2  }
0x6f: {  	v3 =	vld [tilespmem:s23+$0x200];
	v0 =	vsub.f32 $0.0e+00, v0  }
0x70: {  	v5 =	vld [tilespmem:s23+$0x270];
	v1 =	vsub.f32 $0.0e+00, v1  }
0x71: {  	s20 =	simm.s32 $0x80;
	v7 =	vld [tilespmem:s23+$0x210];
	v2 =	vsub.f32 $0.0e+00, v2;
	v0 =	vmul.f32 $1.442695020e+00, v0  }
0x72: {  	v8 =	vld [tilespmem:s20+$0x260];
	v1 =	vmul.f32 $1.442695020e+00, v1  }
0x73: {  	v9 =	vld [tilespmem:s20+$0x270];
	v2 =	vmul.f32 $1.442695020e+00, v2;
	(erf) = vpow2.f32 v0  }
0x74: {  	v0 =	vld [tilespmem:s20+$0x220];
	(erf) = vpow2.f32 v1  }
0x75: {  	v1 =	vsub.f32 $0.0e+00, v5;
	v5 =	vld [tilespmem:s20+$0x230];
	(erf) = vpow2.f32 v2  }
0x76: {  	v4 =	vld [tilespmem:s23+$0x250];
	v7 =	vsub.f32 $0.0e+00, v7  }
0x77: {  	v8 =	vsub.f32 $0.0e+00, v8;
	v2 =	vsub.f32 $0.0e+00, v3  }
0x78: {  	v7 =	vmul.f32 $1.442695020e+00, v7;
	v1 =	vmul.f32 $1.442695020e+00, v1  }
0x79: {  	v8 =	vmul.f32 $1.442695020e+00, v8;
	v2 =	vmul.f32 $1.442695020e+00, v2;
	v0 =	vsub.f32 $0.0e+00, v0  }
0x7a: {  	v6 =	vld [tilespmem:s23+$0x240];
	v9 =	vsub.f32 $0.0e+00, v9;
	(erf) = vpow2.f32 v1;
	v1 =	vsub.f32 $0.0e+00, v5  }
0x7b: {  	v10 =	vld [tilespmem:s20+$0x250];
	(erf) = vpow2.f32 v2;
	v2 =	vsub.f32 $0.0e+00, v4;
	v0 =	vmul.f32 $1.442695020e+00, v0  }
0x7c: {  	s17 =	simm.s32 $0x100;
	v11 =	vld [tilespmem:s20+$0x240];
	(erf) = vpow2.f32 v7;
	v1 =	vmul.f32 $1.442695020e+00, v1;
	v7 =	vpop (erf)  }
0x7d: {  	v12 =	vld [tilespmem:s17+$0x260];
	v2 =	vmul.f32 $1.442695020e+00, v2;
	(erf) = vpow2.f32 v8;
	v8 =	vpop (erf)  }
0x7e: {  	v3 =	vld [tilespmem:s20+$0x200];
	(erf) = vpow2.f32 v0;
	v0 =	vmul.f32 $1.442695020e+00, v9;
	v9 =	vpop (erf)  }
0x7f: {  	v5 =	vld [tilespmem:s20+$0x210];
	(erf) = vpow2.f32 v1;
	v9 =	vadd.f32 $1.000000000e+00, v9  }
0x80: {  	v13 =	vld [tilespmem:s17+$0x250];
	(erf) = vpow2.f32 v2  }
0x81: {  	v1 =	vld [tilespmem:s17+$0x220];
	v2 =	vadd.f32 $1.000000000e+00, v8;
	(erf) = vpow2.f32 v0  }
0x82: {  	v14 =	vld [tilespmem:s17+$0x230];
	v18 =	vsub.f32 $0.0e+00, v11;
	v0 =	vadd.f32 $1.000000000e+00, v7;
	(erf) = vrcp.f32 v9  }
0x83: {  	v12 =	vsub.f32 $0.0e+00, v12;
	v4 =	vld [tilespmem:s17+$0x200];
	v3 =	vsub.f32 $0.0e+00, v3;
	v9 =	vpop (erf);
	(erf) = vrcp.f32 v2  }
0x84: {  	v5 =	vsub.f32 $0.0e+00, v5;
	v7 =	vld [tilespmem:s17+$0x270];
	v2 =	vsub.f32 $0.0e+00, v6;
	v6 =	vpop (erf);
	(erf) = vrcp.f32 v0  }
0x85: {  	v15 =	vld [tilespmem:s23+$0x5260];
	v12 =	vmul.f32 $1.442695020e+00, v12;
	v3 =	vmul.f32 $1.442695020e+00, v3;
	v0 =	vsub.f32 $0.0e+00, v10;
	v10 =	vpop (erf)  }
0x86: {  	v16 =	vld [tilespmem:s17+$0x210];
	v5 =	vmul.f32 $1.442695020e+00, v5;
	v1 =	vsub.f32 $0.0e+00, v1;
	v2 =	vmul.f32 $1.442695020e+00, v2;
	v11 =	vpop (erf)  }
0x87: {  	v17 =	vld [tilespmem:s23+$0x5230];
	v20 =	vmul.f32 $1.442695020e+00, v0;
	v0 =	vadd.f32 $1.000000000e+00, v6;
	(erf) = vpow2.f32 v3;
	v6 =	vpop (erf)  }
0x88: {  	v4 =	vsub.f32 $0.0e+00, v4;
	v8 =	vld [tilespmem:s17+$0x240];
	v9 =	vadd.f32 $1.000000000e+00, v9;
	(erf) = vpow2.f32 v2;
	v21 =	vpop (erf)  }
0x89: {  	v19 =	vld [tilespmem:s23+$0x5220];
	v1 =	vmul.f32 $1.442695020e+00, v1;
	v7 =	vsub.f32 $0.0e+00, v7;
	(erf) = vrcp.f32 v0;
	v22 =	vpop (erf)  }
0x8a: {  	s21 =	simm.s32 $0x180;
	v23 =	vld [tilespmem:s23+$0x5270];
	v29 =	vmul.f32 $1.442695020e+00, v4;
	v0 =	vsub.f32 $0.0e+00, v14;
	(erf) = vpow2.f32 v5;
	v5 =	vpop (erf)  }
0x8b: {  	v26 =	vld [tilespmem:s21+$0x230];
	v13 =	vsub.f32 $0.0e+00, v13;
	v28 =	vmul.f32 $1.442695020e+00, v7;
	(erf) = vrcp.f32 v9;
	v24 =	vpop (erf)  }
0x8c: {  	v27 =	vld [tilespmem:s21+$0x240];
	v7 =	vsub.f32 $0.0e+00, v16;
	v25 =	vmul.f32 $1.442695020e+00, v0;
	(erf) = vpow2.f32 v12;
	v12 =	vpop (erf)  }
0x8d: {  	v3 =	vld [tilespmem:s23+$0x5200];
	v0 =	vsub.f32 $0.0e+00, v8;
	v8 =	vadd.f32 $1.000000000e+00, v10;
	(erf) = vpow2.f32 v1;
	v1 =	vpop (erf)  }
0x8e: {  	v2 =	vld [tilespmem:s21+$0x200];
	v30 =	vadd.f32 $1.000000000e+00, v11;
	v7 =	vmul.f32 $1.442695020e+00, v7;
	v10 =	vmul.f32 v1, v15  }
0x8f: {  	v14 =	vld [tilespmem:s21+$0x260];
	v11 =	vadd.f32 $1.000000000e+00, v22;
	v17 =	vmul.f32 v24, v17;
	(erf) = vrcp.f32 v8  }
0x90: {  	v24 =	vld [tilespmem:s21+$0x220];
	v12 =	vmul.f32 v12, v19;
	(erf) = vpow2.f32 v25  }
0x91: {  	v16 =	vadd.f32 $1.000000000e+00, v6;
	v9 =	vld [tilespmem:s21+$0x250];
	[tilespmem:s23+$0x5230] =	vst v17;
	v1 =	vmul.f32 $1.442695020e+00, v13;
	v13 =	vpop (erf);
	(erf) = vpow2.f32 v20  }
0x92: {  	v6 =	vadd.f32 $1.000000000e+00, v21;
	v4 =	vadd.f32 $1.000000000e+00, v5;
	v8 =	vld [tilespmem:s21+$0x270];
	[tilespmem:s23+$0x5260] =	vst v10;
	v10 =	vpop (erf);
	(erf) = vrcp.f32 v11  }
0x93: {  	v2 =	vsub.f32 $0.0e+00, v2;
	v5 =	vld [tilespmem:s20+$0x5260];
	[tilespmem:s23+$0x5220] =	vst v12;
	v12 =	vsub.f32 $0.0e+00, v26;
	v11 =	vpop (erf);
	(erf) = vpow2.f32 v28  }
0x94: {  	v25 =	vmul.f32 $1.442695020e+00, v18;
	v15 =	vadd.f32 $1.000000000e+00, v13;
	v17 =	vpop (erf);
	(erf) = vrcp.f32 v6  }
0x95: {  	v19 =	vld [tilespmem:s23+$0x5210];
	v21 =	vsub.f32 $0.0e+00, v24;
	v3 =	vmul.f32 v11, v3;
	(erf) = vrcp.f32 v16;
	v16 =	vpop (erf)  }
0x96: {  	v10 =	vadd.f32 $1.000000000e+00, v10;
	v13 =	vmul.f32 $1.442695020e+00, v12;
	v11 =	vld [tilespmem:s23+$0x5250];
	v24 =	vpop (erf);
	(erf) = vrcp.f32 v30  }
0x97: {  	v6 =	vsub.f32 $0.0e+00, v9;
	v9 =	vld [tilespmem:s23+$0x5240];
	v8 =	vsub.f32 $0.0e+00, v8;
	[tilespmem:s23+$0x5200] =	vst v3;
	v16 =	vmul.f32 v16, v23;
	v12 =	vpop (erf)  }
0x98: {  	v2 =	vmul.f32 $1.442695020e+00, v2;
	v3 =	vsub.f32 $0.0e+00, v14;
	v14 =	vld [tilespmem:s21+$0x210];
	(erf) = vrcp.f32 v10;
	v23 =	vpop (erf)  }
0x99: {  	v20 =	vld [tilespmem:s20+$0x5230];
	v10 =	vmul.f32 $1.442695020e+00, v8;
	v8 =	vadd.f32 $1.000000000e+00, v24;
	(erf) = vpow2.f32 v29;
	[tilespmem:s23+$0x5270] =	vst v16;
	v18 =	vpop (erf)  }
0x9a: {  	s22 =	simm.s32 $0x800;
	s16 =	sor.u32 s7, s16;
	v22 =	vmul.f32 $1.442695020e+00, v3;
	v3 =	vsub.f32 $0.0e+00, v27;
	v16 =	vld [tilespmem:s20+$0x5220];
	(erf) = vpow2.f32 v25;
	v24 =	vpop (erf)  }
.LBB2_3:
0x9b: {  	s25 =	sshra.s32 s22, $0x2;
	p2 =	sne.s32 s22, $0x9E00;
	s22 =	sadd.s32 $0x200, s22;
	v25 =	vld [tilespmem:s20+$0x5200];
	v17 =	vadd.f32 $1.000000000e+00, v17;
	(erf) = vrcp.f32 v15;
	v15 =	vmul.f32 v23, v19;
	v19 =	vpop (erf)  }
0x9c: {  	v30 =	vmul.f32 $1.442695020e+00, v21;
	v24 =	vadd.f32 $1.000000000e+00, v24;
	v23 =	vld [tilespmem:s25+$0x200];
	(erf) = vpow2.f32 v7;
	v7 =	vpop (erf)  }
0x9d: {  	v6 =	vmul.f32 $1.442695020e+00, v6;
	v29 =	vsub.f32 $0.0e+00, v14;
	v26 =	vld [tilespmem:s20+$0x5270];
	v27 =	vpop (erf);
	(erf) = vrcp.f32 v4;
	[tilespmem:s23+$0x5210] =	vst v15  }
0x9e: {  	v11 =	vmul.f32 v19, v11;
	v4 =	vadd.f32 $1.000000000e+00, v7;
	v28 =	vld [tilespmem:s25+$0x260];
	(erf) = vpow2.f32 v22;
	v22 =	vpop (erf)  }
0x9f: {  	v21 =	vmov v0;
	v19 =	vld [tilespmem:s25+$0x250];
	v7 =	vmul.f32 $1.442695020e+00, v29;
	(erf) = vpow2.f32 v30;
	v14 =	vpop (erf)  }
0xa0: {  	v12 =	vadd.f32 $1.000000000e+00, v12;
	v0 =	vmovc v3;
	v15 =	vmul.f32 v27, v20;
	v29 =	vld [tilespmem:s25+$0x230];
	(erf) = vrcp.f32 v17;
	[tilespmem:s23+$0x5250] =	vst v11  }
0xa1: {  	v11 =	vadd.f32 $1.000000000e+00, v18;
	v5 =	vmul.f32 v14, v5;
	v3 =	vld [tilespmem:s25+$0x220];
	(erf) = vpow2.f32 v13;
	v13 =	vpop (erf)  }
0xa2: {  	v18 =	vld [tilespmem:s25+$0x240];
	v14 =	vpop (erf);
	(erf) = vpow2.f32 v1;
	[tilespmem:s20+$0x5230] =	vst v15;
	v9 =	vmul.f32 v13, v9;
	v1 =	vmov v6  }
0xa3: {  	v6 =	vmul.f32 v22, v16;
	v20 =	vld [tilespmem:s25+$0x270];
	v15 =	vadd.f32 $1.000000000e+00, v14;
	[tilespmem:s20+$0x5260] =	vst v5;
	v13 =	vpop (erf);
	(erf) = vrcp.f32 v24  }
0xa4: {  	(erf) = vpow2.f32 v10;
	v5 =	vld [tilespmem:s17+$0x5260];
	v10 =	vadd.f32 $1.000000000e+00, v13;
	v13 =	vpop (erf);
	[tilespmem:s23+$0x5240] =	vst v9;
	s23 =	smov.u32 s20;
	s20 =	smov.u32 s17;
	s17 =	smov.u32 s21  }
0xa5: {  	s21 =	smov.u32 s25;
	v9 =	vsub.f32 $0.0e+00, v29;
	v17 =	vpop (erf);
	(erf) = vrcp.f32 v11;
	v13 =	vmul.f32 v13, v25;
	[tilespmem:s23+$0x5220] =	vst v6;
	v11 =	vld [tilespmem:s23+$0x5250]  }
0xa6: {  	v24 =	vmul.f32 $1.442695020e+00, v21;
	v6 =	vsub.f32 $0.0e+00, v19;
	(erf) = vrcp.f32 v12;
	v19 =	vld [tilespmem:s23+$0x5210];
	v14 =	vpop (erf)  }
.Ltmp4:
0xa7: {  	v21 =	vsub.f32 $0.0e+00, v3;
	v3 =	vsub.f32 $0.0e+00, v28;
	v16 =	vpop (erf);
	(erf) = vrcp.f32 v8;
	[tilespmem:s23+$0x5200] =	vst v13;
	(pc) =	sbr.rel @p2 .LBB2_3-.Ltmp4, $4  }
0xa8: {  	v13 =	vmul.f32 $1.442695020e+00, v9;
	v25 =	vmul.f32 v14, v26;
	v8 =	vsub.f32 $0.0e+00, v20;
	v12 =	vpop (erf);
	v9 =	vld [tilespmem:s23+$0x5240]  }
0xa9: {  	v26 =	vsub.f32 $0.0e+00, v23;
	v22 =	vmul.f32 $1.442695020e+00, v3;
	v14 =	vld [tilespmem:s21+$0x210];
	v23 =	vpop (erf);
	(erf) = vrcp.f32 v10  }
0xaa: {  	v3 =	vsub.f32 $0.0e+00, v18;
	v10 =	vmul.f32 $1.442695020e+00, v8;
	(erf) = vpow2.f32 v2;
	v18 =	vpop (erf);
	v20 =	vld [tilespmem:s20+$0x5230];
	[tilespmem:s23+$0x5270] =	vst v25  }
0xab: {  	v2 =	vmul.f32 $1.442695020e+00, v26;
	v8 =	vadd.f32 $1.000000000e+00, v16;
	v16 =	vld [tilespmem:s20+$0x5220];
	(erf) = vpow2.f32 v24;
	v24 =	vpop (erf)  }
0xac: {  	(erf) = vrcp.f32 v15  }
0xad: {  	v33 =	vpop (erf);
	(erf) = vpow2.f32 v7  }
0xae: {  	v34 =	vmul.f32 $1.442695020e+00, v21;
	v35 =	vpop (erf);
	(erf) = vrcp.f32 v4  }
0xaf: {  	v17 =	vadd.f32 $1.000000000e+00, v17;
	v37 =	vpop (erf);
	(erf) = vpow2.f32 v22  }
0xb0: {  	v25 =	vpop (erf);
	(erf) = vpow2.f32 v34  }
0xb1: {  	v39 =	vpop (erf);
	(erf) = vrcp.f32 v17  }
0xb2: {  	v41 =	vadd.f32 $1.000000000e+00, v24;
	(erf) = vpow2.f32 v13;
	v42 =	vpop (erf)  }
0xb3: {  	v19 =	vmul.f32 v23, v19;
	v43 =	vpop (erf);
	(erf) = vpow2.f32 v1  }
0xb4: {  	v36 =	vld [tilespmem:s20+$0x5200];
	v44 =	vadd.f32 $1.000000000e+00, v18;
	v11 =	vmul.f32 v33, v11;
	v45 =	vpop (erf);
	(erf) = vrcp.f32 v41  }
0xb5: {  	v38 =	vld [tilespmem:s20+$0x5270];
	v46 =	vadd.f32 $1.000000000e+00, v12;
	[tilespmem:s23+$0x5210] =	vst v19;
	v5 =	vmul.f32 v39, v5;
	(erf) = vpow2.f32 v10;
	v49 =	vpop (erf)  }
0xb6: {  	[tilespmem:s23+$0x5250] =	vst v11;
	v50 =	vpop (erf);
	(erf) = vrcp.f32 v44  }
0xb7: {  	[tilespmem:s20+$0x5260] =	vst v5;
	v5 =	vadd.f32 $1.000000000e+00, v45;
	(erf) = vrcp.f32 v46;
	v51 =	vpop (erf)  }
0xb8: {  	v53 =	vpop (erf);
	(erf) = vrcp.f32 v8  }
0xb9: {  	v0 =	vmul.f32 $1.442695020e+00, v0;
	v55 =	vpop (erf);
	(erf) = vrcp.f32 v5  }
0xba: {  	v14 =	vsub.f32 $0.0e+00, v14;
	v56 =	vpop (erf);
	(erf) = vpow2.f32 v2  }
0xbb: {  	v40 =	vmul.f32 v37, v20;
	v11 =	vadd.f32 $1.000000000e+00, v43;
	v58 =	vpop (erf);
	(erf) = vpow2.f32 v0  }
0xbc: {  	v47 =	vmul.f32 v25, v16;
	v7 =	vmul.f32 v42, v9;
	v59 =	vpop (erf)  }
0xbd: {  	v14 =	vmul.f32 $1.442695020e+00, v14;
	[tilespmem:s20+$0x5230] =	vst v40;
	(erf) = vrcp.f32 v11;
	v60 =	vpop (erf)  }
0xbe: {  	v63 =	vadd.f32 $1.000000000e+00, v35;
	v48 =	vld [tilespmem:s17+$0x5260];
	[tilespmem:s23+$0x5240] =	vst v7;
	v4 =	vmul.f32 v49, v36;
	v62 =	vpop (erf)  }
0xbf: {  	[tilespmem:s20+$0x5220] =	vst v47;
	v54 =	vld [tilespmem:s20+$0x5210];
	v7 =	vadd.f32 $1.000000000e+00, v50;
	v22 =	vpop (erf);
	(erf) = vpow2.f32 v14  }
0xc0: {  	v6 =	vmul.f32 $1.442695020e+00, v6;
	v52 =	vld [tilespmem:s20+$0x5250];
	[tilespmem:s20+$0x5200] =	vst v4;
	v24 =	vpop (erf);
	(erf) = vrcp.f32 v63  }
0xc1: {  	v1 =	vmul.f32 v51, v38;
	v15 =	vld [tilespmem:s17+$0x5230];
	v0 =	vadd.f32 $1.000000000e+00, v59;
	v25 =	vpop (erf);
	(erf) = vrcp.f32 v7  }
0xc2: {  	v2 =	vadd.f32 $1.000000000e+00, v58;
	v27 =	vpop (erf);
	(erf) = vpow2.f32 v6  }
0xc3: {  	v35 =	vmul.f32 $1.442695020e+00, v3;
	v57 =	vld [tilespmem:s20+$0x5240];
	[tilespmem:s20+$0x5270] =	vst v1;
	v28 =	vadd.f32 $1.000000000e+00, v55;
	v29 =	vpop (erf);
	(erf) = vrcp.f32 v0  }
0xc4: {  	v30 =	vadd.f32 $1.000000000e+00, v53;
	v61 =	vld [tilespmem:s17+$0x5220];
	v4 =	vmul.f32 v56, v54;
	v32 =	vpop (erf);
	(erf) = vrcp.f32 v2  }
0xc5: {  	v21 =	vld [tilespmem:s17+$0x5200];
	v1 =	vmul.f32 v60, v52;
	v33 =	vadd.f32 $1.000000000e+00, v32;
	(erf) = vrcp.f32 v28  }
0xc6: {  	v23 =	vld [tilespmem:s17+$0x5270];
	[tilespmem:s20+$0x5210] =	vst v4;
	v8 =	vmul.f32 v22, v15;
	v34 =	vpop (erf);
	(erf) = vrcp.f32 v30  }
0xc7: {  	[tilespmem:s20+$0x5250] =	vst v1;
	v26 =	vmul.f32 v25, v48;
	(erf) = vrcp.f32 v33  }
0xc8: {  	[tilespmem:s17+$0x5230] =	vst v8;
	v4 =	vmul.f32 v27, v57;
	v38 =	vpop (erf);
	(erf) = vpow2.f32 v35  }
0xc9: {  	v31 =	vmul.f32 v24, v61;
	[tilespmem:s17+$0x5260] =	vst v26;
	v40 =	vpop (erf)  }
0xca: {  	v8 =	vld [tilespmem:s21+$0x5260];
	[tilespmem:s20+$0x5240] =	vst v4;
	v36 =	vmul.f32 v34, v21;
	v43 =	vpop (erf)  }
0xcb: {  	[tilespmem:s17+$0x5220] =	vst v31;
	v39 =	vld [tilespmem:s17+$0x5210];
	v45 =	vpop (erf)  }
0xcc: {  	v37 =	vld [tilespmem:s17+$0x5250];
	[tilespmem:s17+$0x5200] =	vst v36;
	v46 =	vpop (erf)  }
0xcd: {  	v44 =	vld [tilespmem:s21+$0x5230];
	v1 =	vmul.f32 v40, v23;
	v47 =	vpop (erf)  }
0xce: {  	v41 =	vadd.f32 $1.000000000e+00, v29;
	v49 =	vpop (erf)  }
0xcf: {  	v11 =	vadd.f32 $1.000000000e+00, v62;
	v42 =	vld [tilespmem:s17+$0x5240];
	[tilespmem:s17+$0x5270] =	vst v1;
	v51 =	vpop (erf)  }
0xd0: {  	v2 =	vadd.f32 $1.000000000e+00, v38;
	(erf) = vrcp.f32 v41;
	v4 =	vmul.f32 v43, v39;
	v1 =	vld [tilespmem:s21+$0x5220];
	v53 =	vpop (erf)  }
0xd1: {  	(erf) = vrcp.f32 v11;
	v9 =	vadd.f32 $1.000000000e+00, v45;
	v48 =	vld [tilespmem:s21+$0x5200];
	v0 =	vmul.f32 v46, v37;
	v55 =	vpop (erf)  }
0xd2: {  	v50 =	vld [tilespmem:s21+$0x5270];
	[tilespmem:s17+$0x5210] =	vst v4;
	v52 =	vmul.f32 v47, v44;
	(erf) = vrcp.f32 v2;
	v3 =	vadd.f32 $1.000000000e+00, v55  }
0xd3: {  	[tilespmem:s17+$0x5250] =	vst v0;
	v54 =	vmul.f32 v51, v8;
	(erf) = vrcp.f32 v9  }
0xd4: {  	[tilespmem:s21+$0x5230] =	vst v52;
	v56 =	vmul.f32 v53, v42;
	(erf) = vrcp.f32 v3  }
0xd5: {  	[tilespmem:s21+$0x5260] =	vst v54  }
0xd6: {  	[tilespmem:s17+$0x5240] =	vst v56  }
0xd7: {  	v2 =	vld [tilespmem:s21+$0x5210]  }
0xd8: {  	v58 =	vld [tilespmem:s21+$0x5250]  }
0xd9: {  	v1 =	vmul.f32 v49, v1;
	v57 =	vpop (erf);
	v59 =	vld [tilespmem:s21+$0x5240]  }
0xda: {  	v0 =	vmul.f32 v57, v48;
	v60 =	vpop (erf)  }
0xdb: {  	[tilespmem:s21+$0x5220] =	vst v1;
	v3 =	vmul.f32 v60, v50;
	v61 =	vpop (erf)  }
0xdc: {  	[tilespmem:s21+$0x5200] =	vst v0;
	v2 =	vmul.f32 v61, v2;
	v62 =	vpop (erf)  }
0xdd: {  	s25 =	sor.u32 s7, s15;
	[tilespmem:s21+$0x5270] =	vst v3;
	v1 =	vmul.f32 v62, v58;
	v63 =	vpop (erf)  }
0xde: {  	s17 =	smul.u32 $0x500, s25;
	[tilespmem:s21+$0x5210] =	vst v2;
	v0 =	vmul.f32 v63, v59  }
0xdf: {  	[tilespmem:s21+$0x5250] =	vst v1  }
0xe0: {  	s17 =	sadd.s32 s11, s17;
	[tilespmem:s21+$0x5240] =	vst v0  }
0xe1: {  	[hbm4b:s17+s2] =	stream.linear.scatter [tilespmem:s24], [sflag:$0x4], $0x2800, $0x38;
	[tilespmem:$0x1DA80] =	vst v63  }
0xe2: {  	_ =	swait.ge [sflag:s30], $0x2800  }
0xe3: {  	p2 =	seq.s32 s14, $0x3E;
	[sflag:s30] =	ssyncset.done $0x0  }
0xe4: {  	s17 =	sadd.s32 @!p2 s18, s15;
	[sflag:s30] =	ssyncadd.s32 $0xFFFFD800  }
0xe5: {  	[spmem:s1] =	stream.indirect.scatter.add.f32 [tilespmem:s28], [sflag:$0x4], $0x80, s2, s26, $0xb8;
	[tilespmem:$0x1DA80] =	vst v63  }
0xe6: {  	s20 =	smul.u32 @!p2 $0xA, s17;
	_ =	swait.ge [sflag:s30], $0x2800  }
0xe7: {  	[sflag:s30] =	ssyncset.done $0x0  }
0xe8: {  	s22 =	simm.s32 @!p2 $0x0;
	s21 =	sadd.s32 @!p2 s8, s20;
	[sflag:s30] =	ssyncadd.s32 $0xFFFFD800  }
0xe9: {  	[tilespmem:s22], [sflag:$0x1] =	stream.linear.gather @!p2 [hbm4b:s21+s22], $0x50, $0x38;
	[tilespmem:$0x1DA80] =	vst v63  }
0xea: {  	s17 =	smul.u32 @!p2 $0x500, s17;
	s20 =	sadd.s32 @!p2 s9, s20;
	s21 =	simm.s32 @!p2 $0x100  }
0xeb: {  	[tilespmem:s21], [sflag:$0x1] =	stream.linear.gather @!p2 [hbm4b:s20+s22], $0x50, $0x38;
	[tilespmem:$0x1DA80] =	vst v63  }
0xec: {  	s17 =	sadd.s32 @!p2 s3, s17;
	s20 =	simm.s32 @!p2 $0x200  }
0xed: {  	[tilespmem:s20], [sflag:$0x1] =	stream.linear.gather @!p2 [hbm4b:s17+s22], $0x2800, $0x38;
	[tilespmem:$0x1DA80] =	vst v63  }
0xee: {  	s17 =	simm.s32 @!p2 $0x1  }
0xef: {  	_ =	swait.ge @!p2 [sflag:s17], $0x50  }
0xf0: {  	[sflag:s17] =	ssyncset.done @!p2 $0x0  }
0xf1: {  	[sflag:s17] =	ssyncadd.s32 @!p2 $0xFFFFFFB0  }
0xf2: {  	_ =	swait.ge @!p2 [sflag:s17], $0x50  }
0xf3: {  	[sflag:s17] =	ssyncset.done @!p2 $0x0  }
0xf4: {  	[sflag:s17] =	ssyncadd.s32 @!p2 $0xFFFFFFB0  }
0xf5: {  	_ =	swait.ge @!p2 [sflag:s17], $0x2800  }
0xf6: {  	[sflag:s17] =	ssyncset.done @!p2 $0x0  }
0xf7: {  	[sflag:s17] =	ssyncadd.s32 @!p2 $0xFFFFD800;
	s17 =	simm.s32 @!p2 $0x50  }
0xf8: {  	[tilespmem:s20], [sflag:$0x2] =	stream.indirect.gather.add.f32 @!p2 [hbm:s4], $0x80, s22, s17, $0xb8;
	[tilespmem:$0x1DA80] =	vst v63  }
.Ltmp5:
0xf9: {  	_ = 	snop;
	(pc) =	sbr.rel @p1 .LBB2_8-.Ltmp5, $4  }
0xfa: {  	_ = 	snop  }
0xfb: {  	[tilespmem:s20], [sflag:$0x2] =	stream.indirect.gather.add.f32 @!p2 [hbm:s5], $0x80, s21, s17, $0xb8;
	[tilespmem:$0x1DA80] =	vst v63  }
0xfc: {  	s20 =	simm.s32 @!p2 $0x5200  }
0xfd: {  	[tilespmem:s20], [sflag:$0x2] =	stream.indirect.gather @!p2 [hbm4b:s6+s17], $0x80, s21, s17, $0xb8;
	[tilespmem:$0x1DA80] =	vst v63  }
0xfe: {  	_ =	swait.ge [sflag:s10], $0x2800  }
0xff: {  	[sflag:s10] =	ssyncset.done $0x0  }
0x100: {  	[sflag:s10] =	ssyncadd.s32 $0xFFFFD800  }
0x101: {  	_ =	swait.ge [sflag:s10], $0x2800  }
0x102: {  	[sflag:s10] =	ssyncset.done $0x0  }
0x103: {  	[sflag:s10] =	ssyncadd.s32 $0xFFFFD800  }
0x104: {  	_ =	swait.ge [sflag:s10], $0x2800  }
0x105: {  	[sflag:s10] =	ssyncset.done $0x0  }
0x106: {  	s23 =	simm.s32 $0x0;
	[sflag:s10] =	ssyncadd.s32 $0xFFFFD800  }
0x107: {  	v0 =	vld [tilespmem:s23+$0x2A60]  }
0x108: {  	v1 =	vld [tilespmem:s23+$0x2A20]  }
0x109: {  	v2 =	vld [tilespmem:s23+$0x2A30];
	_ =	sdelay $0x2  }
0x10a: {  	v3 =	vld [tilespmem:s23+$0x2A00];
	v0 =	vsub.f32 $0.0e+00, v0  }
0x10b: {  	v5 =	vld [tilespmem:s23+$0x2A70];
	v1 =	vsub.f32 $0.0e+00, v1  }
0x10c: {  	s20 =	simm.s32 $0x80;
	v7 =	vld [tilespmem:s23+$0x2A10];
	v2 =	vsub.f32 $0.0e+00, v2;
	v0 =	vmul.f32 $1.442695020e+00, v0  }
0x10d: {  	v8 =	vld [tilespmem:s20+$0x2A60];
	v1 =	vmul.f32 $1.442695020e+00, v1  }
0x10e: {  	v9 =	vld [tilespmem:s20+$0x2A70];
	v2 =	vmul.f32 $1.442695020e+00, v2;
	(erf) = vpow2.f32 v0  }
0x10f: {  	v0 =	vld [tilespmem:s20+$0x2A20];
	(erf) = vpow2.f32 v1  }
0x110: {  	v1 =	vsub.f32 $0.0e+00, v5;
	v5 =	vld [tilespmem:s20+$0x2A30];
	(erf) = vpow2.f32 v2  }
0x111: {  	v4 =	vld [tilespmem:s23+$0x2A50];
	v7 =	vsub.f32 $0.0e+00, v7  }
0x112: {  	v8 =	vsub.f32 $0.0e+00, v8;
	v2 =	vsub.f32 $0.0e+00, v3  }
0x113: {  	v7 =	vmul.f32 $1.442695020e+00, v7;
	v1 =	vmul.f32 $1.442695020e+00, v1  }
0x114: {  	v8 =	vmul.f32 $1.442695020e+00, v8;
	v2 =	vmul.f32 $1.442695020e+00, v2;
	v0 =	vsub.f32 $0.0e+00, v0  }
0x115: {  	v6 =	vld [tilespmem:s23+$0x2A40];
	v9 =	vsub.f32 $0.0e+00, v9;
	(erf) = vpow2.f32 v1;
	v1 =	vsub.f32 $0.0e+00, v5  }
0x116: {  	v10 =	vld [tilespmem:s20+$0x2A50];
	(erf) = vpow2.f32 v2;
	v2 =	vsub.f32 $0.0e+00, v4;
	v0 =	vmul.f32 $1.442695020e+00, v0  }
0x117: {  	s17 =	simm.s32 $0x100;
	v11 =	vld [tilespmem:s20+$0x2A40];
	(erf) = vpow2.f32 v7;
	v1 =	vmul.f32 $1.442695020e+00, v1;
	v7 =	vpop (erf)  }
0x118: {  	v12 =	vld [tilespmem:s17+$0x2A60];
	v2 =	vmul.f32 $1.442695020e+00, v2;
	(erf) = vpow2.f32 v8;
	v8 =	vpop (erf)  }
0x119: {  	v3 =	vld [tilespmem:s20+$0x2A00];
	(erf) = vpow2.f32 v0;
	v0 =	vmul.f32 $1.442695020e+00, v9;
	v9 =	vpop (erf)  }
0x11a: {  	v5 =	vld [tilespmem:s20+$0x2A10];
	(erf) = vpow2.f32 v1;
	v9 =	vadd.f32 $1.000000000e+00, v9  }
0x11b: {  	v13 =	vld [tilespmem:s17+$0x2A50];
	(erf) = vpow2.f32 v2  }
0x11c: {  	v1 =	vld [tilespmem:s17+$0x2A20];
	v2 =	vadd.f32 $1.000000000e+00, v8;
	(erf) = vpow2.f32 v0  }
0x11d: {  	v14 =	vld [tilespmem:s17+$0x2A30];
	v18 =	vsub.f32 $0.0e+00, v11;
	v0 =	vadd.f32 $1.000000000e+00, v7;
	(erf) = vrcp.f32 v9  }
0x11e: {  	v12 =	vsub.f32 $0.0e+00, v12;
	v4 =	vld [tilespmem:s17+$0x2A00];
	v3 =	vsub.f32 $0.0e+00, v3;
	v9 =	vpop (erf);
	(erf) = vrcp.f32 v2  }
0x11f: {  	v5 =	vsub.f32 $0.0e+00, v5;
	v7 =	vld [tilespmem:s17+$0x2A70];
	v2 =	vsub.f32 $0.0e+00, v6;
	v6 =	vpop (erf);
	(erf) = vrcp.f32 v0  }
0x120: {  	v15 =	vld [tilespmem:s23+$0x7A60];
	v12 =	vmul.f32 $1.442695020e+00, v12;
	v3 =	vmul.f32 $1.442695020e+00, v3;
	v0 =	vsub.f32 $0.0e+00, v10;
	v10 =	vpop (erf)  }
0x121: {  	v16 =	vld [tilespmem:s17+$0x2A10];
	v5 =	vmul.f32 $1.442695020e+00, v5;
	v1 =	vsub.f32 $0.0e+00, v1;
	v2 =	vmul.f32 $1.442695020e+00, v2;
	v11 =	vpop (erf)  }
0x122: {  	v17 =	vld [tilespmem:s23+$0x7A30];
	v20 =	vmul.f32 $1.442695020e+00, v0;
	v0 =	vadd.f32 $1.000000000e+00, v6;
	(erf) = vpow2.f32 v3;
	v6 =	vpop (erf)  }
0x123: {  	v4 =	vsub.f32 $0.0e+00, v4;
	v8 =	vld [tilespmem:s17+$0x2A40];
	v9 =	vadd.f32 $1.000000000e+00, v9;
	(erf) = vpow2.f32 v2;
	v21 =	vpop (erf)  }
0x124: {  	v19 =	vld [tilespmem:s23+$0x7A20];
	v1 =	vmul.f32 $1.442695020e+00, v1;
	v7 =	vsub.f32 $0.0e+00, v7;
	(erf) = vrcp.f32 v0;
	v22 =	vpop (erf)  }
0x125: {  	s21 =	simm.s32 $0x180;
	v23 =	vld [tilespmem:s23+$0x7A70];
	v29 =	vmul.f32 $1.442695020e+00, v4;
	v0 =	vsub.f32 $0.0e+00, v14;
	(erf) = vpow2.f32 v5;
	v5 =	vpop (erf)  }
0x126: {  	v26 =	vld [tilespmem:s21+$0x2A30];
	v13 =	vsub.f32 $0.0e+00, v13;
	v28 =	vmul.f32 $1.442695020e+00, v7;
	(erf) = vrcp.f32 v9;
	v24 =	vpop (erf)  }
0x127: {  	v27 =	vld [tilespmem:s21+$0x2A40];
	v7 =	vsub.f32 $0.0e+00, v16;
	v25 =	vmul.f32 $1.442695020e+00, v0;
	(erf) = vpow2.f32 v12;
	v12 =	vpop (erf)  }
0x128: {  	v3 =	vld [tilespmem:s23+$0x7A00];
	v0 =	vsub.f32 $0.0e+00, v8;
	v8 =	vadd.f32 $1.000000000e+00, v10;
	(erf) = vpow2.f32 v1;
	v1 =	vpop (erf)  }
0x129: {  	v2 =	vld [tilespmem:s21+$0x2A00];
	v30 =	vadd.f32 $1.000000000e+00, v11;
	v7 =	vmul.f32 $1.442695020e+00, v7;
	v10 =	vmul.f32 v1, v15  }
0x12a: {  	v14 =	vld [tilespmem:s21+$0x2A60];
	v11 =	vadd.f32 $1.000000000e+00, v22;
	v17 =	vmul.f32 v24, v17;
	(erf) = vrcp.f32 v8  }
0x12b: {  	v24 =	vld [tilespmem:s21+$0x2A20];
	v12 =	vmul.f32 v12, v19;
	(erf) = vpow2.f32 v25  }
0x12c: {  	v16 =	vadd.f32 $1.000000000e+00, v6;
	v9 =	vld [tilespmem:s21+$0x2A50];
	[tilespmem:s23+$0x7A30] =	vst v17;
	v1 =	vmul.f32 $1.442695020e+00, v13;
	v13 =	vpop (erf);
	(erf) = vpow2.f32 v20  }
0x12d: {  	v6 =	vadd.f32 $1.000000000e+00, v21;
	v4 =	vadd.f32 $1.000000000e+00, v5;
	v8 =	vld [tilespmem:s21+$0x2A70];
	[tilespmem:s23+$0x7A60] =	vst v10;
	v10 =	vpop (erf);
	(erf) = vrcp.f32 v11  }
0x12e: {  	v2 =	vsub.f32 $0.0e+00, v2;
	v5 =	vld [tilespmem:s20+$0x7A60];
	[tilespmem:s23+$0x7A20] =	vst v12;
	v12 =	vsub.f32 $0.0e+00, v26;
	v11 =	vpop (erf);
	(erf) = vpow2.f32 v28  }
0x12f: {  	v25 =	vmul.f32 $1.442695020e+00, v18;
	v15 =	vadd.f32 $1.000000000e+00, v13;
	v17 =	vpop (erf);
	(erf) = vrcp.f32 v6  }
0x130: {  	v19 =	vld [tilespmem:s23+$0x7A10];
	v21 =	vsub.f32 $0.0e+00, v24;
	v3 =	vmul.f32 v11, v3;
	(erf) = vrcp.f32 v16;
	v16 =	vpop (erf)  }
0x131: {  	v10 =	vadd.f32 $1.000000000e+00, v10;
	v13 =	vmul.f32 $1.442695020e+00, v12;
	v11 =	vld [tilespmem:s23+$0x7A50];
	v24 =	vpop (erf);
	(erf) = vrcp.f32 v30  }
0x132: {  	v6 =	vsub.f32 $0.0e+00, v9;
	v9 =	vld [tilespmem:s23+$0x7A40];
	v8 =	vsub.f32 $0.0e+00, v8;
	[tilespmem:s23+$0x7A00] =	vst v3;
	v16 =	vmul.f32 v16, v23;
	v12 =	vpop (erf)  }
0x133: {  	v2 =	vmul.f32 $1.442695020e+00, v2;
	v3 =	vsub.f32 $0.0e+00, v14;
	v14 =	vld [tilespmem:s21+$0x2A10];
	(erf) = vrcp.f32 v10;
	v23 =	vpop (erf)  }
0x134: {  	v20 =	vld [tilespmem:s20+$0x7A30];
	v10 =	vmul.f32 $1.442695020e+00, v8;
	v8 =	vadd.f32 $1.000000000e+00, v24;
	(erf) = vpow2.f32 v29;
	[tilespmem:s23+$0x7A70] =	vst v16;
	v18 =	vpop (erf)  }
0x135: {  	s22 =	simm.s32 $0x800;
	v22 =	vmul.f32 $1.442695020e+00, v3;
	v3 =	vsub.f32 $0.0e+00, v27;
	v16 =	vld [tilespmem:s20+$0x7A20];
	(erf) = vpow2.f32 v25;
	v24 =	vpop (erf)  }
.LBB2_6:
0x136: {  	s25 =	sshra.s32 s22, $0x2;
	p1 =	sne.s32 s22, $0x9E00;
	s22 =	sadd.s32 $0x200, s22;
	v25 =	vld [tilespmem:s20+$0x7A00];
	v17 =	vadd.f32 $1.000000000e+00, v17;
	(erf) = vrcp.f32 v15;
	v15 =	vmul.f32 v23, v19;
	v19 =	vpop (erf)  }
0x137: {  	v30 =	vmul.f32 $1.442695020e+00, v21;
	v24 =	vadd.f32 $1.000000000e+00, v24;
	v23 =	vld [tilespmem:s25+$0x2A00];
	(erf) = vpow2.f32 v7;
	v7 =	vpop (erf)  }
0x138: {  	v6 =	vmul.f32 $1.442695020e+00, v6;
	v29 =	vsub.f32 $0.0e+00, v14;
	v26 =	vld [tilespmem:s20+$0x7A70];
	v27 =	vpop (erf);
	(erf) = vrcp.f32 v4;
	[tilespmem:s23+$0x7A10] =	vst v15  }
0x139: {  	v11 =	vmul.f32 v19, v11;
	v4 =	vadd.f32 $1.000000000e+00, v7;
	v28 =	vld [tilespmem:s25+$0x2A60];
	(erf) = vpow2.f32 v22;
	v22 =	vpop (erf)  }
0x13a: {  	v21 =	vmov v0;
	v19 =	vld [tilespmem:s25+$0x2A50];
	v7 =	vmul.f32 $1.442695020e+00, v29;
	(erf) = vpow2.f32 v30;
	v14 =	vpop (erf)  }
0x13b: {  	v12 =	vadd.f32 $1.000000000e+00, v12;
	v0 =	vmovc v3;
	v15 =	vmul.f32 v27, v20;
	v29 =	vld [tilespmem:s25+$0x2A30];
	(erf) = vrcp.f32 v17;
	[tilespmem:s23+$0x7A50] =	vst v11  }
0x13c: {  	v11 =	vadd.f32 $1.000000000e+00, v18;
	v5 =	vmul.f32 v14, v5;
	v3 =	vld [tilespmem:s25+$0x2A20];
	(erf) = vpow2.f32 v13;
	v13 =	vpop (erf)  }
0x13d: {  	v18 =	vld [tilespmem:s25+$0x2A40];
	v14 =	vpop (erf);
	(erf) = vpow2.f32 v1;
	[tilespmem:s20+$0x7A30] =	vst v15;
	v9 =	vmul.f32 v13, v9;
	v1 =	vmov v6  }
0x13e: {  	v6 =	vmul.f32 v22, v16;
	v20 =	vld [tilespmem:s25+$0x2A70];
	v15 =	vadd.f32 $1.000000000e+00, v14;
	[tilespmem:s20+$0x7A60] =	vst v5;
	v13 =	vpop (erf);
	(erf) = vrcp.f32 v24  }
0x13f: {  	(erf) = vpow2.f32 v10;
	v5 =	vld [tilespmem:s17+$0x7A60];
	v10 =	vadd.f32 $1.000000000e+00, v13;
	v13 =	vpop (erf);
	[tilespmem:s23+$0x7A40] =	vst v9;
	s23 =	smov.u32 s20;
	s20 =	smov.u32 s17;
	s17 =	smov.u32 s21  }
0x140: {  	s21 =	smov.u32 s25;
	v9 =	vsub.f32 $0.0e+00, v29;
	v17 =	vpop (erf);
	(erf) = vrcp.f32 v11;
	v13 =	vmul.f32 v13, v25;
	[tilespmem:s23+$0x7A20] =	vst v6;
	v11 =	vld [tilespmem:s23+$0x7A50]  }
0x141: {  	v24 =	vmul.f32 $1.442695020e+00, v21;
	v6 =	vsub.f32 $0.0e+00, v19;
	(erf) = vrcp.f32 v12;
	v19 =	vld [tilespmem:s23+$0x7A10];
	v14 =	vpop (erf)  }
.Ltmp6:
0x142: {  	v21 =	vsub.f32 $0.0e+00, v3;
	v3 =	vsub.f32 $0.0e+00, v28;
	v16 =	vpop (erf);
	(erf) = vrcp.f32 v8;
	[tilespmem:s23+$0x7A00] =	vst v13;
	(pc) =	sbr.rel @p1 .LBB2_6-.Ltmp6, $4  }
0x143: {  	v13 =	vmul.f32 $1.442695020e+00, v9;
	v25 =	vmul.f32 v14, v26;
	v8 =	vsub.f32 $0.0e+00, v20;
	v12 =	vpop (erf);
	v9 =	vld [tilespmem:s23+$0x7A40]  }
0x144: {  	v26 =	vsub.f32 $0.0e+00, v23;
	v22 =	vmul.f32 $1.442695020e+00, v3;
	v14 =	vld [tilespmem:s21+$0x2A10];
	v23 =	vpop (erf);
	(erf) = vrcp.f32 v10  }
0x145: {  	v3 =	vsub.f32 $0.0e+00, v18;
	v10 =	vmul.f32 $1.442695020e+00, v8;
	(erf) = vpow2.f32 v2;
	v18 =	vpop (erf);
	v20 =	vld [tilespmem:s20+$0x7A30];
	[tilespmem:s23+$0x7A70] =	vst v25  }
0x146: {  	v2 =	vmul.f32 $1.442695020e+00, v26;
	v8 =	vadd.f32 $1.000000000e+00, v16;
	v16 =	vld [tilespmem:s20+$0x7A20];
	(erf) = vpow2.f32 v24;
	v24 =	vpop (erf)  }
0x147: {  	(erf) = vrcp.f32 v15  }
0x148: {  	v33 =	vpop (erf);
	(erf) = vpow2.f32 v7  }
0x149: {  	v34 =	vmul.f32 $1.442695020e+00, v21;
	v35 =	vpop (erf);
	(erf) = vrcp.f32 v4  }
0x14a: {  	v17 =	vadd.f32 $1.000000000e+00, v17;
	v37 =	vpop (erf);
	(erf) = vpow2.f32 v22  }
0x14b: {  	v25 =	vpop (erf);
	(erf) = vpow2.f32 v34  }
0x14c: {  	v39 =	vpop (erf);
	(erf) = vrcp.f32 v17  }
0x14d: {  	v41 =	vadd.f32 $1.000000000e+00, v24;
	(erf) = vpow2.f32 v13;
	v42 =	vpop (erf)  }
0x14e: {  	v19 =	vmul.f32 v23, v19;
	v43 =	vpop (erf);
	(erf) = vpow2.f32 v1  }
0x14f: {  	v36 =	vld [tilespmem:s20+$0x7A00];
	v44 =	vadd.f32 $1.000000000e+00, v18;
	v11 =	vmul.f32 v33, v11;
	v45 =	vpop (erf);
	(erf) = vrcp.f32 v41  }
0x150: {  	v38 =	vld [tilespmem:s20+$0x7A70];
	v46 =	vadd.f32 $1.000000000e+00, v12;
	[tilespmem:s23+$0x7A10] =	vst v19;
	v5 =	vmul.f32 v39, v5;
	(erf) = vpow2.f32 v10;
	v49 =	vpop (erf)  }
0x151: {  	[tilespmem:s23+$0x7A50] =	vst v11;
	v50 =	vpop (erf);
	(erf) = vrcp.f32 v44  }
0x152: {  	[tilespmem:s20+$0x7A60] =	vst v5;
	v5 =	vadd.f32 $1.000000000e+00, v45;
	(erf) = vrcp.f32 v46;
	v51 =	vpop (erf)  }
0x153: {  	v53 =	vpop (erf);
	(erf) = vrcp.f32 v8  }
0x154: {  	v0 =	vmul.f32 $1.442695020e+00, v0;
	v55 =	vpop (erf);
	(erf) = vrcp.f32 v5  }
0x155: {  	v14 =	vsub.f32 $0.0e+00, v14;
	v56 =	vpop (erf);
	(erf) = vpow2.f32 v2  }
0x156: {  	v40 =	vmul.f32 v37, v20;
	v11 =	vadd.f32 $1.000000000e+00, v43;
	v58 =	vpop (erf);
	(erf) = vpow2.f32 v0  }
0x157: {  	v47 =	vmul.f32 v25, v16;
	v7 =	vmul.f32 v42, v9;
	v59 =	vpop (erf)  }
0x158: {  	v14 =	vmul.f32 $1.442695020e+00, v14;
	[tilespmem:s20+$0x7A30] =	vst v40;
	(erf) = vrcp.f32 v11;
	v60 =	vpop (erf)  }
0x159: {  	v63 =	vadd.f32 $1.000000000e+00, v35;
	v48 =	vld [tilespmem:s17+$0x7A60];
	[tilespmem:s23+$0x7A40] =	vst v7;
	v4 =	vmul.f32 v49, v36;
	v62 =	vpop (erf)  }
0x15a: {  	[tilespmem:s20+$0x7A20] =	vst v47;
	v54 =	vld [tilespmem:s20+$0x7A10];
	v7 =	vadd.f32 $1.000000000e+00, v50;
	v22 =	vpop (erf);
	(erf) = vpow2.f32 v14  }
0x15b: {  	v6 =	vmul.f32 $1.442695020e+00, v6;
	v52 =	vld [tilespmem:s20+$0x7A50];
	[tilespmem:s20+$0x7A00] =	vst v4;
	v24 =	vpop (erf);
	(erf) = vrcp.f32 v63  }
0x15c: {  	v1 =	vmul.f32 v51, v38;
	v15 =	vld [tilespmem:s17+$0x7A30];
	v0 =	vadd.f32 $1.000000000e+00, v59;
	v25 =	vpop (erf);
	(erf) = vrcp.f32 v7  }
0x15d: {  	v2 =	vadd.f32 $1.000000000e+00, v58;
	v27 =	vpop (erf);
	(erf) = vpow2.f32 v6  }
0x15e: {  	v35 =	vmul.f32 $1.442695020e+00, v3;
	v57 =	vld [tilespmem:s20+$0x7A40];
	[tilespmem:s20+$0x7A70] =	vst v1;
	v28 =	vadd.f32 $1.000000000e+00, v55;
	v29 =	vpop (erf);
	(erf) = vrcp.f32 v0  }
0x15f: {  	v30 =	vadd.f32 $1.000000000e+00, v53;
	v61 =	vld [tilespmem:s17+$0x7A20];
	v4 =	vmul.f32 v56, v54;
	v32 =	vpop (erf);
	(erf) = vrcp.f32 v2  }
0x160: {  	v21 =	vld [tilespmem:s17+$0x7A00];
	v1 =	vmul.f32 v60, v52;
	v33 =	vadd.f32 $1.000000000e+00, v32;
	(erf) = vrcp.f32 v28  }
0x161: {  	v23 =	vld [tilespmem:s17+$0x7A70];
	[tilespmem:s20+$0x7A10] =	vst v4;
	v8 =	vmul.f32 v22, v15;
	v34 =	vpop (erf);
	(erf) = vrcp.f32 v30  }
0x162: {  	[tilespmem:s20+$0x7A50] =	vst v1;
	v26 =	vmul.f32 v25, v48;
	(erf) = vrcp.f32 v33  }
0x163: {  	[tilespmem:s17+$0x7A30] =	vst v8;
	v4 =	vmul.f32 v27, v57;
	v38 =	vpop (erf);
	(erf) = vpow2.f32 v35  }
0x164: {  	v31 =	vmul.f32 v24, v61;
	[tilespmem:s17+$0x7A60] =	vst v26;
	v40 =	vpop (erf)  }
0x165: {  	v8 =	vld [tilespmem:s21+$0x7A60];
	[tilespmem:s20+$0x7A40] =	vst v4;
	v36 =	vmul.f32 v34, v21;
	v43 =	vpop (erf)  }
0x166: {  	[tilespmem:s17+$0x7A20] =	vst v31;
	v39 =	vld [tilespmem:s17+$0x7A10];
	v45 =	vpop (erf)  }
0x167: {  	v37 =	vld [tilespmem:s17+$0x7A50];
	[tilespmem:s17+$0x7A00] =	vst v36;
	v46 =	vpop (erf)  }
0x168: {  	v44 =	vld [tilespmem:s21+$0x7A30];
	v1 =	vmul.f32 v40, v23;
	v47 =	vpop (erf)  }
0x169: {  	v41 =	vadd.f32 $1.000000000e+00, v29;
	v49 =	vpop (erf)  }
0x16a: {  	v11 =	vadd.f32 $1.000000000e+00, v62;
	v42 =	vld [tilespmem:s17+$0x7A40];
	[tilespmem:s17+$0x7A70] =	vst v1;
	v51 =	vpop (erf)  }
0x16b: {  	v2 =	vadd.f32 $1.000000000e+00, v38;
	(erf) = vrcp.f32 v41;
	v4 =	vmul.f32 v43, v39;
	v1 =	vld [tilespmem:s21+$0x7A20];
	v53 =	vpop (erf)  }
0x16c: {  	(erf) = vrcp.f32 v11;
	v9 =	vadd.f32 $1.000000000e+00, v45;
	v48 =	vld [tilespmem:s21+$0x7A00];
	v0 =	vmul.f32 v46, v37;
	v55 =	vpop (erf)  }
0x16d: {  	v50 =	vld [tilespmem:s21+$0x7A70];
	[tilespmem:s17+$0x7A10] =	vst v4;
	v52 =	vmul.f32 v47, v44;
	(erf) = vrcp.f32 v2;
	v3 =	vadd.f32 $1.000000000e+00, v55  }
0x16e: {  	[tilespmem:s17+$0x7A50] =	vst v0;
	v54 =	vmul.f32 v51, v8;
	(erf) = vrcp.f32 v9  }
0x16f: {  	[tilespmem:s21+$0x7A30] =	vst v52;
	v56 =	vmul.f32 v53, v42;
	(erf) = vrcp.f32 v3  }
0x170: {  	[tilespmem:s21+$0x7A60] =	vst v54  }
0x171: {  	[tilespmem:s17+$0x7A40] =	vst v56  }
0x172: {  	v2 =	vld [tilespmem:s21+$0x7A10]  }
0x173: {  	v58 =	vld [tilespmem:s21+$0x7A50]  }
0x174: {  	v1 =	vmul.f32 v49, v1;
	v57 =	vpop (erf);
	v59 =	vld [tilespmem:s21+$0x7A40]  }
0x175: {  	v0 =	vmul.f32 v57, v48;
	v60 =	vpop (erf)  }
0x176: {  	[tilespmem:s21+$0x7A20] =	vst v1;
	v3 =	vmul.f32 v60, v50;
	v61 =	vpop (erf)  }
0x177: {  	[tilespmem:s21+$0x7A00] =	vst v0;
	v2 =	vmul.f32 v61, v2;
	v62 =	vpop (erf)  }
0x178: {  	[tilespmem:s21+$0x7A70] =	vst v3;
	v1 =	vmul.f32 v62, v58;
	v63 =	vpop (erf)  }
0x179: {  	s16 =	smul.u32 $0x500, s16;
	[tilespmem:s21+$0x7A10] =	vst v2;
	v0 =	vmul.f32 v63, v59  }
0x17a: {  	[tilespmem:s21+$0x7A50] =	vst v1  }
0x17b: {  	s16 =	sadd.s32 s11, s16;
	[tilespmem:s21+$0x7A40] =	vst v0  }
0x17c: {  	[hbm4b:s16+s2] =	stream.linear.scatter [tilespmem:s31], [sflag:$0x4], $0x2800, $0x38;
	[tilespmem:$0x1DA80] =	vst v63  }
0x17d: {  	_ =	swait.ge [sflag:s30], $0x2800  }
0x17e: {  	[sflag:s30] =	ssyncset.done $0x0  }
.Ltmp7:
0x17f: {  	[sflag:s30] =	ssyncadd.s32 $0xFFFFD800;
	(pc) =	sbr.rel .LBB2_8-.Ltmp7, $4  }
0x180: {  	[spmem:s1] =	stream.indirect.scatter.add.f32 [tilespmem:s12], [sflag:$0x4], $0x80, s29, s26, $0xb8;
	[tilespmem:$0x1DA80] =	vst v63  }
0x181: {  	_ =	swait.ge [sflag:s30], $0x2800  }
0x182: {  	[sflag:s30] =	ssyncset.done $0x0  }
0x183: {  	[sflag:s30] =	ssyncadd.s32 $0xFFFFD800  }
.LBB2_10:
0x184: {  	_ =	sfence.sel $0x180000  }
0x185: {  	[bflag:$0x0] =	sbarrier.arrive $0xFFFF  }
0x186: {  	_ =	strace $0x90000047  }
0x187: {  	[bflag:$0x2] =	sbarrier.arrive $0xFFFF  }
0x188: {  	s0 =	rddreg [dreg:$0x3]  }
0x189: {  	s0 =	sadd.s32 @!p0 $0x100000, s0  }
0x18a: {  	[sflag:s0] =	ssyncadd.tile.s32 @!p0 $0x1;
	_ =	shalt  }
.Lfunc_end2:
_tile_overlayer_lowered:
.L_overlay_start_2:
0x18b: {  	(tag) =	ssettag $0x2  }
0x18c: {  	s0 =	rddreg [dreg:$0x0];
	s2 =	stileid.u32  }
0x18d: {  	s1 =	rddreg [dreg:$0x1];
	p0 =	sne.s32 s2, $0x0  }
0x18e: {  	s3 =	rddreg [dreg:$0x2];
	[bflag:$0x3] =	sbarrier.arrive $0xFFFF;
	s2 =	simm.s32 @!p0 $0x1C04  }
0x18f: {  	[timem:s3], [sflag:s2] =	dma.local @!p0 [hbm:s0], s1  }
0x190: {  	s0 =	simm.s32 @!p0 $0x4  }
0x191: {  	_ =	swait.ge @!p0 [sflag:s0], s1  }
0x192: {  	s1 =	ssub.s32 @!p0 $0x0, s1;
	[sflag:s0] =	ssyncset.done @!p0 $0x0  }
0x193: {  	[sflag:s0] =	ssyncadd.s32 @!p0 s1  }
0x194: {  	[bflag:$0x3] =	sbarrier.arrive $0xFFFF  }
0x195: {  	_ =	shalt  }

</sc_bundles>
